<compile_context>
chip_gen: v7x
topology: tpu7x:2x2x1
jax: 0.10.2.dev20260603
libtpu: 0.0.44.dev20260713+nightly
codegen_flags: <defaults>
</compile_context>

<pallas_src>
import functools

import jax
import jax.numpy as jnp
from jax import lax
from jax.experimental import pallas as pl
from jax.experimental.pallas import tpu as pltpu
from jax.experimental.pallas import tpu_sc as plsc

N = 10000
E = 320000
D = 128
H = 128
TWOH = 256
G = 128
OUT = 10

_NC = 2
_NS = 16
_NW = _NC * _NS
_C = 80
_NBUF = 2
_ITERS = 128
_EPW = _ITERS * _C
_EPAD = _NW * _EPW
_NPAD = N + 16
_RPS = 624
_TAIL = N - _NS * _RPS


def _make_seg_sum():
    mesh = plsc.VectorSubcoreMesh(core_axis_name="c", subcore_axis_name="s")

    @functools.partial(
        pl.kernel,
        out_type=jax.ShapeDtypeStruct((_NC, N, D), jnp.float32),
        mesh=mesh,
        scratch_types=[
            pltpu.VMEM((_C,), jnp.int32),
            pltpu.VMEM((_C,), jnp.int32),
            pltpu.VMEM((_C,), jnp.int32),
            pltpu.VMEM((_C,), jnp.int32),
            pltpu.VMEM((_C, D), jnp.float32),
            pltpu.VMEM((_C, D), jnp.float32),
            pltpu.VMEM_SHARED((_NPAD, D), jnp.float32),
            pltpu.SemaphoreType.DMA,
            pltpu.SemaphoreType.DMA,
        ],
    )
    def seg_sum(h_hbm, src_hbm, dst_hbm, zeros_hbm, out_hbm,
                sidx0, didx0, sidx1, didx1, rows0, rows1, agg_sh, sem0, sem1):
        sidx = [sidx0, sidx1]
        didx = [didx0, didx1]
        rows = [rows0, rows1]
        sems = [sem0, sem1]
        cid = lax.axis_index("c")
        sid = lax.axis_index("s")
        wid = sid * _NC + cid
        pltpu.sync_copy(zeros_hbm.at[pl.ds(sid * _RPS, _RPS)],
                        agg_sh.at[pl.ds(sid * _RPS, _RPS)])
        @pl.when(sid == 0)
        def _():
            pltpu.sync_copy(zeros_hbm.at[pl.ds(_NS * _RPS, _TAIL)],
                            agg_sh.at[pl.ds(_NS * _RPS, _TAIL)])
        plsc.subcore_barrier()

        base = wid * _EPW

        def stage(slot, j):
            off = base + j * _C
            pltpu.sync_copy(src_hbm.at[pl.ds(off, _C)], sidx[slot])
            pltpu.sync_copy(dst_hbm.at[pl.ds(off, _C)], didx[slot])
            pltpu.async_copy(h_hbm.at[sidx[slot]], rows[slot], sems[slot])

        def drain_scatter(b):
            pltpu.make_async_copy(
                h_hbm.at[pl.ds(0, _C)], rows[b], sems[b]).wait()
            pltpu.sync_copy(rows[b], agg_sh.at[didx[b]], add=True)

        stage(0, 0)

        def body(i, carry):
            j0 = i * _NBUF
            for b in range(_NBUF):
                stage((b + 1) % _NBUF, j0 + b + 1)
                drain_scatter(b)
            return carry

        lax.fori_loop(0, _ITERS // _NBUF - 1, body, 0)
        stage(1, _ITERS - 1)
        drain_scatter(0)
        drain_scatter(1)
        plsc.subcore_barrier()
        pltpu.sync_copy(agg_sh.at[pl.ds(sid * _RPS, _RPS)],
                        out_hbm.at[cid, pl.ds(sid * _RPS, _RPS)])
        @pl.when(sid == 0)
        def _():
            pltpu.sync_copy(agg_sh.at[pl.ds(_NS * _RPS, _TAIL)],
                            out_hbm.at[cid, pl.ds(_NS * _RPS, _TAIL)])

    return seg_sum


_seg_sum_cache = []


def _seg_sum(h, src, dst, zeros):
    if not _seg_sum_cache:
        _seg_sum_cache.append(_make_seg_sum())
    return _seg_sum_cache[0](h, src, dst, zeros)


def _bn_relu(t, g, beta):
    mu = jnp.mean(t, axis=0, keepdims=True)
    var = jnp.mean((t - mu) * (t - mu), axis=0, keepdims=True)
    tn = (t - mu) / jnp.sqrt(var + 1e-5) * g + beta
    return jnp.maximum(tn, 0.0)


def _gin_dense_body(h_ref, a0_ref, a1_ref, sc_ref, w1_ref, b1_ref, g1_ref,
                    be1_ref, w2_ref, b2_ref, out_ref):
    a = sc_ref[0, 0] * h_ref[...] + a0_ref[...] + a1_ref[...]
    t = jnp.dot(a, w1_ref[...], preferred_element_type=jnp.float32)
    t = t + b1_ref[...]
    tn = _bn_relu(t, g1_ref[...], be1_ref[...])
    h2 = jnp.dot(tn, w2_ref[...], preferred_element_type=jnp.float32)
    h2 = h2 + b2_ref[...]
    out_ref[...] = jnp.maximum(h2, 0.0)


def _gin_dense(h, a0, a1, scale, p):
    return pl.pallas_call(
        _gin_dense_body,
        out_shape=jax.ShapeDtypeStruct((N, H), jnp.float32),
    )(h, a0, a1, scale,
      p['W1'], p['b1'].reshape(1, TWOH), p['g1'].reshape(1, TWOH),
      p['beta1'].reshape(1, TWOH), p['W2'], p['b2'].reshape(1, H))


def _head_body(h_ref, a0_ref, a1_ref, sc_ref, w1_ref, b1_ref, g1_ref,
               be1_ref, w2_ref, b2_ref, batch_ref, wo1_ref, bo1_ref, go1_ref,
               beo1_ref, wo2_ref, bo2_ref, go2_ref, beo2_ref, wo3_ref,
               bo3_ref, out_ref):
    a = sc_ref[0, 0] * h_ref[...] + a0_ref[...] + a1_ref[...]
    t = jnp.dot(a, w1_ref[...], preferred_element_type=jnp.float32)
    t = t + b1_ref[...]
    tn = _bn_relu(t, g1_ref[...], be1_ref[...])
    h2 = jnp.dot(tn, w2_ref[...], preferred_element_type=jnp.float32)
    h3 = jnp.maximum(h2 + b2_ref[...], 0.0)
    gid = lax.broadcasted_iota(jnp.int32, (G, N), 0)
    onehot_t = (gid == batch_ref[...]).astype(jnp.float32)
    pooled = jnp.dot(onehot_t, h3, preferred_element_type=jnp.float32,
                     precision=lax.Precision.HIGHEST)
    counts = jnp.dot(onehot_t, jnp.ones((N, 1), jnp.float32),
                     preferred_element_type=jnp.float32,
                     precision=lax.Precision.HIGHEST)
    gr = pooled / jnp.maximum(counts, 1.0)
    o = jnp.dot(gr, wo1_ref[...], preferred_element_type=jnp.float32)
    o = _bn_relu(o + bo1_ref[...], go1_ref[...], beo1_ref[...])
    o = jnp.dot(o, wo2_ref[...], preferred_element_type=jnp.float32)
    o = _bn_relu(o + bo2_ref[...], go2_ref[...], beo2_ref[...])
    logits = jnp.dot(o, wo3_ref[...], preferred_element_type=jnp.float32)
    logits = logits + bo3_ref[...]
    m = jnp.max(logits, axis=1, keepdims=True)
    e = jnp.exp(logits - m)
    out_ref[...] = e / jnp.sum(e, axis=1, keepdims=True)


def _head(h, a0, a1, scale, p, batch_row, po):
    return pl.pallas_call(
        _head_body,
        out_shape=jax.ShapeDtypeStruct((G, OUT), jnp.float32),
    )(h, a0, a1, scale,
      p['W1'], p['b1'].reshape(1, TWOH), p['g1'].reshape(1, TWOH),
      p['beta1'].reshape(1, TWOH), p['W2'], p['b2'].reshape(1, H),
      batch_row,
      po['W1'], po['b1'].reshape(1, TWOH), po['g1'].reshape(1, TWOH),
      po['beta1'].reshape(1, TWOH),
      po['W2'], po['b2'].reshape(1, H), po['g2'].reshape(1, H),
      po['beta2'].reshape(1, H),
      po['W3'], po['b3'].reshape(1, OUT))


def kernel(x, edge_index, batch, params):
    pad = _EPAD - E
    pad_dst = N + (jnp.arange(pad, dtype=jnp.int32) % (_NPAD - N))
    pad_src = jnp.arange(pad, dtype=jnp.int32) % N
    src = jnp.concatenate([edge_index[0], pad_src])
    dst = jnp.concatenate([edge_index[1], pad_dst])
    zeros = jnp.zeros((N, D), jnp.float32)
    batch_row = batch.reshape(1, N)

    h = x
    for l, p in enumerate(params['gin']):
        agg = _seg_sum(h, src, dst, zeros)
        scale = (1.0 + p['eps']).reshape(1, 1)
        if l < 2:
            h = _gin_dense(h, agg[0], agg[1], scale, p)
        else:
            y = _head(h, agg[0], agg[1], scale, p, batch_row, params['out'])
    return (y, y)

# --- scband reference (transcript-rebuilt; emitter-appended) ---
"""Pipeline reference for scband-pseudo-label-classifier-86904368268081 (READ-ONLY COPY).

The authoritative reference and input builder live on the scoring server;
editing this copy changes nothing except your own understanding.
"""

import jax, jax.numpy as jnp
import numpy as np

N = 10000
E = 320000
D = 128
H = 128
G = 128
OUT = 10
N_LAYERS = 3


def _lin_init(key, fan_in, fan_out):
    k1, k2 = jax.random.split(key)
    bound = 1.0 / np.sqrt(fan_in)
    W = jax.random.uniform(k1, (fan_in, fan_out), minval=-bound, maxval=bound, dtype=jnp.float32)
    b = jax.random.uniform(k2, (fan_out,), minval=-bound, maxval=bound, dtype=jnp.float32)
    return W, b


def setup_inputs(seed: int = 0) -> dict:
    key = jax.random.key(seed)
    ks = jax.random.split(key, 32)
    x = jax.random.normal(ks[0], (N, D), dtype=jnp.float32)
    edge_index = jax.random.randint(ks[1], (2, E), 0, N, dtype=jnp.int32)
    batch = jnp.sort(jax.random.randint(ks[2], (N,), 0, G, dtype=jnp.int32))

    params = {}
    # GIN conv layers: nn = Linear -> BN -> ReLU -> Linear
    gin = []
    kidx = 3
    for l in range(N_LAYERS):
        W1, b1 = _lin_init(ks[kidx], D if l == 0 else H, 2 * H); kidx += 1
        W2, b2 = _lin_init(ks[kidx], 2 * H, H); kidx += 1
        gin.append({
            'eps': jnp.zeros((), dtype=jnp.float32),
            'W1': W1, 'b1': b1,
            'g1': jnp.ones((2 * H,), dtype=jnp.float32), 'beta1': jnp.zeros((2 * H,), dtype=jnp.float32),
            'W2': W2, 'b2': b2,
        })
    params['gin'] = gin
    # out MLP: [H, 2H, H, OUT] with BatchNorm+ReLU between hidden layers
    Wo1, bo1 = _lin_init(ks[kidx], H, 2 * H); kidx += 1
    Wo2, bo2 = _lin_init(ks[kidx], 2 * H, H); kidx += 1
    Wo3, bo3 = _lin_init(ks[kidx], H, OUT); kidx += 1
    params['out'] = {
        'W1': Wo1, 'b1': bo1, 'g1': jnp.ones((2 * H,), jnp.float32), 'beta1': jnp.zeros((2 * H,), jnp.float32),
        'W2': Wo2, 'b2': bo2, 'g2': jnp.ones((H,), jnp.float32), 'beta2': jnp.zeros((H,), jnp.float32),
        'W3': Wo3, 'b3': bo3,
    }
    return {'x': x, 'edge_index': edge_index, 'batch': batch, 'params': params}


def _bn(h, g, beta):
    mean = jnp.mean(h, axis=0, keepdims=True)
    var = jnp.var(h, axis=0, keepdims=True)
    return (h - mean) / jnp.sqrt(var + 1e-5) * g + beta


def _gin_layer(x, src, dst, p):
    # message = x[src], scatter-add to dst nodes
    agg = jax.ops.segment_sum(x[src], dst, num_segments=x.shape[0])
    h = (1.0 + p['eps']) * x + agg
    h = h @ p['W1'] + p['b1']
    h = _bn(h, p['g1'], p['beta1'])
    h = jax.nn.relu(h)
    h = h @ p['W2'] + p['b2']
    return h


def _forward(x, edge_index, batch, params):
    src = edge_index[0]
    dst = edge_index[1]
    h = x
    for p in params['gin']:
        h = _gin_layer(h, src, dst, p)
        h = jax.nn.relu(h)
    # global mean pool per graph (graph-level readout)
    sums = jax.ops.segment_sum(h, batch, num_segments=G)
    counts = jax.ops.segment_sum(jnp.ones((h.shape[0],), jnp.float32), batch, num_segments=G)
    graph_repr = sums / jnp.clip(counts, 1.0)[:, None]
    # out MLP (dropout = identity in eval)
    po = params['out']
    o = graph_repr @ po['W1'] + po['b1']
    o = _bn(o, po['g1'], po['beta1'])
    o = jax.nn.relu(o)
    o = o @ po['W2'] + po['b2']
    o = _bn(o, po['g2'], po['beta2'])
    o = jax.nn.relu(o)
    logits = o @ po['W3'] + po['b3']
    # relu_out_e=True, out_shape>1 -> softmax
    y_prob = jax.nn.softmax(logits, axis=-1)
    return y_prob


def reference(x, edge_index, batch, params):
    y_prob = _forward(x, edge_index, batch, params)
    y_pred = y_prob
    return (y_pred, y_prob)

if __name__ == "__main__":
    import jax
    _d = setup_inputs()
    print(jax.jit(kernel)(*tuple(_d.values())))

</pallas_src>

<mosaic_0001>
#map = affine_map<(d0, d1) -> (0, 0)>
#map1 = affine_map<(d0, d1) -> (0)>
#map2 = affine_map<(d0, d1) -> (0, 0, 0)>
module attributes {stable_mosaic.version = 14 : i64} {
  func.func @seg_sum(%arg0: i32, %arg1: i32, %arg2: memref<10000x128xf32, #tpu.memory_space<hbm>>, %arg3: memref<327680xi32, #tpu.memory_space<hbm>>, %arg4: memref<327680xi32, #tpu.memory_space<hbm>>, %arg5: memref<10000x128xf32, #tpu.memory_space<hbm>>, %arg6: memref<2x10000x128xf32, #tpu.memory_space<hbm>>, %arg7: memref<80xi32, #tpu.memory_space<vmem>>, %arg8: memref<80xi32, #tpu.memory_space<vmem>>, %arg9: memref<80xi32, #tpu.memory_space<vmem>>, %arg10: memref<80xi32, #tpu.memory_space<vmem>>, %arg11: memref<80x128xf32, #tpu.memory_space<vmem>>, %arg12: memref<80x128xf32, #tpu.memory_space<vmem>>, %arg13: memref<10016x128xf32, #tpu.memory_space<vmem_shared>>, %arg14: memref<!tpu.dma_semaphore, #tpu.memory_space<semaphore_mem>>, %arg15: memref<!tpu.dma_semaphore, #tpu.memory_space<semaphore_mem>>) attributes {dimension_semantics = [#tpu.dimension_semantics<core_parallel>, #tpu.dimension_semantics<subcore_parallel>], iteration_bounds = array<i64: 2, 16>, scalar_prefetch = 0 : i64, scratch_operands = 9 : i64, tpu.core_type = #tpu.core_type<sc_vector_subcore>, window_params = [{transform_indices = #map}, {transform_indices = #map1}, {transform_indices = #map1}, {transform_indices = #map}, {transform_indices = #map2}]} {
    %mul3A = arith.constant 2 : i32
    %mul3A_0 = arith.muli %arg1, %mul3A : i32
    %add3A = arith.addi %mul3A_0, %arg0 : i32
    %mul3A_1 = arith.constant 624 : i32
    %mul3A_2 = arith.muli %arg1, %mul3A_1 : i32
    %mul3A_3 = arith.constant 624 : i32
    %mul3A_4 = arith.muli %arg1, %mul3A_3 : i32
    "tpu.region"() ({
      %run_scoped3A = tpu.sem_alloc : memref<!tpu.dma_semaphore, #tpu.memory_space<semaphore_mem>>
      %dma_start3A_44 = arith.constant 0 : i32
      %dma_start3A_45 = tpu.memref_slice %arg13[%mul3A_4, %dma_start3A_44] : memref<10016x128xf32, #tpu.memory_space<vmem_shared>> -> memref<624x128xf32, #tpu.memory_space<vmem_shared>>
      %dma_start3A_46 = arith.constant 0 : i32
      %dma_start3A_47 = tpu.memref_slice %arg5[%mul3A_2, %dma_start3A_46] : memref<10000x128xf32, #tpu.memory_space<hbm>> -> memref<624x128xf32, #tpu.memory_space<hbm>>
      tpu.enqueue_dma source(%dma_start3A_47 : memref<624x128xf32, #tpu.memory_space<hbm>>) target(%dma_start3A_45 : memref<624x128xf32, #tpu.memory_space<vmem_shared>>) target_semaphore(%run_scoped3A : memref<!tpu.dma_semaphore, #tpu.memory_space<semaphore_mem>>)
      %dma_wait3A_48 = arith.constant 0 : i32
      %dma_wait3A_49 = tpu.memref_slice %arg13[%mul3A_4, %dma_wait3A_48] : memref<10016x128xf32, #tpu.memory_space<vmem_shared>> -> memref<624x128xf32, #tpu.memory_space<vmem_shared>>
      %dma_wait3A_50 = arith.constant 0 : i32
      %dma_wait3A_51 = tpu.memref_slice %arg5[%mul3A_2, %dma_wait3A_50] : memref<10000x128xf32, #tpu.memory_space<hbm>> -> memref<624x128xf32, #tpu.memory_space<hbm>>
      tpu.wait_dma2 semaphore(%run_scoped3A : memref<!tpu.dma_semaphore, #tpu.memory_space<semaphore_mem>>) src(%dma_wait3A_51 : memref<624x128xf32, #tpu.memory_space<hbm>>) dst(%dma_wait3A_49 : memref<624x128xf32, #tpu.memory_space<vmem_shared>>)
      tpu.yield
    }) : () -> ()
    %eq3A = arith.constant 0 : i32
    %eq3A_5 = arith.cmpi eq, %arg1, %eq3A : i32
    %convert_element_type3A = arith.extui %eq3A_5 : i1 to i32
    %cond3A = arith.constant 0 : i32
    %cond3A_6 = arith.cmpi ne, %convert_element_type3A, %cond3A : i32
    scf.if %cond3A_6 {
      "tpu.region"() ({
        %run_scoped3A = tpu.sem_alloc : memref<!tpu.dma_semaphore, #tpu.memory_space<semaphore_mem>>
        %dma_start3A_44 = arith.constant 9984 : i32
        %dma_start3A_45 = arith.constant 0 : i32
        %dma_start3A_46 = tpu.memref_slice %arg13[%dma_start3A_44, %dma_start3A_45] : memref<10016x128xf32, #tpu.memory_space<vmem_shared>> -> memref<16x128xf32, #tpu.memory_space<vmem_shared>>
        %dma_start3A_47 = arith.constant 9984 : i32
        %dma_start3A_48 = arith.constant 0 : i32
        %dma_start3A_49 = tpu.memref_slice %arg5[%dma_start3A_47, %dma_start3A_48] : memref<10000x128xf32, #tpu.memory_space<hbm>> -> memref<16x128xf32, #tpu.memory_space<hbm>>
        tpu.enqueue_dma source(%dma_start3A_49 : memref<16x128xf32, #tpu.memory_space<hbm>>) target(%dma_start3A_46 : memref<16x128xf32, #tpu.memory_space<vmem_shared>>) target_semaphore(%run_scoped3A : memref<!tpu.dma_semaphore, #tpu.memory_space<semaphore_mem>>)
        %dma_wait3A_50 = arith.constant 9984 : i32
        %dma_wait3A_51 = arith.constant 0 : i32
        %dma_wait3A_52 = tpu.memref_slice %arg13[%dma_wait3A_50, %dma_wait3A_51] : memref<10016x128xf32, #tpu.memory_space<vmem_shared>> -> memref<16x128xf32, #tpu.memory_space<vmem_shared>>
        %dma_wait3A_53 = arith.constant 9984 : i32
        %dma_wait3A_54 = arith.constant 0 : i32
        %dma_wait3A_55 = tpu.memref_slice %arg5[%dma_wait3A_53, %dma_wait3A_54] : memref<10000x128xf32, #tpu.memory_space<hbm>> -> memref<16x128xf32, #tpu.memory_space<hbm>>
        tpu.wait_dma2 semaphore(%run_scoped3A : memref<!tpu.dma_semaphore, #tpu.memory_space<semaphore_mem>>) src(%dma_wait3A_55 : memref<16x128xf32, #tpu.memory_space<hbm>>) dst(%dma_wait3A_52 : memref<16x128xf32, #tpu.memory_space<vmem_shared>>)
        tpu.yield
      }) : () -> ()
    } else {
    }
    %barrier3A = arith.constant 0 : index
    tpu.barrier barrier_id(%barrier3A)
    %mul3A_7 = arith.constant 10240 : i32
    %mul3A_8 = arith.muli %add3A, %mul3A_7 : i32
    %add3A_9 = arith.constant 0 : i32
    %add3A_10 = arith.addi %mul3A_8, %add3A_9 : i32
    "tpu.region"() ({
      %run_scoped3A = tpu.sem_alloc : memref<!tpu.dma_semaphore, #tpu.memory_space<semaphore_mem>>
      %dma_start3A_44 = tpu.memref_slice %arg3[%add3A_10] : memref<327680xi32, #tpu.memory_space<hbm>> -> memref<80xi32, #tpu.memory_space<hbm>>
      %dma_start3A_45 = tpu.memref_slice %arg3[%add3A_10] : memref<327680xi32, #tpu.memory_space<hbm>> -> memref<80xi32, #tpu.memory_space<hbm>>
      tpu.enqueue_dma source(%dma_start3A_45 : memref<80xi32, #tpu.memory_space<hbm>>) target(%arg7 : memref<80xi32, #tpu.memory_space<vmem>>) target_semaphore(%run_scoped3A : memref<!tpu.dma_semaphore, #tpu.memory_space<semaphore_mem>>)
      %dma_wait3A_46 = tpu.memref_slice %arg3[%add3A_10] : memref<327680xi32, #tpu.memory_space<hbm>> -> memref<80xi32, #tpu.memory_space<hbm>>
      %dma_wait3A_47 = tpu.memref_slice %arg3[%add3A_10] : memref<327680xi32, #tpu.memory_space<hbm>> -> memref<80xi32, #tpu.memory_space<hbm>>
      tpu.wait_dma2 semaphore(%run_scoped3A : memref<!tpu.dma_semaphore, #tpu.memory_space<semaphore_mem>>) src(%dma_wait3A_47 : memref<80xi32, #tpu.memory_space<hbm>>) dst(%arg7 : memref<80xi32, #tpu.memory_space<vmem>>)
      tpu.yield
    }) : () -> ()
    "tpu.region"() ({
      %run_scoped3A = tpu.sem_alloc : memref<!tpu.dma_semaphore, #tpu.memory_space<semaphore_mem>>
      %dma_start3A_44 = tpu.memref_slice %arg4[%add3A_10] : memref<327680xi32, #tpu.memory_space<hbm>> -> memref<80xi32, #tpu.memory_space<hbm>>
      %dma_start3A_45 = tpu.memref_slice %arg4[%add3A_10] : memref<327680xi32, #tpu.memory_space<hbm>> -> memref<80xi32, #tpu.memory_space<hbm>>
      tpu.enqueue_dma source(%dma_start3A_45 : memref<80xi32, #tpu.memory_space<hbm>>) target(%arg8 : memref<80xi32, #tpu.memory_space<vmem>>) target_semaphore(%run_scoped3A : memref<!tpu.dma_semaphore, #tpu.memory_space<semaphore_mem>>)
      %dma_wait3A_46 = tpu.memref_slice %arg4[%add3A_10] : memref<327680xi32, #tpu.memory_space<hbm>> -> memref<80xi32, #tpu.memory_space<hbm>>
      %dma_wait3A_47 = tpu.memref_slice %arg4[%add3A_10] : memref<327680xi32, #tpu.memory_space<hbm>> -> memref<80xi32, #tpu.memory_space<hbm>>
      tpu.wait_dma2 semaphore(%run_scoped3A : memref<!tpu.dma_semaphore, #tpu.memory_space<semaphore_mem>>) src(%dma_wait3A_47 : memref<80xi32, #tpu.memory_space<hbm>>) dst(%arg8 : memref<80xi32, #tpu.memory_space<vmem>>)
      tpu.yield
    }) : () -> ()
    %dma_start3A = arith.constant 0 : i32
    %dma_start3A_11 = arith.constant 0 : i32
    %dma_start3A_12 = tpu.memref_slice %arg2[%dma_start3A, %dma_start3A_11] : memref<10000x128xf32, #tpu.memory_space<hbm>> -> memref<10000x128xf32, #tpu.memory_space<hbm>>
    tpu.enqueue_indirect_dma source(%dma_start3A_12 : memref<10000x128xf32, #tpu.memory_space<hbm>>) target(%arg11 : memref<80x128xf32, #tpu.memory_space<vmem>>) offsets(%arg7 : memref<80xi32, #tpu.memory_space<vmem>>) semaphore(%arg14 : memref<!tpu.dma_semaphore, #tpu.memory_space<semaphore_mem>>)
    %scan3A = arith.constant 0 : i32
    %scan3A_13 = arith.constant 0 : i32
    %scan3A_14 = arith.constant 63 : i32
    %scan3A_15 = arith.addi %scan3A_13, %scan3A_14 : i32
    %scan3A_16 = arith.constant 1 : i32
    scf.for %scan3A_44 = %scan3A_13 to %scan3A_15 step %scan3A_16  : i32 {
      %mul3A_45 = arith.constant 2 : i32
      %mul3A_46 = arith.muli %scan3A_44, %mul3A_45 : i32
      %add3A_47 = arith.constant 0 : i32
      %add3A_48 = arith.addi %mul3A_46, %add3A_47 : i32
      %add3A_49 = arith.constant 1 : i32
      %add3A_50 = arith.addi %add3A_48, %add3A_49 : i32
      %mul3A_51 = arith.constant 80 : i32
      %mul3A_52 = arith.muli %add3A_50, %mul3A_51 : i32
      %add3A_53 = arith.addi %mul3A_8, %mul3A_52 : i32
      "tpu.region"() ({
        %run_scoped3A = tpu.sem_alloc : memref<!tpu.dma_semaphore, #tpu.memory_space<semaphore_mem>>
        %dma_start3A_79 = tpu.memref_slice %arg3[%add3A_53] : memref<327680xi32, #tpu.memory_space<hbm>> -> memref<80xi32, #tpu.memory_space<hbm>>
        %dma_start3A_80 = tpu.memref_slice %arg3[%add3A_53] : memref<327680xi32, #tpu.memory_space<hbm>> -> memref<80xi32, #tpu.memory_space<hbm>>
        tpu.enqueue_dma source(%dma_start3A_80 : memref<80xi32, #tpu.memory_space<hbm>>) target(%arg9 : memref<80xi32, #tpu.memory_space<vmem>>) target_semaphore(%run_scoped3A : memref<!tpu.dma_semaphore, #tpu.memory_space<semaphore_mem>>)
        %dma_wait3A_81 = tpu.memref_slice %arg3[%add3A_53] : memref<327680xi32, #tpu.memory_space<hbm>> -> memref<80xi32, #tpu.memory_space<hbm>>
        %dma_wait3A_82 = tpu.memref_slice %arg3[%add3A_53] : memref<327680xi32, #tpu.memory_space<hbm>> -> memref<80xi32, #tpu.memory_space<hbm>>
        tpu.wait_dma2 semaphore(%run_scoped3A : memref<!tpu.dma_semaphore, #tpu.memory_space<semaphore_mem>>) src(%dma_wait3A_82 : memref<80xi32, #tpu.memory_space<hbm>>) dst(%arg9 : memref<80xi32, #tpu.memory_space<vmem>>)
        tpu.yield
      }) : () -> ()
      "tpu.region"() ({
        %run_scoped3A = tpu.sem_alloc : memref<!tpu.dma_semaphore, #tpu.memory_space<semaphore_mem>>
        %dma_start3A_79 = tpu.memref_slice %arg4[%add3A_53] : memref<327680xi32, #tpu.memory_space<hbm>> -> memref<80xi32, #tpu.memory_space<hbm>>
        %dma_start3A_80 = tpu.memref_slice %arg4[%add3A_53] : memref<327680xi32, #tpu.memory_space<hbm>> -> memref<80xi32, #tpu.memory_space<hbm>>
        tpu.enqueue_dma source(%dma_start3A_80 : memref<80xi32, #tpu.memory_space<hbm>>) target(%arg10 : memref<80xi32, #tpu.memory_space<vmem>>) target_semaphore(%run_scoped3A : memref<!tpu.dma_semaphore, #tpu.memory_space<semaphore_mem>>)
        %dma_wait3A_81 = tpu.memref_slice %arg4[%add3A_53] : memref<327680xi32, #tpu.memory_space<hbm>> -> memref<80xi32, #tpu.memory_space<hbm>>
        %dma_wait3A_82 = tpu.memref_slice %arg4[%add3A_53] : memref<327680xi32, #tpu.memory_space<hbm>> -> memref<80xi32, #tpu.memory_space<hbm>>
        tpu.wait_dma2 semaphore(%run_scoped3A : memref<!tpu.dma_semaphore, #tpu.memory_space<semaphore_mem>>) src(%dma_wait3A_82 : memref<80xi32, #tpu.memory_space<hbm>>) dst(%arg10 : memref<80xi32, #tpu.memory_space<vmem>>)
        tpu.yield
      }) : () -> ()
      %dma_start3A_54 = arith.constant 0 : i32
      %dma_start3A_55 = arith.constant 0 : i32
      %dma_start3A_56 = tpu.memref_slice %arg2[%dma_start3A_54, %dma_start3A_55] : memref<10000x128xf32, #tpu.memory_space<hbm>> -> memref<10000x128xf32, #tpu.memory_space<hbm>>
      tpu.enqueue_indirect_dma source(%dma_start3A_56 : memref<10000x128xf32, #tpu.memory_space<hbm>>) target(%arg12 : memref<80x128xf32, #tpu.memory_space<vmem>>) offsets(%arg9 : memref<80xi32, #tpu.memory_space<vmem>>) semaphore(%arg15 : memref<!tpu.dma_semaphore, #tpu.memory_space<semaphore_mem>>)
      %dma_wait3A_57 = arith.constant 0 : i32
      %dma_wait3A_58 = arith.constant 0 : i32
      %dma_wait3A_59 = tpu.memref_slice %arg2[%dma_wait3A_57, %dma_wait3A_58] : memref<10000x128xf32, #tpu.memory_space<hbm>> -> memref<80x128xf32, #tpu.memory_space<hbm>>
      %dma_wait3A_60 = arith.constant 0 : i32
      %dma_wait3A_61 = arith.constant 0 : i32
      %dma_wait3A_62 = tpu.memref_slice %arg2[%dma_wait3A_60, %dma_wait3A_61] : memref<10000x128xf32, #tpu.memory_space<hbm>> -> memref<80x128xf32, #tpu.memory_space<hbm>>
      tpu.wait_dma2 semaphore(%arg14 : memref<!tpu.dma_semaphore, #tpu.memory_space<semaphore_mem>>) src(%dma_wait3A_62 : memref<80x128xf32, #tpu.memory_space<hbm>>) dst(%arg11 : memref<80x128xf32, #tpu.memory_space<vmem>>)
      "tpu.region"() ({
        %run_scoped3A = tpu.sem_alloc : memref<!tpu.dma_semaphore, #tpu.memory_space<semaphore_mem>>
        %dma_start3A_79 = arith.constant 0 : i32
        %dma_start3A_80 = arith.constant 0 : i32
        %dma_start3A_81 = tpu.memref_slice %arg13[%dma_start3A_79, %dma_start3A_80] : memref<10016x128xf32, #tpu.memory_space<vmem_shared>> -> memref<10016x128xf32, #tpu.memory_space<vmem_shared>>
        tpu.enqueue_indirect_dma source(%arg11 : memref<80x128xf32, #tpu.memory_space<vmem>>) target(%dma_start3A_81 : memref<10016x128xf32, #tpu.memory_space<vmem_shared>>) offsets(%arg8 : memref<80xi32, #tpu.memory_space<vmem>>) semaphore(%run_scoped3A : memref<!tpu.dma_semaphore, #tpu.memory_space<semaphore_mem>>) {add = true}
        %dma_wait3A_82 = arith.constant 0 : i32
        %dma_wait3A_83 = arith.constant 0 : i32
        %dma_wait3A_84 = tpu.memref_slice %arg13[%dma_wait3A_82, %dma_wait3A_83] : memref<10016x128xf32, #tpu.memory_space<vmem_shared>> -> memref<10016x128xf32, #tpu.memory_space<vmem_shared>>
        tpu.wait_indirect_dma semaphore(%run_scoped3A : memref<!tpu.dma_semaphore, #tpu.memory_space<semaphore_mem>>) src(%arg11 : memref<80x128xf32, #tpu.memory_space<vmem>>) dst(%dma_wait3A_84 : memref<10016x128xf32, #tpu.memory_space<vmem_shared>>)
        tpu.yield
      }) : () -> ()
      %add3A_63 = arith.constant 1 : i32
      %add3A_64 = arith.addi %mul3A_46, %add3A_63 : i32
      %add3A_65 = arith.constant 1 : i32
      %add3A_66 = arith.addi %add3A_64, %add3A_65 : i32
      %mul3A_67 = arith.constant 80 : i32
      %mul3A_68 = arith.muli %add3A_66, %mul3A_67 : i32
      %add3A_69 = arith.addi %mul3A_8, %mul3A_68 : i32
      "tpu.region"() ({
        %run_scoped3A = tpu.sem_alloc : memref<!tpu.dma_semaphore, #tpu.memory_space<semaphore_mem>>
        %dma_start3A_79 = tpu.memref_slice %arg3[%add3A_69] : memref<327680xi32, #tpu.memory_space<hbm>> -> memref<80xi32, #tpu.memory_space<hbm>>
        %dma_start3A_80 = tpu.memref_slice %arg3[%add3A_69] : memref<327680xi32, #tpu.memory_space<hbm>> -> memref<80xi32, #tpu.memory_space<hbm>>
        tpu.enqueue_dma source(%dma_start3A_80 : memref<80xi32, #tpu.memory_space<hbm>>) target(%arg7 : memref<80xi32, #tpu.memory_space<vmem>>) target_semaphore(%run_scoped3A : memref<!tpu.dma_semaphore, #tpu.memory_space<semaphore_mem>>)
        %dma_wait3A_81 = tpu.memref_slice %arg3[%add3A_69] : memref<327680xi32, #tpu.memory_space<hbm>> -> memref<80xi32, #tpu.memory_space<hbm>>
        %dma_wait3A_82 = tpu.memref_slice %arg3[%add3A_69] : memref<327680xi32, #tpu.memory_space<hbm>> -> memref<80xi32, #tpu.memory_space<hbm>>
        tpu.wait_dma2 semaphore(%run_scoped3A : memref<!tpu.dma_semaphore, #tpu.memory_space<semaphore_mem>>) src(%dma_wait3A_82 : memref<80xi32, #tpu.memory_space<hbm>>) dst(%arg7 : memref<80xi32, #tpu.memory_space<vmem>>)
        tpu.yield
      }) : () -> ()
      "tpu.region"() ({
        %run_scoped3A = tpu.sem_alloc : memref<!tpu.dma_semaphore, #tpu.memory_space<semaphore_mem>>
        %dma_start3A_79 = tpu.memref_slice %arg4[%add3A_69] : memref<327680xi32, #tpu.memory_space<hbm>> -> memref<80xi32, #tpu.memory_space<hbm>>
        %dma_start3A_80 = tpu.memref_slice %arg4[%add3A_69] : memref<327680xi32, #tpu.memory_space<hbm>> -> memref<80xi32, #tpu.memory_space<hbm>>
        tpu.enqueue_dma source(%dma_start3A_80 : memref<80xi32, #tpu.memory_space<hbm>>) target(%arg8 : memref<80xi32, #tpu.memory_space<vmem>>) target_semaphore(%run_scoped3A : memref<!tpu.dma_semaphore, #tpu.memory_space<semaphore_mem>>)
        %dma_wait3A_81 = tpu.memref_slice %arg4[%add3A_69] : memref<327680xi32, #tpu.memory_space<hbm>> -> memref<80xi32, #tpu.memory_space<hbm>>
        %dma_wait3A_82 = tpu.memref_slice %arg4[%add3A_69] : memref<327680xi32, #tpu.memory_space<hbm>> -> memref<80xi32, #tpu.memory_space<hbm>>
        tpu.wait_dma2 semaphore(%run_scoped3A : memref<!tpu.dma_semaphore, #tpu.memory_space<semaphore_mem>>) src(%dma_wait3A_82 : memref<80xi32, #tpu.memory_space<hbm>>) dst(%arg8 : memref<80xi32, #tpu.memory_space<vmem>>)
        tpu.yield
      }) : () -> ()
      %dma_start3A_70 = arith.constant 0 : i32
      %dma_start3A_71 = arith.constant 0 : i32
      %dma_start3A_72 = tpu.memref_slice %arg2[%dma_start3A_70, %dma_start3A_71] : memref<10000x128xf32, #tpu.memory_space<hbm>> -> memref<10000x128xf32, #tpu.memory_space<hbm>>
      tpu.enqueue_indirect_dma source(%dma_start3A_72 : memref<10000x128xf32, #tpu.memory_space<hbm>>) target(%arg11 : memref<80x128xf32, #tpu.memory_space<vmem>>) offsets(%arg7 : memref<80xi32, #tpu.memory_space<vmem>>) semaphore(%arg14 : memref<!tpu.dma_semaphore, #tpu.memory_space<semaphore_mem>>)
      %dma_wait3A_73 = arith.constant 0 : i32
      %dma_wait3A_74 = arith.constant 0 : i32
      %dma_wait3A_75 = tpu.memref_slice %arg2[%dma_wait3A_73, %dma_wait3A_74] : memref<10000x128xf32, #tpu.memory_space<hbm>> -> memref<80x128xf32, #tpu.memory_space<hbm>>
      %dma_wait3A_76 = arith.constant 0 : i32
      %dma_wait3A_77 = arith.constant 0 : i32
      %dma_wait3A_78 = tpu.memref_slice %arg2[%dma_wait3A_76, %dma_wait3A_77] : memref<10000x128xf32, #tpu.memory_space<hbm>> -> memref<80x128xf32, #tpu.memory_space<hbm>>
      tpu.wait_dma2 semaphore(%arg15 : memref<!tpu.dma_semaphore, #tpu.memory_space<semaphore_mem>>) src(%dma_wait3A_78 : memref<80x128xf32, #tpu.memory_space<hbm>>) dst(%arg12 : memref<80x128xf32, #tpu.memory_space<vmem>>)
      "tpu.region"() ({
        %run_scoped3A = tpu.sem_alloc : memref<!tpu.dma_semaphore, #tpu.memory_space<semaphore_mem>>
        %dma_start3A_79 = arith.constant 0 : i32
        %dma_start3A_80 = arith.constant 0 : i32
        %dma_start3A_81 = tpu.memref_slice %arg13[%dma_start3A_79, %dma_start3A_80] : memref<10016x128xf32, #tpu.memory_space<vmem_shared>> -> memref<10016x128xf32, #tpu.memory_space<vmem_shared>>
        tpu.enqueue_indirect_dma source(%arg12 : memref<80x128xf32, #tpu.memory_space<vmem>>) target(%dma_start3A_81 : memref<10016x128xf32, #tpu.memory_space<vmem_shared>>) offsets(%arg10 : memref<80xi32, #tpu.memory_space<vmem>>) semaphore(%run_scoped3A : memref<!tpu.dma_semaphore, #tpu.memory_space<semaphore_mem>>) {add = true}
        %dma_wait3A_82 = arith.constant 0 : i32
        %dma_wait3A_83 = arith.constant 0 : i32
        %dma_wait3A_84 = tpu.memref_slice %arg13[%dma_wait3A_82, %dma_wait3A_83] : memref<10016x128xf32, #tpu.memory_space<vmem_shared>> -> memref<10016x128xf32, #tpu.memory_space<vmem_shared>>
        tpu.wait_indirect_dma semaphore(%run_scoped3A : memref<!tpu.dma_semaphore, #tpu.memory_space<semaphore_mem>>) src(%arg12 : memref<80x128xf32, #tpu.memory_space<vmem>>) dst(%dma_wait3A_84 : memref<10016x128xf32, #tpu.memory_space<vmem_shared>>)
        tpu.yield
      }) : () -> ()
    }
    %scan3A_17 = arith.constant 63 : i32
    %add3A_18 = arith.constant 10160 : i32
    %add3A_19 = arith.addi %mul3A_8, %add3A_18 : i32
    "tpu.region"() ({
      %run_scoped3A = tpu.sem_alloc : memref<!tpu.dma_semaphore, #tpu.memory_space<semaphore_mem>>
      %dma_start3A_44 = tpu.memref_slice %arg3[%add3A_19] : memref<327680xi32, #tpu.memory_space<hbm>> -> memref<80xi32, #tpu.memory_space<hbm>>
      %dma_start3A_45 = tpu.memref_slice %arg3[%add3A_19] : memref<327680xi32, #tpu.memory_space<hbm>> -> memref<80xi32, #tpu.memory_space<hbm>>
      tpu.enqueue_dma source(%dma_start3A_45 : memref<80xi32, #tpu.memory_space<hbm>>) target(%arg9 : memref<80xi32, #tpu.memory_space<vmem>>) target_semaphore(%run_scoped3A : memref<!tpu.dma_semaphore, #tpu.memory_space<semaphore_mem>>)
      %dma_wait3A_46 = tpu.memref_slice %arg3[%add3A_19] : memref<327680xi32, #tpu.memory_space<hbm>> -> memref<80xi32, #tpu.memory_space<hbm>>
      %dma_wait3A_47 = tpu.memref_slice %arg3[%add3A_19] : memref<327680xi32, #tpu.memory_space<hbm>> -> memref<80xi32, #tpu.memory_space<hbm>>
      tpu.wait_dma2 semaphore(%run_scoped3A : memref<!tpu.dma_semaphore, #tpu.memory_space<semaphore_mem>>) src(%dma_wait3A_47 : memref<80xi32, #tpu.memory_space<hbm>>) dst(%arg9 : memref<80xi32, #tpu.memory_space<vmem>>)
      tpu.yield
    }) : () -> ()
    "tpu.region"() ({
      %run_scoped3A = tpu.sem_alloc : memref<!tpu.dma_semaphore, #tpu.memory_space<semaphore_mem>>
      %dma_start3A_44 = tpu.memref_slice %arg4[%add3A_19] : memref<327680xi32, #tpu.memory_space<hbm>> -> memref<80xi32, #tpu.memory_space<hbm>>
      %dma_start3A_45 = tpu.memref_slice %arg4[%add3A_19] : memref<327680xi32, #tpu.memory_space<hbm>> -> memref<80xi32, #tpu.memory_space<hbm>>
      tpu.enqueue_dma source(%dma_start3A_45 : memref<80xi32, #tpu.memory_space<hbm>>) target(%arg10 : memref<80xi32, #tpu.memory_space<vmem>>) target_semaphore(%run_scoped3A : memref<!tpu.dma_semaphore, #tpu.memory_space<semaphore_mem>>)
      %dma_wait3A_46 = tpu.memref_slice %arg4[%add3A_19] : memref<327680xi32, #tpu.memory_space<hbm>> -> memref<80xi32, #tpu.memory_space<hbm>>
      %dma_wait3A_47 = tpu.memref_slice %arg4[%add3A_19] : memref<327680xi32, #tpu.memory_space<hbm>> -> memref<80xi32, #tpu.memory_space<hbm>>
      tpu.wait_dma2 semaphore(%run_scoped3A : memref<!tpu.dma_semaphore, #tpu.memory_space<semaphore_mem>>) src(%dma_wait3A_47 : memref<80xi32, #tpu.memory_space<hbm>>) dst(%arg10 : memref<80xi32, #tpu.memory_space<vmem>>)
      tpu.yield
    }) : () -> ()
    %dma_start3A_20 = arith.constant 0 : i32
    %dma_start3A_21 = arith.constant 0 : i32
    %dma_start3A_22 = tpu.memref_slice %arg2[%dma_start3A_20, %dma_start3A_21] : memref<10000x128xf32, #tpu.memory_space<hbm>> -> memref<10000x128xf32, #tpu.memory_space<hbm>>
    tpu.enqueue_indirect_dma source(%dma_start3A_22 : memref<10000x128xf32, #tpu.memory_space<hbm>>) target(%arg12 : memref<80x128xf32, #tpu.memory_space<vmem>>) offsets(%arg9 : memref<80xi32, #tpu.memory_space<vmem>>) semaphore(%arg15 : memref<!tpu.dma_semaphore, #tpu.memory_space<semaphore_mem>>)
    %dma_wait3A = arith.constant 0 : i32
    %dma_wait3A_23 = arith.constant 0 : i32
    %dma_wait3A_24 = tpu.memref_slice %arg2[%dma_wait3A, %dma_wait3A_23] : memref<10000x128xf32, #tpu.memory_space<hbm>> -> memref<80x128xf32, #tpu.memory_space<hbm>>
    %dma_wait3A_25 = arith.constant 0 : i32
    %dma_wait3A_26 = arith.constant 0 : i32
    %dma_wait3A_27 = tpu.memref_slice %arg2[%dma_wait3A_25, %dma_wait3A_26] : memref<10000x128xf32, #tpu.memory_space<hbm>> -> memref<80x128xf32, #tpu.memory_space<hbm>>
    tpu.wait_dma2 semaphore(%arg14 : memref<!tpu.dma_semaphore, #tpu.memory_space<semaphore_mem>>) src(%dma_wait3A_27 : memref<80x128xf32, #tpu.memory_space<hbm>>) dst(%arg11 : memref<80x128xf32, #tpu.memory_space<vmem>>)
    "tpu.region"() ({
      %run_scoped3A = tpu.sem_alloc : memref<!tpu.dma_semaphore, #tpu.memory_space<semaphore_mem>>
      %dma_start3A_44 = arith.constant 0 : i32
      %dma_start3A_45 = arith.constant 0 : i32
      %dma_start3A_46 = tpu.memref_slice %arg13[%dma_start3A_44, %dma_start3A_45] : memref<10016x128xf32, #tpu.memory_space<vmem_shared>> -> memref<10016x128xf32, #tpu.memory_space<vmem_shared>>
      tpu.enqueue_indirect_dma source(%arg11 : memref<80x128xf32, #tpu.memory_space<vmem>>) target(%dma_start3A_46 : memref<10016x128xf32, #tpu.memory_space<vmem_shared>>) offsets(%arg8 : memref<80xi32, #tpu.memory_space<vmem>>) semaphore(%run_scoped3A : memref<!tpu.dma_semaphore, #tpu.memory_space<semaphore_mem>>) {add = true}
      %dma_wait3A_47 = arith.constant 0 : i32
      %dma_wait3A_48 = arith.constant 0 : i32
      %dma_wait3A_49 = tpu.memref_slice %arg13[%dma_wait3A_47, %dma_wait3A_48] : memref<10016x128xf32, #tpu.memory_space<vmem_shared>> -> memref<10016x128xf32, #tpu.memory_space<vmem_shared>>
      tpu.wait_indirect_dma semaphore(%run_scoped3A : memref<!tpu.dma_semaphore, #tpu.memory_space<semaphore_mem>>) src(%arg11 : memref<80x128xf32, #tpu.memory_space<vmem>>) dst(%dma_wait3A_49 : memref<10016x128xf32, #tpu.memory_space<vmem_shared>>)
      tpu.yield
    }) : () -> ()
    %dma_wait3A_28 = arith.constant 0 : i32
    %dma_wait3A_29 = arith.constant 0 : i32
    %dma_wait3A_30 = tpu.memref_slice %arg2[%dma_wait3A_28, %dma_wait3A_29] : memref<10000x128xf32, #tpu.memory_space<hbm>> -> memref<80x128xf32, #tpu.memory_space<hbm>>
    %dma_wait3A_31 = arith.constant 0 : i32
    %dma_wait3A_32 = arith.constant 0 : i32
    %dma_wait3A_33 = tpu.memref_slice %arg2[%dma_wait3A_31, %dma_wait3A_32] : memref<10000x128xf32, #tpu.memory_space<hbm>> -> memref<80x128xf32, #tpu.memory_space<hbm>>
    tpu.wait_dma2 semaphore(%arg15 : memref<!tpu.dma_semaphore, #tpu.memory_space<semaphore_mem>>) src(%dma_wait3A_33 : memref<80x128xf32, #tpu.memory_space<hbm>>) dst(%arg12 : memref<80x128xf32, #tpu.memory_space<vmem>>)
    "tpu.region"() ({
      %run_scoped3A = tpu.sem_alloc : memref<!tpu.dma_semaphore, #tpu.memory_space<semaphore_mem>>
      %dma_start3A_44 = arith.constant 0 : i32
      %dma_start3A_45 = arith.constant 0 : i32
      %dma_start3A_46 = tpu.memref_slice %arg13[%dma_start3A_44, %dma_start3A_45] : memref<10016x128xf32, #tpu.memory_space<vmem_shared>> -> memref<10016x128xf32, #tpu.memory_space<vmem_shared>>
      tpu.enqueue_indirect_dma source(%arg12 : memref<80x128xf32, #tpu.memory_space<vmem>>) target(%dma_start3A_46 : memref<10016x128xf32, #tpu.memory_space<vmem_shared>>) offsets(%arg10 : memref<80xi32, #tpu.memory_space<vmem>>) semaphore(%run_scoped3A : memref<!tpu.dma_semaphore, #tpu.memory_space<semaphore_mem>>) {add = true}
      %dma_wait3A_47 = arith.constant 0 : i32
      %dma_wait3A_48 = arith.constant 0 : i32
      %dma_wait3A_49 = tpu.memref_slice %arg13[%dma_wait3A_47, %dma_wait3A_48] : memref<10016x128xf32, #tpu.memory_space<vmem_shared>> -> memref<10016x128xf32, #tpu.memory_space<vmem_shared>>
      tpu.wait_indirect_dma semaphore(%run_scoped3A : memref<!tpu.dma_semaphore, #tpu.memory_space<semaphore_mem>>) src(%arg12 : memref<80x128xf32, #tpu.memory_space<vmem>>) dst(%dma_wait3A_49 : memref<10016x128xf32, #tpu.memory_space<vmem_shared>>)
      tpu.yield
    }) : () -> ()
    %barrier3A_34 = arith.constant 0 : index
    tpu.barrier barrier_id(%barrier3A_34)
    %mul3A_35 = arith.constant 624 : i32
    %mul3A_36 = arith.muli %arg1, %mul3A_35 : i32
    %mul3A_37 = arith.constant 624 : i32
    %mul3A_38 = arith.muli %arg1, %mul3A_37 : i32
    "tpu.region"() ({
      %run_scoped3A = tpu.sem_alloc : memref<!tpu.dma_semaphore, #tpu.memory_space<semaphore_mem>>
      %dma_start3A_44 = arith.constant 0 : i32
      %dma_start3A_45 = tpu.memref_slice %arg6[%arg0, %mul3A_38, %dma_start3A_44] : memref<2x10000x128xf32, #tpu.memory_space<hbm>> -> memref<1x624x128xf32, #tpu.memory_space<hbm>>
      %dma_start3A_46 = tpu.memref_squeeze %dma_start3A_45 : memref<1x624x128xf32, #tpu.memory_space<hbm>> -> memref<624x128xf32, #tpu.memory_space<hbm>>
      %dma_start3A_47 = arith.constant 0 : i32
      %dma_start3A_48 = tpu.memref_slice %arg13[%mul3A_36, %dma_start3A_47] : memref<10016x128xf32, #tpu.memory_space<vmem_shared>> -> memref<624x128xf32, #tpu.memory_space<vmem_shared>>
      tpu.enqueue_dma source(%dma_start3A_48 : memref<624x128xf32, #tpu.memory_space<vmem_shared>>) target(%dma_start3A_46 : memref<624x128xf32, #tpu.memory_space<hbm>>) target_semaphore(%run_scoped3A : memref<!tpu.dma_semaphore, #tpu.memory_space<semaphore_mem>>)
      %dma_wait3A_49 = arith.constant 0 : i32
      %dma_wait3A_50 = tpu.memref_slice %arg6[%arg0, %mul3A_38, %dma_wait3A_49] : memref<2x10000x128xf32, #tpu.memory_space<hbm>> -> memref<1x624x128xf32, #tpu.memory_space<hbm>>
      %dma_wait3A_51 = tpu.memref_squeeze %dma_wait3A_50 : memref<1x624x128xf32, #tpu.memory_space<hbm>> -> memref<624x128xf32, #tpu.memory_space<hbm>>
      %dma_wait3A_52 = arith.constant 0 : i32
      %dma_wait3A_53 = tpu.memref_slice %arg13[%mul3A_36, %dma_wait3A_52] : memref<10016x128xf32, #tpu.memory_space<vmem_shared>> -> memref<624x128xf32, #tpu.memory_space<vmem_shared>>
      tpu.wait_dma2 semaphore(%run_scoped3A : memref<!tpu.dma_semaphore, #tpu.memory_space<semaphore_mem>>) src(%dma_wait3A_53 : memref<624x128xf32, #tpu.memory_space<vmem_shared>>) dst(%dma_wait3A_51 : memref<624x128xf32, #tpu.memory_space<hbm>>)
      tpu.yield
    }) : () -> ()
    %eq3A_39 = arith.constant 0 : i32
    %eq3A_40 = arith.cmpi eq, %arg1, %eq3A_39 : i32
    %convert_element_type3A_41 = arith.extui %eq3A_40 : i1 to i32
    %cond3A_42 = arith.constant 0 : i32
    %cond3A_43 = arith.cmpi ne, %convert_element_type3A_41, %cond3A_42 : i32
    scf.if %cond3A_43 {
      "tpu.region"() ({
        %run_scoped3A = tpu.sem_alloc : memref<!tpu.dma_semaphore, #tpu.memory_space<semaphore_mem>>
        %dma_start3A_44 = arith.constant 9984 : i32
        %dma_start3A_45 = arith.constant 0 : i32
        %dma_start3A_46 = tpu.memref_slice %arg6[%arg0, %dma_start3A_44, %dma_start3A_45] : memref<2x10000x128xf32, #tpu.memory_space<hbm>> -> memref<1x16x128xf32, #tpu.memory_space<hbm>>
        %dma_start3A_47 = tpu.memref_squeeze %dma_start3A_46 : memref<1x16x128xf32, #tpu.memory_space<hbm>> -> memref<16x128xf32, #tpu.memory_space<hbm>>
        %dma_start3A_48 = arith.constant 9984 : i32
        %dma_start3A_49 = arith.constant 0 : i32
        %dma_start3A_50 = tpu.memref_slice %arg13[%dma_start3A_48, %dma_start3A_49] : memref<10016x128xf32, #tpu.memory_space<vmem_shared>> -> memref<16x128xf32, #tpu.memory_space<vmem_shared>>
        tpu.enqueue_dma source(%dma_start3A_50 : memref<16x128xf32, #tpu.memory_space<vmem_shared>>) target(%dma_start3A_47 : memref<16x128xf32, #tpu.memory_space<hbm>>) target_semaphore(%run_scoped3A : memref<!tpu.dma_semaphore, #tpu.memory_space<semaphore_mem>>)
        %dma_wait3A_51 = arith.constant 9984 : i32
        %dma_wait3A_52 = arith.constant 0 : i32
        %dma_wait3A_53 = tpu.memref_slice %arg6[%arg0, %dma_wait3A_51, %dma_wait3A_52] : memref<2x10000x128xf32, #tpu.memory_space<hbm>> -> memref<1x16x128xf32, #tpu.memory_space<hbm>>
        %dma_wait3A_54 = tpu.memref_squeeze %dma_wait3A_53 : memref<1x16x128xf32, #tpu.memory_space<hbm>> -> memref<16x128xf32, #tpu.memory_space<hbm>>
        %dma_wait3A_55 = arith.constant 9984 : i32
        %dma_wait3A_56 = arith.constant 0 : i32
        %dma_wait3A_57 = tpu.memref_slice %arg13[%dma_wait3A_55, %dma_wait3A_56] : memref<10016x128xf32, #tpu.memory_space<vmem_shared>> -> memref<16x128xf32, #tpu.memory_space<vmem_shared>>
        tpu.wait_dma2 semaphore(%run_scoped3A : memref<!tpu.dma_semaphore, #tpu.memory_space<semaphore_mem>>) src(%dma_wait3A_57 : memref<16x128xf32, #tpu.memory_space<vmem_shared>>) dst(%dma_wait3A_54 : memref<16x128xf32, #tpu.memory_space<hbm>>)
        tpu.yield
      }) : () -> ()
    } else {
    }
    return
  }
}

#map = affine_map<(d0, d1) -> (0, 0)>
#map1 = affine_map<(d0, d1) -> (0)>
#map2 = affine_map<(d0, d1) -> (0, 0, 0)>
module attributes {stable_mosaic.version = 14 : i64} {
  func.func @seg_sum(%arg0: i32, %arg1: i32, %arg2: memref<10000x128xf32, #tpu.memory_space<hbm>>, %arg3: memref<327680xi32, #tpu.memory_space<hbm>>, %arg4: memref<327680xi32, #tpu.memory_space<hbm>>, %arg5: memref<10000x128xf32, #tpu.memory_space<hbm>>, %arg6: memref<2x10000x128xf32, #tpu.memory_space<hbm>>, %arg7: memref<80xi32, #tpu.memory_space<vmem>>, %arg8: memref<80xi32, #tpu.memory_space<vmem>>, %arg9: memref<80xi32, #tpu.memory_space<vmem>>, %arg10: memref<80xi32, #tpu.memory_space<vmem>>, %arg11: memref<80x128xf32, #tpu.memory_space<vmem>>, %arg12: memref<80x128xf32, #tpu.memory_space<vmem>>, %arg13: memref<10016x128xf32, #tpu.memory_space<vmem_shared>>, %arg14: memref<!tpu.dma_semaphore, #tpu.memory_space<semaphore_mem>>, %arg15: memref<!tpu.dma_semaphore, #tpu.memory_space<semaphore_mem>>) attributes {dimension_semantics = [#tpu.dimension_semantics<core_parallel>, #tpu.dimension_semantics<subcore_parallel>], iteration_bounds = array<i64: 2, 16>, scalar_prefetch = 0 : i64, scratch_operands = 9 : i64, tpu.core_type = #tpu.core_type<sc_vector_subcore>, window_params = [{transform_indices = #map}, {transform_indices = #map1}, {transform_indices = #map1}, {transform_indices = #map}, {transform_indices = #map2}]} {
    %mul3A = arith.constant 2 : i32
    %mul3A_0 = arith.muli %arg1, %mul3A : i32
    %add3A = arith.addi %mul3A_0, %arg0 : i32
    %mul3A_1 = arith.constant 624 : i32
    %mul3A_2 = arith.muli %arg1, %mul3A_1 : i32
    %mul3A_3 = arith.constant 624 : i32
    %mul3A_4 = arith.muli %arg1, %mul3A_3 : i32
    "tpu.region"() ({
      %run_scoped3A = tpu.sem_alloc : memref<!tpu.dma_semaphore, #tpu.memory_space<semaphore_mem>>
      %dma_start3A_44 = arith.constant 0 : i32
      %dma_start3A_45 = tpu.memref_slice %arg13[%mul3A_4, %dma_start3A_44] : memref<10016x128xf32, #tpu.memory_space<vmem_shared>> -> memref<624x128xf32, #tpu.memory_space<vmem_shared>>
      %dma_start3A_46 = arith.constant 0 : i32
      %dma_start3A_47 = tpu.memref_slice %arg5[%mul3A_2, %dma_start3A_46] : memref<10000x128xf32, #tpu.memory_space<hbm>> -> memref<624x128xf32, #tpu.memory_space<hbm>>
      tpu.enqueue_dma source(%dma_start3A_47 : memref<624x128xf32, #tpu.memory_space<hbm>>) target(%dma_start3A_45 : memref<624x128xf32, #tpu.memory_space<vmem_shared>>) target_semaphore(%run_scoped3A : memref<!tpu.dma_semaphore, #tpu.memory_space<semaphore_mem>>)
      %dma_wait3A_48 = arith.constant 0 : i32
      %dma_wait3A_49 = tpu.memref_slice %arg13[%mul3A_4, %dma_wait3A_48] : memref<10016x128xf32, #tpu.memory_space<vmem_shared>> -> memref<624x128xf32, #tpu.memory_space<vmem_shared>>
      %dma_wait3A_50 = arith.constant 0 : i32
      %dma_wait3A_51 = tpu.memref_slice %arg5[%mul3A_2, %dma_wait3A_50] : memref<10000x128xf32, #tpu.memory_space<hbm>> -> memref<624x128xf32, #tpu.memory_space<hbm>>
      tpu.wait_dma2 semaphore(%run_scoped3A : memref<!tpu.dma_semaphore, #tpu.memory_space<semaphore_mem>>) src(%dma_wait3A_51 : memref<624x128xf32, #tpu.memory_space<hbm>>) dst(%dma_wait3A_49 : memref<624x128xf32, #tpu.memory_space<vmem_shared>>)
      tpu.yield
    }) : () -> ()
    %eq3A = arith.constant 0 : i32
    %eq3A_5 = arith.cmpi eq, %arg1, %eq3A : i32
    %convert_element_type3A = arith.extui %eq3A_5 : i1 to i32
    %cond3A = arith.constant 0 : i32
    %cond3A_6 = arith.cmpi ne, %convert_element_type3A, %cond3A : i32
    scf.if %cond3A_6 {
      "tpu.region"() ({
        %run_scoped3A = tpu.sem_alloc : memref<!tpu.dma_semaphore, #tpu.memory_space<semaphore_mem>>
        %dma_start3A_44 = arith.constant 9984 : i32
        %dma_start3A_45 = arith.constant 0 : i32
        %dma_start3A_46 = tpu.memref_slice %arg13[%dma_start3A_44, %dma_start3A_45] : memref<10016x128xf32, #tpu.memory_space<vmem_shared>> -> memref<16x128xf32, #tpu.memory_space<vmem_shared>>
        %dma_start3A_47 = arith.constant 9984 : i32
        %dma_start3A_48 = arith.constant 0 : i32
        %dma_start3A_49 = tpu.memref_slice %arg5[%dma_start3A_47, %dma_start3A_48] : memref<10000x128xf32, #tpu.memory_space<hbm>> -> memref<16x128xf32, #tpu.memory_space<hbm>>
        tpu.enqueue_dma source(%dma_start3A_49 : memref<16x128xf32, #tpu.memory_space<hbm>>) target(%dma_start3A_46 : memref<16x128xf32, #tpu.memory_space<vmem_shared>>) target_semaphore(%run_scoped3A : memref<!tpu.dma_semaphore, #tpu.memory_space<semaphore_mem>>)
        %dma_wait3A_50 = arith.constant 9984 : i32
        %dma_wait3A_51 = arith.constant 0 : i32
        %dma_wait3A_52 = tpu.memref_slice %arg13[%dma_wait3A_50, %dma_wait3A_51] : memref<10016x128xf32, #tpu.memory_space<vmem_shared>> -> memref<16x128xf32, #tpu.memory_space<vmem_shared>>
        %dma_wait3A_53 = arith.constant 9984 : i32
        %dma_wait3A_54 = arith.constant 0 : i32
        %dma_wait3A_55 = tpu.memref_slice %arg5[%dma_wait3A_53, %dma_wait3A_54] : memref<10000x128xf32, #tpu.memory_space<hbm>> -> memref<16x128xf32, #tpu.memory_space<hbm>>
        tpu.wait_dma2 semaphore(%run_scoped3A : memref<!tpu.dma_semaphore, #tpu.memory_space<semaphore_mem>>) src(%dma_wait3A_55 : memref<16x128xf32, #tpu.memory_space<hbm>>) dst(%dma_wait3A_52 : memref<16x128xf32, #tpu.memory_space<vmem_shared>>)
        tpu.yield
      }) : () -> ()
    } else {
    }
    %barrier3A = arith.constant 0 : index
    tpu.barrier barrier_id(%barrier3A)
    %mul3A_7 = arith.constant 10240 : i32
    %mul3A_8 = arith.muli %add3A, %mul3A_7 : i32
    %add3A_9 = arith.constant 0 : i32
    %add3A_10 = arith.addi %mul3A_8, %add3A_9 : i32
    "tpu.region"() ({
      %run_scoped3A = tpu.sem_alloc : memref<!tpu.dma_semaphore, #tpu.memory_space<semaphore_mem>>
      %dma_start3A_44 = tpu.memref_slice %arg3[%add3A_10] : memref<327680xi32, #tpu.memory_space<hbm>> -> memref<80xi32, #tpu.memory_space<hbm>>
      %dma_start3A_45 = tpu.memref_slice %arg3[%add3A_10] : memref<327680xi32, #tpu.memory_space<hbm>> -> memref<80xi32, #tpu.memory_space<hbm>>
      tpu.enqueue_dma source(%dma_start3A_45 : memref<80xi32, #tpu.memory_space<hbm>>) target(%arg7 : memref<80xi32, #tpu.memory_space<vmem>>) target_semaphore(%run_scoped3A : memref<!tpu.dma_semaphore, #tpu.memory_space<semaphore_mem>>)
      %dma_wait3A_46 = tpu.memref_slice %arg3[%add3A_10] : memref<327680xi32, #tpu.memory_space<hbm>> -> memref<80xi32, #tpu.memory_space<hbm>>
      %dma_wait3A_47 = tpu.memref_slice %arg3[%add3A_10] : memref<327680xi32, #tpu.memory_space<hbm>> -> memref<80xi32, #tpu.memory_space<hbm>>
      tpu.wait_dma2 semaphore(%run_scoped3A : memref<!tpu.dma_semaphore, #tpu.memory_space<semaphore_mem>>) src(%dma_wait3A_47 : memref<80xi32, #tpu.memory_space<hbm>>) dst(%arg7 : memref<80xi32, #tpu.memory_space<vmem>>)
      tpu.yield
    }) : () -> ()
    "tpu.region"() ({
      %run_scoped3A = tpu.sem_alloc : memref<!tpu.dma_semaphore, #tpu.memory_space<semaphore_mem>>
      %dma_start3A_44 = tpu.memref_slice %arg4[%add3A_10] : memref<327680xi32, #tpu.memory_space<hbm>> -> memref<80xi32, #tpu.memory_space<hbm>>
      %dma_start3A_45 = tpu.memref_slice %arg4[%add3A_10] : memref<327680xi32, #tpu.memory_space<hbm>> -> memref<80xi32, #tpu.memory_space<hbm>>
      tpu.enqueue_dma source(%dma_start3A_45 : memref<80xi32, #tpu.memory_space<hbm>>) target(%arg8 : memref<80xi32, #tpu.memory_space<vmem>>) target_semaphore(%run_scoped3A : memref<!tpu.dma_semaphore, #tpu.memory_space<semaphore_mem>>)
      %dma_wait3A_46 = tpu.memref_slice %arg4[%add3A_10] : memref<327680xi32, #tpu.memory_space<hbm>> -> memref<80xi32, #tpu.memory_space<hbm>>
      %dma_wait3A_47 = tpu.memref_slice %arg4[%add3A_10] : memref<327680xi32, #tpu.memory_space<hbm>> -> memref<80xi32, #tpu.memory_space<hbm>>
      tpu.wait_dma2 semaphore(%run_scoped3A : memref<!tpu.dma_semaphore, #tpu.memory_space<semaphore_mem>>) src(%dma_wait3A_47 : memref<80xi32, #tpu.memory_space<hbm>>) dst(%arg8 : memref<80xi32, #tpu.memory_space<vmem>>)
      tpu.yield
    }) : () -> ()
    %dma_start3A = arith.constant 0 : i32
    %dma_start3A_11 = arith.constant 0 : i32
    %dma_start3A_12 = tpu.memref_slice %arg2[%dma_start3A, %dma_start3A_11] : memref<10000x128xf32, #tpu.memory_space<hbm>> -> memref<10000x128xf32, #tpu.memory_space<hbm>>
    tpu.enqueue_indirect_dma source(%dma_start3A_12 : memref<10000x128xf32, #tpu.memory_space<hbm>>) target(%arg11 : memref<80x128xf32, #tpu.memory_space<vmem>>) offsets(%arg7 : memref<80xi32, #tpu.memory_space<vmem>>) semaphore(%arg14 : memref<!tpu.dma_semaphore, #tpu.memory_space<semaphore_mem>>)
    %scan3A = arith.constant 0 : i32
    %scan3A_13 = arith.constant 0 : i32
    %scan3A_14 = arith.constant 63 : i32
    %scan3A_15 = arith.addi %scan3A_13, %scan3A_14 : i32
    %scan3A_16 = arith.constant 1 : i32
    scf.for %scan3A_44 = %scan3A_13 to %scan3A_15 step %scan3A_16  : i32 {
      %mul3A_45 = arith.constant 2 : i32
      %mul3A_46 = arith.muli %scan3A_44, %mul3A_45 : i32
      %add3A_47 = arith.constant 0 : i32
      %add3A_48 = arith.addi %mul3A_46, %add3A_47 : i32
      %add3A_49 = arith.constant 1 : i32
      %add3A_50 = arith.addi %add3A_48, %add3A_49 : i32
      %mul3A_51 = arith.constant 80 : i32
      %mul3A_52 = arith.muli %add3A_50, %mul3A_51 : i32
      %add3A_53 = arith.addi %mul3A_8, %mul3A_52 : i32
      "tpu.region"() ({
        %run_scoped3A = tpu.sem_alloc : memref<!tpu.dma_semaphore, #tpu.memory_space<semaphore_mem>>
        %dma_start3A_79 = tpu.memref_slice %arg3[%add3A_53] : memref<327680xi32, #tpu.memory_space<hbm>> -> memref<80xi32, #tpu.memory_space<hbm>>
        %dma_start3A_80 = tpu.memref_slice %arg3[%add3A_53] : memref<327680xi32, #tpu.memory_space<hbm>> -> memref<80xi32, #tpu.memory_space<hbm>>
        tpu.enqueue_dma source(%dma_start3A_80 : memref<80xi32, #tpu.memory_space<hbm>>) target(%arg9 : memref<80xi32, #tpu.memory_space<vmem>>) target_semaphore(%run_scoped3A : memref<!tpu.dma_semaphore, #tpu.memory_space<semaphore_mem>>)
        %dma_wait3A_81 = tpu.memref_slice %arg3[%add3A_53] : memref<327680xi32, #tpu.memory_space<hbm>> -> memref<80xi32, #tpu.memory_space<hbm>>
        %dma_wait3A_82 = tpu.memref_slice %arg3[%add3A_53] : memref<327680xi32, #tpu.memory_space<hbm>> -> memref<80xi32, #tpu.memory_space<hbm>>
        tpu.wait_dma2 semaphore(%run_scoped3A : memref<!tpu.dma_semaphore, #tpu.memory_space<semaphore_mem>>) src(%dma_wait3A_82 : memref<80xi32, #tpu.memory_space<hbm>>) dst(%arg9 : memref<80xi32, #tpu.memory_space<vmem>>)
        tpu.yield
      }) : () -> ()
      "tpu.region"() ({
        %run_scoped3A = tpu.sem_alloc : memref<!tpu.dma_semaphore, #tpu.memory_space<semaphore_mem>>
        %dma_start3A_79 = tpu.memref_slice %arg4[%add3A_53] : memref<327680xi32, #tpu.memory_space<hbm>> -> memref<80xi32, #tpu.memory_space<hbm>>
        %dma_start3A_80 = tpu.memref_slice %arg4[%add3A_53] : memref<327680xi32, #tpu.memory_space<hbm>> -> memref<80xi32, #tpu.memory_space<hbm>>
        tpu.enqueue_dma source(%dma_start3A_80 : memref<80xi32, #tpu.memory_space<hbm>>) target(%arg10 : memref<80xi32, #tpu.memory_space<vmem>>) target_semaphore(%run_scoped3A : memref<!tpu.dma_semaphore, #tpu.memory_space<semaphore_mem>>)
        %dma_wait3A_81 = tpu.memref_slice %arg4[%add3A_53] : memref<327680xi32, #tpu.memory_space<hbm>> -> memref<80xi32, #tpu.memory_space<hbm>>
        %dma_wait3A_82 = tpu.memref_slice %arg4[%add3A_53] : memref<327680xi32, #tpu.memory_space<hbm>> -> memref<80xi32, #tpu.memory_space<hbm>>
        tpu.wait_dma2 semaphore(%run_scoped3A : memref<!tpu.dma_semaphore, #tpu.memory_space<semaphore_mem>>) src(%dma_wait3A_82 : memref<80xi32, #tpu.memory_space<hbm>>) dst(%arg10 : memref<80xi32, #tpu.memory_space<vmem>>)
        tpu.yield
      }) : () -> ()
      %dma_start3A_54 = arith.constant 0 : i32
      %dma_start3A_55 = arith.constant 0 : i32
      %dma_start3A_56 = tpu.memref_slice %arg2[%dma_start3A_54, %dma_start3A_55] : memref<10000x128xf32, #tpu.memory_space<hbm>> -> memref<10000x128xf32, #tpu.memory_space<hbm>>
      tpu.enqueue_indirect_dma source(%dma_start3A_56 : memref<10000x128xf32, #tpu.memory_space<hbm>>) target(%arg12 : memref<80x128xf32, #tpu.memory_space<vmem>>) offsets(%arg9 : memref<80xi32, #tpu.memory_space<vmem>>) semaphore(%arg15 : memref<!tpu.dma_semaphore, #tpu.memory_space<semaphore_mem>>)
      %dma_wait3A_57 = arith.constant 0 : i32
      %dma_wait3A_58 = arith.constant 0 : i32
      %dma_wait3A_59 = tpu.memref_slice %arg2[%dma_wait3A_57, %dma_wait3A_58] : memref<10000x128xf32, #tpu.memory_space<hbm>> -> memref<80x128xf32, #tpu.memory_space<hbm>>
      %dma_wait3A_60 = arith.constant 0 : i32
      %dma_wait3A_61 = arith.constant 0 : i32
      %dma_wait3A_62 = tpu.memref_slice %arg2[%dma_wait3A_60, %dma_wait3A_61] : memref<10000x128xf32, #tpu.memory_space<hbm>> -> memref<80x128xf32, #tpu.memory_space<hbm>>
      tpu.wait_dma2 semaphore(%arg14 : memref<!tpu.dma_semaphore, #tpu.memory_space<semaphore_mem>>) src(%dma_wait3A_62 : memref<80x128xf32, #tpu.memory_space<hbm>>) dst(%arg11 : memref<80x128xf32, #tpu.memory_space<vmem>>)
      "tpu.region"() ({
        %run_scoped3A = tpu.sem_alloc : memref<!tpu.dma_semaphore, #tpu.memory_space<semaphore_mem>>
        %dma_start3A_79 = arith.constant 0 : i32
        %dma_start3A_80 = arith.constant 0 : i32
        %dma_start3A_81 = tpu.memref_slice %arg13[%dma_start3A_79, %dma_start3A_80] : memref<10016x128xf32, #tpu.memory_space<vmem_shared>> -> memref<10016x128xf32, #tpu.memory_space<vmem_shared>>
        tpu.enqueue_indirect_dma source(%arg11 : memref<80x128xf32, #tpu.memory_space<vmem>>) target(%dma_start3A_81 : memref<10016x128xf32, #tpu.memory_space<vmem_shared>>) offsets(%arg8 : memref<80xi32, #tpu.memory_space<vmem>>) semaphore(%run_scoped3A : memref<!tpu.dma_semaphore, #tpu.memory_space<semaphore_mem>>) {add = true}
        %dma_wait3A_82 = arith.constant 0 : i32
        %dma_wait3A_83 = arith.constant 0 : i32
        %dma_wait3A_84 = tpu.memref_slice %arg13[%dma_wait3A_82, %dma_wait3A_83] : memref<10016x128xf32, #tpu.memory_space<vmem_shared>> -> memref<10016x128xf32, #tpu.memory_space<vmem_shared>>
        tpu.wait_indirect_dma semaphore(%run_scoped3A : memref<!tpu.dma_semaphore, #tpu.memory_space<semaphore_mem>>) src(%arg11 : memref<80x128xf32, #tpu.memory_space<vmem>>) dst(%dma_wait3A_84 : memref<10016x128xf32, #tpu.memory_space<vmem_shared>>)
        tpu.yield
      }) : () -> ()
      %add3A_63 = arith.constant 1 : i32
      %add3A_64 = arith.addi %mul3A_46, %add3A_63 : i32
      %add3A_65 = arith.constant 1 : i32
      %add3A_66 = arith.addi %add3A_64, %add3A_65 : i32
      %mul3A_67 = arith.constant 80 : i32
      %mul3A_68 = arith.muli %add3A_66, %mul3A_67 : i32
      %add3A_69 = arith.addi %mul3A_8, %mul3A_68 : i32
      "tpu.region"() ({
        %run_scoped3A = tpu.sem_alloc : memref<!tpu.dma_semaphore, #tpu.memory_space<semaphore_mem>>
        %dma_start3A_79 = tpu.memref_slice %arg3[%add3A_69] : memref<327680xi32, #tpu.memory_space<hbm>> -> memref<80xi32, #tpu.memory_space<hbm>>
        %dma_start3A_80 = tpu.memref_slice %arg3[%add3A_69] : memref<327680xi32, #tpu.memory_space<hbm>> -> memref<80xi32, #tpu.memory_space<hbm>>
        tpu.enqueue_dma source(%dma_start3A_80 : memref<80xi32, #tpu.memory_space<hbm>>) target(%arg7 : memref<80xi32, #tpu.memory_space<vmem>>) target_semaphore(%run_scoped3A : memref<!tpu.dma_semaphore, #tpu.memory_space<semaphore_mem>>)
        %dma_wait3A_81 = tpu.memref_slice %arg3[%add3A_69] : memref<327680xi32, #tpu.memory_space<hbm>> -> memref<80xi32, #tpu.memory_space<hbm>>
        %dma_wait3A_82 = tpu.memref_slice %arg3[%add3A_69] : memref<327680xi32, #tpu.memory_space<hbm>> -> memref<80xi32, #tpu.memory_space<hbm>>
        tpu.wait_dma2 semaphore(%run_scoped3A : memref<!tpu.dma_semaphore, #tpu.memory_space<semaphore_mem>>) src(%dma_wait3A_82 : memref<80xi32, #tpu.memory_space<hbm>>) dst(%arg7 : memref<80xi32, #tpu.memory_space<vmem>>)
        tpu.yield
      }) : () -> ()
      "tpu.region"() ({
        %run_scoped3A = tpu.sem_alloc : memref<!tpu.dma_semaphore, #tpu.memory_space<semaphore_mem>>
        %dma_start3A_79 = tpu.memref_slice %arg4[%add3A_69] : memref<327680xi32, #tpu.memory_space<hbm>> -> memref<80xi32, #tpu.memory_space<hbm>>
        %dma_start3A_80 = tpu.memref_slice %arg4[%add3A_69] : memref<327680xi32, #tpu.memory_space<hbm>> -> memref<80xi32, #tpu.memory_space<hbm>>
        tpu.enqueue_dma source(%dma_start3A_80 : memref<80xi32, #tpu.memory_space<hbm>>) target(%arg8 : memref<80xi32, #tpu.memory_space<vmem>>) target_semaphore(%run_scoped3A : memref<!tpu.dma_semaphore, #tpu.memory_space<semaphore_mem>>)
        %dma_wait3A_81 = tpu.memref_slice %arg4[%add3A_69] : memref<327680xi32, #tpu.memory_space<hbm>> -> memref<80xi32, #tpu.memory_space<hbm>>
        %dma_wait3A_82 = tpu.memref_slice %arg4[%add3A_69] : memref<327680xi32, #tpu.memory_space<hbm>> -> memref<80xi32, #tpu.memory_space<hbm>>
        tpu.wait_dma2 semaphore(%run_scoped3A : memref<!tpu.dma_semaphore, #tpu.memory_space<semaphore_mem>>) src(%dma_wait3A_82 : memref<80xi32, #tpu.memory_space<hbm>>) dst(%arg8 : memref<80xi32, #tpu.memory_space<vmem>>)
        tpu.yield
      }) : () -> ()
      %dma_start3A_70 = arith.constant 0 : i32
      %dma_start3A_71 = arith.constant 0 : i32
      %dma_start3A_72 = tpu.memref_slice %arg2[%dma_start3A_70, %dma_start3A_71] : memref<10000x128xf32, #tpu.memory_space<hbm>> -> memref<10000x128xf32, #tpu.memory_space<hbm>>
      tpu.enqueue_indirect_dma source(%dma_start3A_72 : memref<10000x128xf32, #tpu.memory_space<hbm>>) target(%arg11 : memref<80x128xf32, #tpu.memory_space<vmem>>) offsets(%arg7 : memref<80xi32, #tpu.memory_space<vmem>>) semaphore(%arg14 : memref<!tpu.dma_semaphore, #tpu.memory_space<semaphore_mem>>)
      %dma_wait3A_73 = arith.constant 0 : i32
      %dma_wait3A_74 = arith.constant 0 : i32
      %dma_wait3A_75 = tpu.memref_slice %arg2[%dma_wait3A_73, %dma_wait3A_74] : memref<10000x128xf32, #tpu.memory_space<hbm>> -> memref<80x128xf32, #tpu.memory_space<hbm>>
      %dma_wait3A_76 = arith.constant 0 : i32
      %dma_wait3A_77 = arith.constant 0 : i32
      %dma_wait3A_78 = tpu.memref_slice %arg2[%dma_wait3A_76, %dma_wait3A_77] : memref<10000x128xf32, #tpu.memory_space<hbm>> -> memref<80x128xf32, #tpu.memory_space<hbm>>
      tpu.wait_dma2 semaphore(%arg15 : memref<!tpu.dma_semaphore, #tpu.memory_space<semaphore_mem>>) src(%dma_wait3A_78 : memref<80x128xf32, #tpu.memory_space<hbm>>) dst(%arg12 : memref<80x128xf32, #tpu.memory_space<vmem>>)
      "tpu.region"() ({
        %run_scoped3A = tpu.sem_alloc : memref<!tpu.dma_semaphore, #tpu.memory_space<semaphore_mem>>
        %dma_start3A_79 = arith.constant 0 : i32
        %dma_start3A_80 = arith.constant 0 : i32
        %dma_start3A_81 = tpu.memref_slice %arg13[%dma_start3A_79, %dma_start3A_80] : memref<10016x128xf32, #tpu.memory_space<vmem_shared>> -> memref<10016x128xf32, #tpu.memory_space<vmem_shared>>
        tpu.enqueue_indirect_dma source(%arg12 : memref<80x128xf32, #tpu.memory_space<vmem>>) target(%dma_start3A_81 : memref<10016x128xf32, #tpu.memory_space<vmem_shared>>) offsets(%arg10 : memref<80xi32, #tpu.memory_space<vmem>>) semaphore(%run_scoped3A : memref<!tpu.dma_semaphore, #tpu.memory_space<semaphore_mem>>) {add = true}
        %dma_wait3A_82 = arith.constant 0 : i32
        %dma_wait3A_83 = arith.constant 0 : i32
        %dma_wait3A_84 = tpu.memref_slice %arg13[%dma_wait3A_82, %dma_wait3A_83] : memref<10016x128xf32, #tpu.memory_space<vmem_shared>> -> memref<10016x128xf32, #tpu.memory_space<vmem_shared>>
        tpu.wait_indirect_dma semaphore(%run_scoped3A : memref<!tpu.dma_semaphore, #tpu.memory_space<semaphore_mem>>) src(%arg12 : memref<80x128xf32, #tpu.memory_space<vmem>>) dst(%dma_wait3A_84 : memref<10016x128xf32, #tpu.memory_space<vmem_shared>>)
        tpu.yield
      }) : () -> ()
    }
    %scan3A_17 = arith.constant 63 : i32
    %add3A_18 = arith.constant 10160 : i32
    %add3A_19 = arith.addi %mul3A_8, %add3A_18 : i32
    "tpu.region"() ({
      %run_scoped3A = tpu.sem_alloc : memref<!tpu.dma_semaphore, #tpu.memory_space<semaphore_mem>>
      %dma_start3A_44 = tpu.memref_slice %arg3[%add3A_19] : memref<327680xi32, #tpu.memory_space<hbm>> -> memref<80xi32, #tpu.memory_space<hbm>>
      %dma_start3A_45 = tpu.memref_slice %arg3[%add3A_19] : memref<327680xi32, #tpu.memory_space<hbm>> -> memref<80xi32, #tpu.memory_space<hbm>>
      tpu.enqueue_dma source(%dma_start3A_45 : memref<80xi32, #tpu.memory_space<hbm>>) target(%arg9 : memref<80xi32, #tpu.memory_space<vmem>>) target_semaphore(%run_scoped3A : memref<!tpu.dma_semaphore, #tpu.memory_space<semaphore_mem>>)
      %dma_wait3A_46 = tpu.memref_slice %arg3[%add3A_19] : memref<327680xi32, #tpu.memory_space<hbm>> -> memref<80xi32, #tpu.memory_space<hbm>>
      %dma_wait3A_47 = tpu.memref_slice %arg3[%add3A_19] : memref<327680xi32, #tpu.memory_space<hbm>> -> memref<80xi32, #tpu.memory_space<hbm>>
      tpu.wait_dma2 semaphore(%run_scoped3A : memref<!tpu.dma_semaphore, #tpu.memory_space<semaphore_mem>>) src(%dma_wait3A_47 : memref<80xi32, #tpu.memory_space<hbm>>) dst(%arg9 : memref<80xi32, #tpu.memory_space<vmem>>)
      tpu.yield
    }) : () -> ()
    "tpu.region"() ({
      %run_scoped3A = tpu.sem_alloc : memref<!tpu.dma_semaphore, #tpu.memory_space<semaphore_mem>>
      %dma_start3A_44 = tpu.memref_slice %arg4[%add3A_19] : memref<327680xi32, #tpu.memory_space<hbm>> -> memref<80xi32, #tpu.memory_space<hbm>>
      %dma_start3A_45 = tpu.memref_slice %arg4[%add3A_19] : memref<327680xi32, #tpu.memory_space<hbm>> -> memref<80xi32, #tpu.memory_space<hbm>>
      tpu.enqueue_dma source(%dma_start3A_45 : memref<80xi32, #tpu.memory_space<hbm>>) target(%arg10 : memref<80xi32, #tpu.memory_space<vmem>>) target_semaphore(%run_scoped3A : memref<!tpu.dma_semaphore, #tpu.memory_space<semaphore_mem>>)
      %dma_wait3A_46 = tpu.memref_slice %arg4[%add3A_19] : memref<327680xi32, #tpu.memory_space<hbm>> -> memref<80xi32, #tpu.memory_space<hbm>>
      %dma_wait3A_47 = tpu.memref_slice %arg4[%add3A_19] : memref<327680xi32, #tpu.memory_space<hbm>> -> memref<80xi32, #tpu.memory_space<hbm>>
      tpu.wait_dma2 semaphore(%run_scoped3A : memref<!tpu.dma_semaphore, #tpu.memory_space<semaphore_mem>>) src(%dma_wait3A_47 : memref<80xi32, #tpu.memory_space<hbm>>) dst(%arg10 : memref<80xi32, #tpu.memory_space<vmem>>)
      tpu.yield
    }) : () -> ()
    %dma_start3A_20 = arith.constant 0 : i32
    %dma_start3A_21 = arith.constant 0 : i32
    %dma_start3A_22 = tpu.memref_slice %arg2[%dma_start3A_20, %dma_start3A_21] : memref<10000x128xf32, #tpu.memory_space<hbm>> -> memref<10000x128xf32, #tpu.memory_space<hbm>>
    tpu.enqueue_indirect_dma source(%dma_start3A_22 : memref<10000x128xf32, #tpu.memory_space<hbm>>) target(%arg12 : memref<80x128xf32, #tpu.memory_space<vmem>>) offsets(%arg9 : memref<80xi32, #tpu.memory_space<vmem>>) semaphore(%arg15 : memref<!tpu.dma_semaphore, #tpu.memory_space<semaphore_mem>>)
    %dma_wait3A = arith.constant 0 : i32
    %dma_wait3A_23 = arith.constant 0 : i32
    %dma_wait3A_24 = tpu.memref_slice %arg2[%dma_wait3A, %dma_wait3A_23] : memref<10000x128xf32, #tpu.memory_space<hbm>> -> memref<80x128xf32, #tpu.memory_space<hbm>>
    %dma_wait3A_25 = arith.constant 0 : i32
    %dma_wait3A_26 = arith.constant 0 : i32
    %dma_wait3A_27 = tpu.memref_slice %arg2[%dma_wait3A_25, %dma_wait3A_26] : memref<10000x128xf32, #tpu.memory_space<hbm>> -> memref<80x128xf32, #tpu.memory_space<hbm>>
    tpu.wait_dma2 semaphore(%arg14 : memref<!tpu.dma_semaphore, #tpu.memory_space<semaphore_mem>>) src(%dma_wait3A_27 : memref<80x128xf32, #tpu.memory_space<hbm>>) dst(%arg11 : memref<80x128xf32, #tpu.memory_space<vmem>>)
    "tpu.region"() ({
      %run_scoped3A = tpu.sem_alloc : memref<!tpu.dma_semaphore, #tpu.memory_space<semaphore_mem>>
      %dma_start3A_44 = arith.constant 0 : i32
      %dma_start3A_45 = arith.constant 0 : i32
      %dma_start3A_46 = tpu.memref_slice %arg13[%dma_start3A_44, %dma_start3A_45] : memref<10016x128xf32, #tpu.memory_space<vmem_shared>> -> memref<10016x128xf32, #tpu.memory_space<vmem_shared>>
      tpu.enqueue_indirect_dma source(%arg11 : memref<80x128xf32, #tpu.memory_space<vmem>>) target(%dma_start3A_46 : memref<10016x128xf32, #tpu.memory_space<vmem_shared>>) offsets(%arg8 : memref<80xi32, #tpu.memory_space<vmem>>) semaphore(%run_scoped3A : memref<!tpu.dma_semaphore, #tpu.memory_space<semaphore_mem>>) {add = true}
      %dma_wait3A_47 = arith.constant 0 : i32
      %dma_wait3A_48 = arith.constant 0 : i32
      %dma_wait3A_49 = tpu.memref_slice %arg13[%dma_wait3A_47, %dma_wait3A_48] : memref<10016x128xf32, #tpu.memory_space<vmem_shared>> -> memref<10016x128xf32, #tpu.memory_space<vmem_shared>>
      tpu.wait_indirect_dma semaphore(%run_scoped3A : memref<!tpu.dma_semaphore, #tpu.memory_space<semaphore_mem>>) src(%arg11 : memref<80x128xf32, #tpu.memory_space<vmem>>) dst(%dma_wait3A_49 : memref<10016x128xf32, #tpu.memory_space<vmem_shared>>)
      tpu.yield
    }) : () -> ()
    %dma_wait3A_28 = arith.constant 0 : i32
    %dma_wait3A_29 = arith.constant 0 : i32
    %dma_wait3A_30 = tpu.memref_slice %arg2[%dma_wait3A_28, %dma_wait3A_29] : memref<10000x128xf32, #tpu.memory_space<hbm>> -> memref<80x128xf32, #tpu.memory_space<hbm>>
    %dma_wait3A_31 = arith.constant 0 : i32
    %dma_wait3A_32 = arith.constant 0 : i32
    %dma_wait3A_33 = tpu.memref_slice %arg2[%dma_wait3A_31, %dma_wait3A_32] : memref<10000x128xf32, #tpu.memory_space<hbm>> -> memref<80x128xf32, #tpu.memory_space<hbm>>
    tpu.wait_dma2 semaphore(%arg15 : memref<!tpu.dma_semaphore, #tpu.memory_space<semaphore_mem>>) src(%dma_wait3A_33 : memref<80x128xf32, #tpu.memory_space<hbm>>) dst(%arg12 : memref<80x128xf32, #tpu.memory_space<vmem>>)
    "tpu.region"() ({
      %run_scoped3A = tpu.sem_alloc : memref<!tpu.dma_semaphore, #tpu.memory_space<semaphore_mem>>
      %dma_start3A_44 = arith.constant 0 : i32
      %dma_start3A_45 = arith.constant 0 : i32
      %dma_start3A_46 = tpu.memref_slice %arg13[%dma_start3A_44, %dma_start3A_45] : memref<10016x128xf32, #tpu.memory_space<vmem_shared>> -> memref<10016x128xf32, #tpu.memory_space<vmem_shared>>
      tpu.enqueue_indirect_dma source(%arg12 : memref<80x128xf32, #tpu.memory_space<vmem>>) target(%dma_start3A_46 : memref<10016x128xf32, #tpu.memory_space<vmem_shared>>) offsets(%arg10 : memref<80xi32, #tpu.memory_space<vmem>>) semaphore(%run_scoped3A : memref<!tpu.dma_semaphore, #tpu.memory_space<semaphore_mem>>) {add = true}
      %dma_wait3A_47 = arith.constant 0 : i32
      %dma_wait3A_48 = arith.constant 0 : i32
      %dma_wait3A_49 = tpu.memref_slice %arg13[%dma_wait3A_47, %dma_wait3A_48] : memref<10016x128xf32, #tpu.memory_space<vmem_shared>> -> memref<10016x128xf32, #tpu.memory_space<vmem_shared>>
      tpu.wait_indirect_dma semaphore(%run_scoped3A : memref<!tpu.dma_semaphore, #tpu.memory_space<semaphore_mem>>) src(%arg12 : memref<80x128xf32, #tpu.memory_space<vmem>>) dst(%dma_wait3A_49 : memref<10016x128xf32, #tpu.memory_space<vmem_shared>>)
      tpu.yield
    }) : () -> ()
    %barrier3A_34 = arith.constant 0 : index
    tpu.barrier barrier_id(%barrier3A_34)
    %mul3A_35 = arith.constant 624 : i32
    %mul3A_36 = arith.muli %arg1, %mul3A_35 : i32
    %mul3A_37 = arith.constant 624 : i32
    %mul3A_38 = arith.muli %arg1, %mul3A_37 : i32
    "tpu.region"() ({
      %run_scoped3A = tpu.sem_alloc : memref<!tpu.dma_semaphore, #tpu.memory_space<semaphore_mem>>
      %dma_start3A_44 = arith.constant 0 : i32
      %dma_start3A_45 = tpu.memref_slice %arg6[%arg0, %mul3A_38, %dma_start3A_44] : memref<2x10000x128xf32, #tpu.memory_space<hbm>> -> memref<1x624x128xf32, #tpu.memory_space<hbm>>
      %dma_start3A_46 = tpu.memref_squeeze %dma_start3A_45 : memref<1x624x128xf32, #tpu.memory_space<hbm>> -> memref<624x128xf32, #tpu.memory_space<hbm>>
      %dma_start3A_47 = arith.constant 0 : i32
      %dma_start3A_48 = tpu.memref_slice %arg13[%mul3A_36, %dma_start3A_47] : memref<10016x128xf32, #tpu.memory_space<vmem_shared>> -> memref<624x128xf32, #tpu.memory_space<vmem_shared>>
      tpu.enqueue_dma source(%dma_start3A_48 : memref<624x128xf32, #tpu.memory_space<vmem_shared>>) target(%dma_start3A_46 : memref<624x128xf32, #tpu.memory_space<hbm>>) target_semaphore(%run_scoped3A : memref<!tpu.dma_semaphore, #tpu.memory_space<semaphore_mem>>)
      %dma_wait3A_49 = arith.constant 0 : i32
      %dma_wait3A_50 = tpu.memref_slice %arg6[%arg0, %mul3A_38, %dma_wait3A_49] : memref<2x10000x128xf32, #tpu.memory_space<hbm>> -> memref<1x624x128xf32, #tpu.memory_space<hbm>>
      %dma_wait3A_51 = tpu.memref_squeeze %dma_wait3A_50 : memref<1x624x128xf32, #tpu.memory_space<hbm>> -> memref<624x128xf32, #tpu.memory_space<hbm>>
      %dma_wait3A_52 = arith.constant 0 : i32
      %dma_wait3A_53 = tpu.memref_slice %arg13[%mul3A_36, %dma_wait3A_52] : memref<10016x128xf32, #tpu.memory_space<vmem_shared>> -> memref<624x128xf32, #tpu.memory_space<vmem_shared>>
      tpu.wait_dma2 semaphore(%run_scoped3A : memref<!tpu.dma_semaphore, #tpu.memory_space<semaphore_mem>>) src(%dma_wait3A_53 : memref<624x128xf32, #tpu.memory_space<vmem_shared>>) dst(%dma_wait3A_51 : memref<624x128xf32, #tpu.memory_space<hbm>>)
      tpu.yield
    }) : () -> ()
    %eq3A_39 = arith.constant 0 : i32
    %eq3A_40 = arith.cmpi eq, %arg1, %eq3A_39 : i32
    %convert_element_type3A_41 = arith.extui %eq3A_40 : i1 to i32
    %cond3A_42 = arith.constant 0 : i32
    %cond3A_43 = arith.cmpi ne, %convert_element_type3A_41, %cond3A_42 : i32
    scf.if %cond3A_43 {
      "tpu.region"() ({
        %run_scoped3A = tpu.sem_alloc : memref<!tpu.dma_semaphore, #tpu.memory_space<semaphore_mem>>
        %dma_start3A_44 = arith.constant 9984 : i32
        %dma_start3A_45 = arith.constant 0 : i32
        %dma_start3A_46 = tpu.memref_slice %arg6[%arg0, %dma_start3A_44, %dma_start3A_45] : memref<2x10000x128xf32, #tpu.memory_space<hbm>> -> memref<1x16x128xf32, #tpu.memory_space<hbm>>
        %dma_start3A_47 = tpu.memref_squeeze %dma_start3A_46 : memref<1x16x128xf32, #tpu.memory_space<hbm>> -> memref<16x128xf32, #tpu.memory_space<hbm>>
        %dma_start3A_48 = arith.constant 9984 : i32
        %dma_start3A_49 = arith.constant 0 : i32
        %dma_start3A_50 = tpu.memref_slice %arg13[%dma_start3A_48, %dma_start3A_49] : memref<10016x128xf32, #tpu.memory_space<vmem_shared>> -> memref<16x128xf32, #tpu.memory_space<vmem_shared>>
        tpu.enqueue_dma source(%dma_start3A_50 : memref<16x128xf32, #tpu.memory_space<vmem_shared>>) target(%dma_start3A_47 : memref<16x128xf32, #tpu.memory_space<hbm>>) target_semaphore(%run_scoped3A : memref<!tpu.dma_semaphore, #tpu.memory_space<semaphore_mem>>)
        %dma_wait3A_51 = arith.constant 9984 : i32
        %dma_wait3A_52 = arith.constant 0 : i32
        %dma_wait3A_53 = tpu.memref_slice %arg6[%arg0, %dma_wait3A_51, %dma_wait3A_52] : memref<2x10000x128xf32, #tpu.memory_space<hbm>> -> memref<1x16x128xf32, #tpu.memory_space<hbm>>
        %dma_wait3A_54 = tpu.memref_squeeze %dma_wait3A_53 : memref<1x16x128xf32, #tpu.memory_space<hbm>> -> memref<16x128xf32, #tpu.memory_space<hbm>>
        %dma_wait3A_55 = arith.constant 9984 : i32
        %dma_wait3A_56 = arith.constant 0 : i32
        %dma_wait3A_57 = tpu.memref_slice %arg13[%dma_wait3A_55, %dma_wait3A_56] : memref<10016x128xf32, #tpu.memory_space<vmem_shared>> -> memref<16x128xf32, #tpu.memory_space<vmem_shared>>
        tpu.wait_dma2 semaphore(%run_scoped3A : memref<!tpu.dma_semaphore, #tpu.memory_space<semaphore_mem>>) src(%dma_wait3A_57 : memref<16x128xf32, #tpu.memory_space<vmem_shared>>) dst(%dma_wait3A_54 : memref<16x128xf32, #tpu.memory_space<hbm>>)
        tpu.yield
      }) : () -> ()
    } else {
    }
    return
  }
}

#map = affine_map<(d0, d1) -> (0, 0)>
#map1 = affine_map<(d0, d1) -> (0)>
#map2 = affine_map<(d0, d1) -> (0, 0, 0)>
module attributes {stable_mosaic.version = 14 : i64} {
  func.func @seg_sum(%arg0: i32, %arg1: i32, %arg2: memref<10000x128xf32, #tpu.memory_space<hbm>>, %arg3: memref<327680xi32, #tpu.memory_space<hbm>>, %arg4: memref<327680xi32, #tpu.memory_space<hbm>>, %arg5: memref<10000x128xf32, #tpu.memory_space<hbm>>, %arg6: memref<2x10000x128xf32, #tpu.memory_space<hbm>>, %arg7: memref<80xi32, #tpu.memory_space<vmem>>, %arg8: memref<80xi32, #tpu.memory_space<vmem>>, %arg9: memref<80xi32, #tpu.memory_space<vmem>>, %arg10: memref<80xi32, #tpu.memory_space<vmem>>, %arg11: memref<80x128xf32, #tpu.memory_space<vmem>>, %arg12: memref<80x128xf32, #tpu.memory_space<vmem>>, %arg13: memref<10016x128xf32, #tpu.memory_space<vmem_shared>>, %arg14: memref<!tpu.dma_semaphore, #tpu.memory_space<semaphore_mem>>, %arg15: memref<!tpu.dma_semaphore, #tpu.memory_space<semaphore_mem>>) attributes {dimension_semantics = [#tpu.dimension_semantics<core_parallel>, #tpu.dimension_semantics<subcore_parallel>], iteration_bounds = array<i64: 2, 16>, scalar_prefetch = 0 : i64, scratch_operands = 9 : i64, tpu.core_type = #tpu.core_type<sc_vector_subcore>, window_params = [{transform_indices = #map}, {transform_indices = #map1}, {transform_indices = #map1}, {transform_indices = #map}, {transform_indices = #map2}]} {
    %mul3A = arith.constant 2 : i32
    %mul3A_0 = arith.muli %arg1, %mul3A : i32
    %add3A = arith.addi %mul3A_0, %arg0 : i32
    %mul3A_1 = arith.constant 624 : i32
    %mul3A_2 = arith.muli %arg1, %mul3A_1 : i32
    %mul3A_3 = arith.constant 624 : i32
    %mul3A_4 = arith.muli %arg1, %mul3A_3 : i32
    "tpu.region"() ({
      %run_scoped3A = tpu.sem_alloc : memref<!tpu.dma_semaphore, #tpu.memory_space<semaphore_mem>>
      %dma_start3A_44 = arith.constant 0 : i32
      %dma_start3A_45 = tpu.memref_slice %arg13[%mul3A_4, %dma_start3A_44] : memref<10016x128xf32, #tpu.memory_space<vmem_shared>> -> memref<624x128xf32, #tpu.memory_space<vmem_shared>>
      %dma_start3A_46 = arith.constant 0 : i32
      %dma_start3A_47 = tpu.memref_slice %arg5[%mul3A_2, %dma_start3A_46] : memref<10000x128xf32, #tpu.memory_space<hbm>> -> memref<624x128xf32, #tpu.memory_space<hbm>>
      tpu.enqueue_dma source(%dma_start3A_47 : memref<624x128xf32, #tpu.memory_space<hbm>>) target(%dma_start3A_45 : memref<624x128xf32, #tpu.memory_space<vmem_shared>>) target_semaphore(%run_scoped3A : memref<!tpu.dma_semaphore, #tpu.memory_space<semaphore_mem>>)
      %dma_wait3A_48 = arith.constant 0 : i32
      %dma_wait3A_49 = tpu.memref_slice %arg13[%mul3A_4, %dma_wait3A_48] : memref<10016x128xf32, #tpu.memory_space<vmem_shared>> -> memref<624x128xf32, #tpu.memory_space<vmem_shared>>
      %dma_wait3A_50 = arith.constant 0 : i32
      %dma_wait3A_51 = tpu.memref_slice %arg5[%mul3A_2, %dma_wait3A_50] : memref<10000x128xf32, #tpu.memory_space<hbm>> -> memref<624x128xf32, #tpu.memory_space<hbm>>
      tpu.wait_dma2 semaphore(%run_scoped3A : memref<!tpu.dma_semaphore, #tpu.memory_space<semaphore_mem>>) src(%dma_wait3A_51 : memref<624x128xf32, #tpu.memory_space<hbm>>) dst(%dma_wait3A_49 : memref<624x128xf32, #tpu.memory_space<vmem_shared>>)
      tpu.yield
    }) : () -> ()
    %eq3A = arith.constant 0 : i32
    %eq3A_5 = arith.cmpi eq, %arg1, %eq3A : i32
    %convert_element_type3A = arith.extui %eq3A_5 : i1 to i32
    %cond3A = arith.constant 0 : i32
    %cond3A_6 = arith.cmpi ne, %convert_element_type3A, %cond3A : i32
    scf.if %cond3A_6 {
      "tpu.region"() ({
        %run_scoped3A = tpu.sem_alloc : memref<!tpu.dma_semaphore, #tpu.memory_space<semaphore_mem>>
        %dma_start3A_44 = arith.constant 9984 : i32
        %dma_start3A_45 = arith.constant 0 : i32
        %dma_start3A_46 = tpu.memref_slice %arg13[%dma_start3A_44, %dma_start3A_45] : memref<10016x128xf32, #tpu.memory_space<vmem_shared>> -> memref<16x128xf32, #tpu.memory_space<vmem_shared>>
        %dma_start3A_47 = arith.constant 9984 : i32
        %dma_start3A_48 = arith.constant 0 : i32
        %dma_start3A_49 = tpu.memref_slice %arg5[%dma_start3A_47, %dma_start3A_48] : memref<10000x128xf32, #tpu.memory_space<hbm>> -> memref<16x128xf32, #tpu.memory_space<hbm>>
        tpu.enqueue_dma source(%dma_start3A_49 : memref<16x128xf32, #tpu.memory_space<hbm>>) target(%dma_start3A_46 : memref<16x128xf32, #tpu.memory_space<vmem_shared>>) target_semaphore(%run_scoped3A : memref<!tpu.dma_semaphore, #tpu.memory_space<semaphore_mem>>)
        %dma_wait3A_50 = arith.constant 9984 : i32
        %dma_wait3A_51 = arith.constant 0 : i32
        %dma_wait3A_52 = tpu.memref_slice %arg13[%dma_wait3A_50, %dma_wait3A_51] : memref<10016x128xf32, #tpu.memory_space<vmem_shared>> -> memref<16x128xf32, #tpu.memory_space<vmem_shared>>
        %dma_wait3A_53 = arith.constant 9984 : i32
        %dma_wait3A_54 = arith.constant 0 : i32
        %dma_wait3A_55 = tpu.memref_slice %arg5[%dma_wait3A_53, %dma_wait3A_54] : memref<10000x128xf32, #tpu.memory_space<hbm>> -> memref<16x128xf32, #tpu.memory_space<hbm>>
        tpu.wait_dma2 semaphore(%run_scoped3A : memref<!tpu.dma_semaphore, #tpu.memory_space<semaphore_mem>>) src(%dma_wait3A_55 : memref<16x128xf32, #tpu.memory_space<hbm>>) dst(%dma_wait3A_52 : memref<16x128xf32, #tpu.memory_space<vmem_shared>>)
        tpu.yield
      }) : () -> ()
    } else {
    }
    %barrier3A = arith.constant 0 : index
    tpu.barrier barrier_id(%barrier3A)
    %mul3A_7 = arith.constant 10240 : i32
    %mul3A_8 = arith.muli %add3A, %mul3A_7 : i32
    %add3A_9 = arith.constant 0 : i32
    %add3A_10 = arith.addi %mul3A_8, %add3A_9 : i32
    "tpu.region"() ({
      %run_scoped3A = tpu.sem_alloc : memref<!tpu.dma_semaphore, #tpu.memory_space<semaphore_mem>>
      %dma_start3A_44 = tpu.memref_slice %arg3[%add3A_10] : memref<327680xi32, #tpu.memory_space<hbm>> -> memref<80xi32, #tpu.memory_space<hbm>>
      %dma_start3A_45 = tpu.memref_slice %arg3[%add3A_10] : memref<327680xi32, #tpu.memory_space<hbm>> -> memref<80xi32, #tpu.memory_space<hbm>>
      tpu.enqueue_dma source(%dma_start3A_45 : memref<80xi32, #tpu.memory_space<hbm>>) target(%arg7 : memref<80xi32, #tpu.memory_space<vmem>>) target_semaphore(%run_scoped3A : memref<!tpu.dma_semaphore, #tpu.memory_space<semaphore_mem>>)
      %dma_wait3A_46 = tpu.memref_slice %arg3[%add3A_10] : memref<327680xi32, #tpu.memory_space<hbm>> -> memref<80xi32, #tpu.memory_space<hbm>>
      %dma_wait3A_47 = tpu.memref_slice %arg3[%add3A_10] : memref<327680xi32, #tpu.memory_space<hbm>> -> memref<80xi32, #tpu.memory_space<hbm>>
      tpu.wait_dma2 semaphore(%run_scoped3A : memref<!tpu.dma_semaphore, #tpu.memory_space<semaphore_mem>>) src(%dma_wait3A_47 : memref<80xi32, #tpu.memory_space<hbm>>) dst(%arg7 : memref<80xi32, #tpu.memory_space<vmem>>)
      tpu.yield
    }) : () -> ()
    "tpu.region"() ({
      %run_scoped3A = tpu.sem_alloc : memref<!tpu.dma_semaphore, #tpu.memory_space<semaphore_mem>>
      %dma_start3A_44 = tpu.memref_slice %arg4[%add3A_10] : memref<327680xi32, #tpu.memory_space<hbm>> -> memref<80xi32, #tpu.memory_space<hbm>>
      %dma_start3A_45 = tpu.memref_slice %arg4[%add3A_10] : memref<327680xi32, #tpu.memory_space<hbm>> -> memref<80xi32, #tpu.memory_space<hbm>>
      tpu.enqueue_dma source(%dma_start3A_45 : memref<80xi32, #tpu.memory_space<hbm>>) target(%arg8 : memref<80xi32, #tpu.memory_space<vmem>>) target_semaphore(%run_scoped3A : memref<!tpu.dma_semaphore, #tpu.memory_space<semaphore_mem>>)
      %dma_wait3A_46 = tpu.memref_slice %arg4[%add3A_10] : memref<327680xi32, #tpu.memory_space<hbm>> -> memref<80xi32, #tpu.memory_space<hbm>>
      %dma_wait3A_47 = tpu.memref_slice %arg4[%add3A_10] : memref<327680xi32, #tpu.memory_space<hbm>> -> memref<80xi32, #tpu.memory_space<hbm>>
      tpu.wait_dma2 semaphore(%run_scoped3A : memref<!tpu.dma_semaphore, #tpu.memory_space<semaphore_mem>>) src(%dma_wait3A_47 : memref<80xi32, #tpu.memory_space<hbm>>) dst(%arg8 : memref<80xi32, #tpu.memory_space<vmem>>)
      tpu.yield
    }) : () -> ()
    %dma_start3A = arith.constant 0 : i32
    %dma_start3A_11 = arith.constant 0 : i32
    %dma_start3A_12 = tpu.memref_slice %arg2[%dma_start3A, %dma_start3A_11] : memref<10000x128xf32, #tpu.memory_space<hbm>> -> memref<10000x128xf32, #tpu.memory_space<hbm>>
    tpu.enqueue_indirect_dma source(%dma_start3A_12 : memref<10000x128xf32, #tpu.memory_space<hbm>>) target(%arg11 : memref<80x128xf32, #tpu.memory_space<vmem>>) offsets(%arg7 : memref<80xi32, #tpu.memory_space<vmem>>) semaphore(%arg14 : memref<!tpu.dma_semaphore, #tpu.memory_space<semaphore_mem>>)
    %scan3A = arith.constant 0 : i32
    %scan3A_13 = arith.constant 0 : i32
    %scan3A_14 = arith.constant 63 : i32
    %scan3A_15 = arith.addi %scan3A_13, %scan3A_14 : i32
    %scan3A_16 = arith.constant 1 : i32
    scf.for %scan3A_44 = %scan3A_13 to %scan3A_15 step %scan3A_16  : i32 {
      %mul3A_45 = arith.constant 2 : i32
      %mul3A_46 = arith.muli %scan3A_44, %mul3A_45 : i32
      %add3A_47 = arith.constant 0 : i32
      %add3A_48 = arith.addi %mul3A_46, %add3A_47 : i32
      %add3A_49 = arith.constant 1 : i32
      %add3A_50 = arith.addi %add3A_48, %add3A_49 : i32
      %mul3A_51 = arith.constant 80 : i32
      %mul3A_52 = arith.muli %add3A_50, %mul3A_51 : i32
      %add3A_53 = arith.addi %mul3A_8, %mul3A_52 : i32
      "tpu.region"() ({
        %run_scoped3A = tpu.sem_alloc : memref<!tpu.dma_semaphore, #tpu.memory_space<semaphore_mem>>
        %dma_start3A_79 = tpu.memref_slice %arg3[%add3A_53] : memref<327680xi32, #tpu.memory_space<hbm>> -> memref<80xi32, #tpu.memory_space<hbm>>
        %dma_start3A_80 = tpu.memref_slice %arg3[%add3A_53] : memref<327680xi32, #tpu.memory_space<hbm>> -> memref<80xi32, #tpu.memory_space<hbm>>
        tpu.enqueue_dma source(%dma_start3A_80 : memref<80xi32, #tpu.memory_space<hbm>>) target(%arg9 : memref<80xi32, #tpu.memory_space<vmem>>) target_semaphore(%run_scoped3A : memref<!tpu.dma_semaphore, #tpu.memory_space<semaphore_mem>>)
        %dma_wait3A_81 = tpu.memref_slice %arg3[%add3A_53] : memref<327680xi32, #tpu.memory_space<hbm>> -> memref<80xi32, #tpu.memory_space<hbm>>
        %dma_wait3A_82 = tpu.memref_slice %arg3[%add3A_53] : memref<327680xi32, #tpu.memory_space<hbm>> -> memref<80xi32, #tpu.memory_space<hbm>>
        tpu.wait_dma2 semaphore(%run_scoped3A : memref<!tpu.dma_semaphore, #tpu.memory_space<semaphore_mem>>) src(%dma_wait3A_82 : memref<80xi32, #tpu.memory_space<hbm>>) dst(%arg9 : memref<80xi32, #tpu.memory_space<vmem>>)
        tpu.yield
      }) : () -> ()
      "tpu.region"() ({
        %run_scoped3A = tpu.sem_alloc : memref<!tpu.dma_semaphore, #tpu.memory_space<semaphore_mem>>
        %dma_start3A_79 = tpu.memref_slice %arg4[%add3A_53] : memref<327680xi32, #tpu.memory_space<hbm>> -> memref<80xi32, #tpu.memory_space<hbm>>
        %dma_start3A_80 = tpu.memref_slice %arg4[%add3A_53] : memref<327680xi32, #tpu.memory_space<hbm>> -> memref<80xi32, #tpu.memory_space<hbm>>
        tpu.enqueue_dma source(%dma_start3A_80 : memref<80xi32, #tpu.memory_space<hbm>>) target(%arg10 : memref<80xi32, #tpu.memory_space<vmem>>) target_semaphore(%run_scoped3A : memref<!tpu.dma_semaphore, #tpu.memory_space<semaphore_mem>>)
        %dma_wait3A_81 = tpu.memref_slice %arg4[%add3A_53] : memref<327680xi32, #tpu.memory_space<hbm>> -> memref<80xi32, #tpu.memory_space<hbm>>
        %dma_wait3A_82 = tpu.memref_slice %arg4[%add3A_53] : memref<327680xi32, #tpu.memory_space<hbm>> -> memref<80xi32, #tpu.memory_space<hbm>>
        tpu.wait_dma2 semaphore(%run_scoped3A : memref<!tpu.dma_semaphore, #tpu.memory_space<semaphore_mem>>) src(%dma_wait3A_82 : memref<80xi32, #tpu.memory_space<hbm>>) dst(%arg10 : memref<80xi32, #tpu.memory_space<vmem>>)
        tpu.yield
      }) : () -> ()
      %dma_start3A_54 = arith.constant 0 : i32
      %dma_start3A_55 = arith.constant 0 : i32
      %dma_start3A_56 = tpu.memref_slice %arg2[%dma_start3A_54, %dma_start3A_55] : memref<10000x128xf32, #tpu.memory_space<hbm>> -> memref<10000x128xf32, #tpu.memory_space<hbm>>
      tpu.enqueue_indirect_dma source(%dma_start3A_56 : memref<10000x128xf32, #tpu.memory_space<hbm>>) target(%arg12 : memref<80x128xf32, #tpu.memory_space<vmem>>) offsets(%arg9 : memref<80xi32, #tpu.memory_space<vmem>>) semaphore(%arg15 : memref<!tpu.dma_semaphore, #tpu.memory_space<semaphore_mem>>)
      %dma_wait3A_57 = arith.constant 0 : i32
      %dma_wait3A_58 = arith.constant 0 : i32
      %dma_wait3A_59 = tpu.memref_slice %arg2[%dma_wait3A_57, %dma_wait3A_58] : memref<10000x128xf32, #tpu.memory_space<hbm>> -> memref<80x128xf32, #tpu.memory_space<hbm>>
      %dma_wait3A_60 = arith.constant 0 : i32
      %dma_wait3A_61 = arith.constant 0 : i32
      %dma_wait3A_62 = tpu.memref_slice %arg2[%dma_wait3A_60, %dma_wait3A_61] : memref<10000x128xf32, #tpu.memory_space<hbm>> -> memref<80x128xf32, #tpu.memory_space<hbm>>
      tpu.wait_dma2 semaphore(%arg14 : memref<!tpu.dma_semaphore, #tpu.memory_space<semaphore_mem>>) src(%dma_wait3A_62 : memref<80x128xf32, #tpu.memory_space<hbm>>) dst(%arg11 : memref<80x128xf32, #tpu.memory_space<vmem>>)
      "tpu.region"() ({
        %run_scoped3A = tpu.sem_alloc : memref<!tpu.dma_semaphore, #tpu.memory_space<semaphore_mem>>
        %dma_start3A_79 = arith.constant 0 : i32
        %dma_start3A_80 = arith.constant 0 : i32
        %dma_start3A_81 = tpu.memref_slice %arg13[%dma_start3A_79, %dma_start3A_80] : memref<10016x128xf32, #tpu.memory_space<vmem_shared>> -> memref<10016x128xf32, #tpu.memory_space<vmem_shared>>
        tpu.enqueue_indirect_dma source(%arg11 : memref<80x128xf32, #tpu.memory_space<vmem>>) target(%dma_start3A_81 : memref<10016x128xf32, #tpu.memory_space<vmem_shared>>) offsets(%arg8 : memref<80xi32, #tpu.memory_space<vmem>>) semaphore(%run_scoped3A : memref<!tpu.dma_semaphore, #tpu.memory_space<semaphore_mem>>) {add = true}
        %dma_wait3A_82 = arith.constant 0 : i32
        %dma_wait3A_83 = arith.constant 0 : i32
        %dma_wait3A_84 = tpu.memref_slice %arg13[%dma_wait3A_82, %dma_wait3A_83] : memref<10016x128xf32, #tpu.memory_space<vmem_shared>> -> memref<10016x128xf32, #tpu.memory_space<vmem_shared>>
        tpu.wait_indirect_dma semaphore(%run_scoped3A : memref<!tpu.dma_semaphore, #tpu.memory_space<semaphore_mem>>) src(%arg11 : memref<80x128xf32, #tpu.memory_space<vmem>>) dst(%dma_wait3A_84 : memref<10016x128xf32, #tpu.memory_space<vmem_shared>>)
        tpu.yield
      }) : () -> ()
      %add3A_63 = arith.constant 1 : i32
      %add3A_64 = arith.addi %mul3A_46, %add3A_63 : i32
      %add3A_65 = arith.constant 1 : i32
      %add3A_66 = arith.addi %add3A_64, %add3A_65 : i32
      %mul3A_67 = arith.constant 80 : i32
      %mul3A_68 = arith.muli %add3A_66, %mul3A_67 : i32
      %add3A_69 = arith.addi %mul3A_8, %mul3A_68 : i32
      "tpu.region"() ({
        %run_scoped3A = tpu.sem_alloc : memref<!tpu.dma_semaphore, #tpu.memory_space<semaphore_mem>>
        %dma_start3A_79 = tpu.memref_slice %arg3[%add3A_69] : memref<327680xi32, #tpu.memory_space<hbm>> -> memref<80xi32, #tpu.memory_space<hbm>>
        %dma_start3A_80 = tpu.memref_slice %arg3[%add3A_69] : memref<327680xi32, #tpu.memory_space<hbm>> -> memref<80xi32, #tpu.memory_space<hbm>>
        tpu.enqueue_dma source(%dma_start3A_80 : memref<80xi32, #tpu.memory_space<hbm>>) target(%arg7 : memref<80xi32, #tpu.memory_space<vmem>>) target_semaphore(%run_scoped3A : memref<!tpu.dma_semaphore, #tpu.memory_space<semaphore_mem>>)
        %dma_wait3A_81 = tpu.memref_slice %arg3[%add3A_69] : memref<327680xi32, #tpu.memory_space<hbm>> -> memref<80xi32, #tpu.memory_space<hbm>>
        %dma_wait3A_82 = tpu.memref_slice %arg3[%add3A_69] : memref<327680xi32, #tpu.memory_space<hbm>> -> memref<80xi32, #tpu.memory_space<hbm>>
        tpu.wait_dma2 semaphore(%run_scoped3A : memref<!tpu.dma_semaphore, #tpu.memory_space<semaphore_mem>>) src(%dma_wait3A_82 : memref<80xi32, #tpu.memory_space<hbm>>) dst(%arg7 : memref<80xi32, #tpu.memory_space<vmem>>)
        tpu.yield
      }) : () -> ()
      "tpu.region"() ({
        %run_scoped3A = tpu.sem_alloc : memref<!tpu.dma_semaphore, #tpu.memory_space<semaphore_mem>>
        %dma_start3A_79 = tpu.memref_slice %arg4[%add3A_69] : memref<327680xi32, #tpu.memory_space<hbm>> -> memref<80xi32, #tpu.memory_space<hbm>>
        %dma_start3A_80 = tpu.memref_slice %arg4[%add3A_69] : memref<327680xi32, #tpu.memory_space<hbm>> -> memref<80xi32, #tpu.memory_space<hbm>>
        tpu.enqueue_dma source(%dma_start3A_80 : memref<80xi32, #tpu.memory_space<hbm>>) target(%arg8 : memref<80xi32, #tpu.memory_space<vmem>>) target_semaphore(%run_scoped3A : memref<!tpu.dma_semaphore, #tpu.memory_space<semaphore_mem>>)
        %dma_wait3A_81 = tpu.memref_slice %arg4[%add3A_69] : memref<327680xi32, #tpu.memory_space<hbm>> -> memref<80xi32, #tpu.memory_space<hbm>>
        %dma_wait3A_82 = tpu.memref_slice %arg4[%add3A_69] : memref<327680xi32, #tpu.memory_space<hbm>> -> memref<80xi32, #tpu.memory_space<hbm>>
        tpu.wait_dma2 semaphore(%run_scoped3A : memref<!tpu.dma_semaphore, #tpu.memory_space<semaphore_mem>>) src(%dma_wait3A_82 : memref<80xi32, #tpu.memory_space<hbm>>) dst(%arg8 : memref<80xi32, #tpu.memory_space<vmem>>)
        tpu.yield
      }) : () -> ()
      %dma_start3A_70 = arith.constant 0 : i32
      %dma_start3A_71 = arith.constant 0 : i32
      %dma_start3A_72 = tpu.memref_slice %arg2[%dma_start3A_70, %dma_start3A_71] : memref<10000x128xf32, #tpu.memory_space<hbm>> -> memref<10000x128xf32, #tpu.memory_space<hbm>>
      tpu.enqueue_indirect_dma source(%dma_start3A_72 : memref<10000x128xf32, #tpu.memory_space<hbm>>) target(%arg11 : memref<80x128xf32, #tpu.memory_space<vmem>>) offsets(%arg7 : memref<80xi32, #tpu.memory_space<vmem>>) semaphore(%arg14 : memref<!tpu.dma_semaphore, #tpu.memory_space<semaphore_mem>>)
      %dma_wait3A_73 = arith.constant 0 : i32
      %dma_wait3A_74 = arith.constant 0 : i32
      %dma_wait3A_75 = tpu.memref_slice %arg2[%dma_wait3A_73, %dma_wait3A_74] : memref<10000x128xf32, #tpu.memory_space<hbm>> -> memref<80x128xf32, #tpu.memory_space<hbm>>
      %dma_wait3A_76 = arith.constant 0 : i32
      %dma_wait3A_77 = arith.constant 0 : i32
      %dma_wait3A_78 = tpu.memref_slice %arg2[%dma_wait3A_76, %dma_wait3A_77] : memref<10000x128xf32, #tpu.memory_space<hbm>> -> memref<80x128xf32, #tpu.memory_space<hbm>>
      tpu.wait_dma2 semaphore(%arg15 : memref<!tpu.dma_semaphore, #tpu.memory_space<semaphore_mem>>) src(%dma_wait3A_78 : memref<80x128xf32, #tpu.memory_space<hbm>>) dst(%arg12 : memref<80x128xf32, #tpu.memory_space<vmem>>)
      "tpu.region"() ({
        %run_scoped3A = tpu.sem_alloc : memref<!tpu.dma_semaphore, #tpu.memory_space<semaphore_mem>>
        %dma_start3A_79 = arith.constant 0 : i32
        %dma_start3A_80 = arith.constant 0 : i32
        %dma_start3A_81 = tpu.memref_slice %arg13[%dma_start3A_79, %dma_start3A_80] : memref<10016x128xf32, #tpu.memory_space<vmem_shared>> -> memref<10016x128xf32, #tpu.memory_space<vmem_shared>>
        tpu.enqueue_indirect_dma source(%arg12 : memref<80x128xf32, #tpu.memory_space<vmem>>) target(%dma_start3A_81 : memref<10016x128xf32, #tpu.memory_space<vmem_shared>>) offsets(%arg10 : memref<80xi32, #tpu.memory_space<vmem>>) semaphore(%run_scoped3A : memref<!tpu.dma_semaphore, #tpu.memory_space<semaphore_mem>>) {add = true}
        %dma_wait3A_82 = arith.constant 0 : i32
        %dma_wait3A_83 = arith.constant 0 : i32
        %dma_wait3A_84 = tpu.memref_slice %arg13[%dma_wait3A_82, %dma_wait3A_83] : memref<10016x128xf32, #tpu.memory_space<vmem_shared>> -> memref<10016x128xf32, #tpu.memory_space<vmem_shared>>
        tpu.wait_indirect_dma semaphore(%run_scoped3A : memref<!tpu.dma_semaphore, #tpu.memory_space<semaphore_mem>>) src(%arg12 : memref<80x128xf32, #tpu.memory_space<vmem>>) dst(%dma_wait3A_84 : memref<10016x128xf32, #tpu.memory_space<vmem_shared>>)
        tpu.yield
      }) : () -> ()
    }
    %scan3A_17 = arith.constant 63 : i32
    %add3A_18 = arith.constant 10160 : i32
    %add3A_19 = arith.addi %mul3A_8, %add3A_18 : i32
    "tpu.region"() ({
      %run_scoped3A = tpu.sem_alloc : memref<!tpu.dma_semaphore, #tpu.memory_space<semaphore_mem>>
      %dma_start3A_44 = tpu.memref_slice %arg3[%add3A_19] : memref<327680xi32, #tpu.memory_space<hbm>> -> memref<80xi32, #tpu.memory_space<hbm>>
      %dma_start3A_45 = tpu.memref_slice %arg3[%add3A_19] : memref<327680xi32, #tpu.memory_space<hbm>> -> memref<80xi32, #tpu.memory_space<hbm>>
      tpu.enqueue_dma source(%dma_start3A_45 : memref<80xi32, #tpu.memory_space<hbm>>) target(%arg9 : memref<80xi32, #tpu.memory_space<vmem>>) target_semaphore(%run_scoped3A : memref<!tpu.dma_semaphore, #tpu.memory_space<semaphore_mem>>)
      %dma_wait3A_46 = tpu.memref_slice %arg3[%add3A_19] : memref<327680xi32, #tpu.memory_space<hbm>> -> memref<80xi32, #tpu.memory_space<hbm>>
      %dma_wait3A_47 = tpu.memref_slice %arg3[%add3A_19] : memref<327680xi32, #tpu.memory_space<hbm>> -> memref<80xi32, #tpu.memory_space<hbm>>
      tpu.wait_dma2 semaphore(%run_scoped3A : memref<!tpu.dma_semaphore, #tpu.memory_space<semaphore_mem>>) src(%dma_wait3A_47 : memref<80xi32, #tpu.memory_space<hbm>>) dst(%arg9 : memref<80xi32, #tpu.memory_space<vmem>>)
      tpu.yield
    }) : () -> ()
    "tpu.region"() ({
      %run_scoped3A = tpu.sem_alloc : memref<!tpu.dma_semaphore, #tpu.memory_space<semaphore_mem>>
      %dma_start3A_44 = tpu.memref_slice %arg4[%add3A_19] : memref<327680xi32, #tpu.memory_space<hbm>> -> memref<80xi32, #tpu.memory_space<hbm>>
      %dma_start3A_45 = tpu.memref_slice %arg4[%add3A_19] : memref<327680xi32, #tpu.memory_space<hbm>> -> memref<80xi32, #tpu.memory_space<hbm>>
      tpu.enqueue_dma source(%dma_start3A_45 : memref<80xi32, #tpu.memory_space<hbm>>) target(%arg10 : memref<80xi32, #tpu.memory_space<vmem>>) target_semaphore(%run_scoped3A : memref<!tpu.dma_semaphore, #tpu.memory_space<semaphore_mem>>)
      %dma_wait3A_46 = tpu.memref_slice %arg4[%add3A_19] : memref<327680xi32, #tpu.memory_space<hbm>> -> memref<80xi32, #tpu.memory_space<hbm>>
      %dma_wait3A_47 = tpu.memref_slice %arg4[%add3A_19] : memref<327680xi32, #tpu.memory_space<hbm>> -> memref<80xi32, #tpu.memory_space<hbm>>
      tpu.wait_dma2 semaphore(%run_scoped3A : memref<!tpu.dma_semaphore, #tpu.memory_space<semaphore_mem>>) src(%dma_wait3A_47 : memref<80xi32, #tpu.memory_space<hbm>>) dst(%arg10 : memref<80xi32, #tpu.memory_space<vmem>>)
      tpu.yield
    }) : () -> ()
    %dma_start3A_20 = arith.constant 0 : i32
    %dma_start3A_21 = arith.constant 0 : i32
    %dma_start3A_22 = tpu.memref_slice %arg2[%dma_start3A_20, %dma_start3A_21] : memref<10000x128xf32, #tpu.memory_space<hbm>> -> memref<10000x128xf32, #tpu.memory_space<hbm>>
    tpu.enqueue_indirect_dma source(%dma_start3A_22 : memref<10000x128xf32, #tpu.memory_space<hbm>>) target(%arg12 : memref<80x128xf32, #tpu.memory_space<vmem>>) offsets(%arg9 : memref<80xi32, #tpu.memory_space<vmem>>) semaphore(%arg15 : memref<!tpu.dma_semaphore, #tpu.memory_space<semaphore_mem>>)
    %dma_wait3A = arith.constant 0 : i32
    %dma_wait3A_23 = arith.constant 0 : i32
    %dma_wait3A_24 = tpu.memref_slice %arg2[%dma_wait3A, %dma_wait3A_23] : memref<10000x128xf32, #tpu.memory_space<hbm>> -> memref<80x128xf32, #tpu.memory_space<hbm>>
    %dma_wait3A_25 = arith.constant 0 : i32
    %dma_wait3A_26 = arith.constant 0 : i32
    %dma_wait3A_27 = tpu.memref_slice %arg2[%dma_wait3A_25, %dma_wait3A_26] : memref<10000x128xf32, #tpu.memory_space<hbm>> -> memref<80x128xf32, #tpu.memory_space<hbm>>
    tpu.wait_dma2 semaphore(%arg14 : memref<!tpu.dma_semaphore, #tpu.memory_space<semaphore_mem>>) src(%dma_wait3A_27 : memref<80x128xf32, #tpu.memory_space<hbm>>) dst(%arg11 : memref<80x128xf32, #tpu.memory_space<vmem>>)
    "tpu.region"() ({
      %run_scoped3A = tpu.sem_alloc : memref<!tpu.dma_semaphore, #tpu.memory_space<semaphore_mem>>
      %dma_start3A_44 = arith.constant 0 : i32
      %dma_start3A_45 = arith.constant 0 : i32
      %dma_start3A_46 = tpu.memref_slice %arg13[%dma_start3A_44, %dma_start3A_45] : memref<10016x128xf32, #tpu.memory_space<vmem_shared>> -> memref<10016x128xf32, #tpu.memory_space<vmem_shared>>
      tpu.enqueue_indirect_dma source(%arg11 : memref<80x128xf32, #tpu.memory_space<vmem>>) target(%dma_start3A_46 : memref<10016x128xf32, #tpu.memory_space<vmem_shared>>) offsets(%arg8 : memref<80xi32, #tpu.memory_space<vmem>>) semaphore(%run_scoped3A : memref<!tpu.dma_semaphore, #tpu.memory_space<semaphore_mem>>) {add = true}
      %dma_wait3A_47 = arith.constant 0 : i32
      %dma_wait3A_48 = arith.constant 0 : i32
      %dma_wait3A_49 = tpu.memref_slice %arg13[%dma_wait3A_47, %dma_wait3A_48] : memref<10016x128xf32, #tpu.memory_space<vmem_shared>> -> memref<10016x128xf32, #tpu.memory_space<vmem_shared>>
      tpu.wait_indirect_dma semaphore(%run_scoped3A : memref<!tpu.dma_semaphore, #tpu.memory_space<semaphore_mem>>) src(%arg11 : memref<80x128xf32, #tpu.memory_space<vmem>>) dst(%dma_wait3A_49 : memref<10016x128xf32, #tpu.memory_space<vmem_shared>>)
      tpu.yield
    }) : () -> ()
    %dma_wait3A_28 = arith.constant 0 : i32
    %dma_wait3A_29 = arith.constant 0 : i32
    %dma_wait3A_30 = tpu.memref_slice %arg2[%dma_wait3A_28, %dma_wait3A_29] : memref<10000x128xf32, #tpu.memory_space<hbm>> -> memref<80x128xf32, #tpu.memory_space<hbm>>
    %dma_wait3A_31 = arith.constant 0 : i32
    %dma_wait3A_32 = arith.constant 0 : i32
    %dma_wait3A_33 = tpu.memref_slice %arg2[%dma_wait3A_31, %dma_wait3A_32] : memref<10000x128xf32, #tpu.memory_space<hbm>> -> memref<80x128xf32, #tpu.memory_space<hbm>>
    tpu.wait_dma2 semaphore(%arg15 : memref<!tpu.dma_semaphore, #tpu.memory_space<semaphore_mem>>) src(%dma_wait3A_33 : memref<80x128xf32, #tpu.memory_space<hbm>>) dst(%arg12 : memref<80x128xf32, #tpu.memory_space<vmem>>)
    "tpu.region"() ({
      %run_scoped3A = tpu.sem_alloc : memref<!tpu.dma_semaphore, #tpu.memory_space<semaphore_mem>>
      %dma_start3A_44 = arith.constant 0 : i32
      %dma_start3A_45 = arith.constant 0 : i32
      %dma_start3A_46 = tpu.memref_slice %arg13[%dma_start3A_44, %dma_start3A_45] : memref<10016x128xf32, #tpu.memory_space<vmem_shared>> -> memref<10016x128xf32, #tpu.memory_space<vmem_shared>>
      tpu.enqueue_indirect_dma source(%arg12 : memref<80x128xf32, #tpu.memory_space<vmem>>) target(%dma_start3A_46 : memref<10016x128xf32, #tpu.memory_space<vmem_shared>>) offsets(%arg10 : memref<80xi32, #tpu.memory_space<vmem>>) semaphore(%run_scoped3A : memref<!tpu.dma_semaphore, #tpu.memory_space<semaphore_mem>>) {add = true}
      %dma_wait3A_47 = arith.constant 0 : i32
      %dma_wait3A_48 = arith.constant 0 : i32
      %dma_wait3A_49 = tpu.memref_slice %arg13[%dma_wait3A_47, %dma_wait3A_48] : memref<10016x128xf32, #tpu.memory_space<vmem_shared>> -> memref<10016x128xf32, #tpu.memory_space<vmem_shared>>
      tpu.wait_indirect_dma semaphore(%run_scoped3A : memref<!tpu.dma_semaphore, #tpu.memory_space<semaphore_mem>>) src(%arg12 : memref<80x128xf32, #tpu.memory_space<vmem>>) dst(%dma_wait3A_49 : memref<10016x128xf32, #tpu.memory_space<vmem_shared>>)
      tpu.yield
    }) : () -> ()
    %barrier3A_34 = arith.constant 0 : index
    tpu.barrier barrier_id(%barrier3A_34)
    %mul3A_35 = arith.constant 624 : i32
    %mul3A_36 = arith.muli %arg1, %mul3A_35 : i32
    %mul3A_37 = arith.constant 624 : i32
    %mul3A_38 = arith.muli %arg1, %mul3A_37 : i32
    "tpu.region"() ({
      %run_scoped3A = tpu.sem_alloc : memref<!tpu.dma_semaphore, #tpu.memory_space<semaphore_mem>>
      %dma_start3A_44 = arith.constant 0 : i32
      %dma_start3A_45 = tpu.memref_slice %arg6[%arg0, %mul3A_38, %dma_start3A_44] : memref<2x10000x128xf32, #tpu.memory_space<hbm>> -> memref<1x624x128xf32, #tpu.memory_space<hbm>>
      %dma_start3A_46 = tpu.memref_squeeze %dma_start3A_45 : memref<1x624x128xf32, #tpu.memory_space<hbm>> -> memref<624x128xf32, #tpu.memory_space<hbm>>
      %dma_start3A_47 = arith.constant 0 : i32
      %dma_start3A_48 = tpu.memref_slice %arg13[%mul3A_36, %dma_start3A_47] : memref<10016x128xf32, #tpu.memory_space<vmem_shared>> -> memref<624x128xf32, #tpu.memory_space<vmem_shared>>
      tpu.enqueue_dma source(%dma_start3A_48 : memref<624x128xf32, #tpu.memory_space<vmem_shared>>) target(%dma_start3A_46 : memref<624x128xf32, #tpu.memory_space<hbm>>) target_semaphore(%run_scoped3A : memref<!tpu.dma_semaphore, #tpu.memory_space<semaphore_mem>>)
      %dma_wait3A_49 = arith.constant 0 : i32
      %dma_wait3A_50 = tpu.memref_slice %arg6[%arg0, %mul3A_38, %dma_wait3A_49] : memref<2x10000x128xf32, #tpu.memory_space<hbm>> -> memref<1x624x128xf32, #tpu.memory_space<hbm>>
      %dma_wait3A_51 = tpu.memref_squeeze %dma_wait3A_50 : memref<1x624x128xf32, #tpu.memory_space<hbm>> -> memref<624x128xf32, #tpu.memory_space<hbm>>
      %dma_wait3A_52 = arith.constant 0 : i32
      %dma_wait3A_53 = tpu.memref_slice %arg13[%mul3A_36, %dma_wait3A_52] : memref<10016x128xf32, #tpu.memory_space<vmem_shared>> -> memref<624x128xf32, #tpu.memory_space<vmem_shared>>
      tpu.wait_dma2 semaphore(%run_scoped3A : memref<!tpu.dma_semaphore, #tpu.memory_space<semaphore_mem>>) src(%dma_wait3A_53 : memref<624x128xf32, #tpu.memory_space<vmem_shared>>) dst(%dma_wait3A_51 : memref<624x128xf32, #tpu.memory_space<hbm>>)
      tpu.yield
    }) : () -> ()
    %eq3A_39 = arith.constant 0 : i32
    %eq3A_40 = arith.cmpi eq, %arg1, %eq3A_39 : i32
    %convert_element_type3A_41 = arith.extui %eq3A_40 : i1 to i32
    %cond3A_42 = arith.constant 0 : i32
    %cond3A_43 = arith.cmpi ne, %convert_element_type3A_41, %cond3A_42 : i32
    scf.if %cond3A_43 {
      "tpu.region"() ({
        %run_scoped3A = tpu.sem_alloc : memref<!tpu.dma_semaphore, #tpu.memory_space<semaphore_mem>>
        %dma_start3A_44 = arith.constant 9984 : i32
        %dma_start3A_45 = arith.constant 0 : i32
        %dma_start3A_46 = tpu.memref_slice %arg6[%arg0, %dma_start3A_44, %dma_start3A_45] : memref<2x10000x128xf32, #tpu.memory_space<hbm>> -> memref<1x16x128xf32, #tpu.memory_space<hbm>>
        %dma_start3A_47 = tpu.memref_squeeze %dma_start3A_46 : memref<1x16x128xf32, #tpu.memory_space<hbm>> -> memref<16x128xf32, #tpu.memory_space<hbm>>
        %dma_start3A_48 = arith.constant 9984 : i32
        %dma_start3A_49 = arith.constant 0 : i32
        %dma_start3A_50 = tpu.memref_slice %arg13[%dma_start3A_48, %dma_start3A_49] : memref<10016x128xf32, #tpu.memory_space<vmem_shared>> -> memref<16x128xf32, #tpu.memory_space<vmem_shared>>
        tpu.enqueue_dma source(%dma_start3A_50 : memref<16x128xf32, #tpu.memory_space<vmem_shared>>) target(%dma_start3A_47 : memref<16x128xf32, #tpu.memory_space<hbm>>) target_semaphore(%run_scoped3A : memref<!tpu.dma_semaphore, #tpu.memory_space<semaphore_mem>>)
        %dma_wait3A_51 = arith.constant 9984 : i32
        %dma_wait3A_52 = arith.constant 0 : i32
        %dma_wait3A_53 = tpu.memref_slice %arg6[%arg0, %dma_wait3A_51, %dma_wait3A_52] : memref<2x10000x128xf32, #tpu.memory_space<hbm>> -> memref<1x16x128xf32, #tpu.memory_space<hbm>>
        %dma_wait3A_54 = tpu.memref_squeeze %dma_wait3A_53 : memref<1x16x128xf32, #tpu.memory_space<hbm>> -> memref<16x128xf32, #tpu.memory_space<hbm>>
        %dma_wait3A_55 = arith.constant 9984 : i32
        %dma_wait3A_56 = arith.constant 0 : i32
        %dma_wait3A_57 = tpu.memref_slice %arg13[%dma_wait3A_55, %dma_wait3A_56] : memref<10016x128xf32, #tpu.memory_space<vmem_shared>> -> memref<16x128xf32, #tpu.memory_space<vmem_shared>>
        tpu.wait_dma2 semaphore(%run_scoped3A : memref<!tpu.dma_semaphore, #tpu.memory_space<semaphore_mem>>) src(%dma_wait3A_57 : memref<16x128xf32, #tpu.memory_space<vmem_shared>>) dst(%dma_wait3A_54 : memref<16x128xf32, #tpu.memory_space<hbm>>)
        tpu.yield
      }) : () -> ()
    } else {
    }
    return
  }
}

module attributes {stable_mosaic.version = 14 : i64} {
  func.func @_gin_dense_body(%arg0: memref<10000x128xf32, #tpu.memory_space<vmem>>, %arg1: memref<10000x128xf32, #tpu.memory_space<vmem>>, %arg2: memref<10000x128xf32, #tpu.memory_space<vmem>>, %arg3: memref<1x1xf32, #tpu.memory_space<vmem>>, %arg4: memref<128x256xf32, #tpu.memory_space<vmem>>, %arg5: memref<1x256xf32, #tpu.memory_space<vmem>>, %arg6: memref<1x256xf32, #tpu.memory_space<vmem>>, %arg7: memref<1x256xf32, #tpu.memory_space<vmem>>, %arg8: memref<256x128xf32, #tpu.memory_space<vmem>>, %arg9: memref<1x128xf32, #tpu.memory_space<vmem>>, %arg10: memref<10000x128xf32, #tpu.memory_space<vmem>>) attributes {dimension_semantics = [], scalar_prefetch = 0 : i64, scratch_operands = 0 : i64, tpu.core_type = #tpu.core_type<tc>} {
    %get3A = arith.constant 0 : index
    %get3A_0 = arith.constant 0 : index
    %get3A_1 = vector.load %arg3[%get3A, %get3A_0] : memref<1x1xf32, #tpu.memory_space<vmem>>, vector<1x1xf32>
    %get3A_2 = vector.extract %get3A_1[0, 0] : f32 from vector<1x1xf32>
    %get3A_3 = arith.constant 0 : index
    %get3A_4 = arith.constant 0 : index
    %get3A_5 = vector.load %arg0[%get3A_3, %get3A_4] : memref<10000x128xf32, #tpu.memory_space<vmem>>, vector<10000x128xf32>
    %mul3A = vector.broadcast %get3A_2 : f32 to vector<10000x128xf32>
    %mul3A_6 = arith.mulf %mul3A, %get3A_5 : vector<10000x128xf32>
    %get3A_7 = arith.constant 0 : index
    %get3A_8 = arith.constant 0 : index
    %get3A_9 = vector.load %arg1[%get3A_7, %get3A_8] : memref<10000x128xf32, #tpu.memory_space<vmem>>, vector<10000x128xf32>
    %add3A = arith.addf %mul3A_6, %get3A_9 : vector<10000x128xf32>
    %get3A_10 = arith.constant 0 : index
    %get3A_11 = arith.constant 0 : index
    %get3A_12 = vector.load %arg2[%get3A_10, %get3A_11] : memref<10000x128xf32, #tpu.memory_space<vmem>>, vector<10000x128xf32>
    %add3A_13 = arith.addf %add3A, %get3A_12 : vector<10000x128xf32>
    %get3A_14 = arith.constant 0 : index
    %get3A_15 = arith.constant 0 : index
    %get3A_16 = vector.load %arg4[%get3A_14, %get3A_15] : memref<128x256xf32, #tpu.memory_space<vmem>>, vector<128x256xf32>
    %dot_general3A = arith.constant dense<0.000000e+00> : vector<10000x256xf32>
    %dot_general3A_17 = tpu.matmul %add3A_13, %get3A_16, %dot_general3A {dimension_numbers = #tpu.dot_dimension_numbers<[1], [0], [0], [1], [0, 0, 1, 1], [], []>, transpose_lhs_hint = false} : vector<10000x128xf32>, vector<128x256xf32>, vector<10000x256xf32> -> vector<10000x256xf32>
    %get3A_18 = arith.constant 0 : index
    %get3A_19 = arith.constant 0 : index
    %get3A_20 = vector.load %arg5[%get3A_18, %get3A_19] : memref<1x256xf32, #tpu.memory_space<vmem>>, vector<1x256xf32>
    %add3A_21 = vector.broadcast %get3A_20 : vector<1x256xf32> to vector<10000x256xf32>
    %add3A_22 = arith.addf %dot_general3A_17, %add3A_21 : vector<10000x256xf32>
    %get3A_23 = arith.constant 0 : index
    %get3A_24 = arith.constant 0 : index
    %get3A_25 = vector.load %arg6[%get3A_23, %get3A_24] : memref<1x256xf32, #tpu.memory_space<vmem>>, vector<1x256xf32>
    %get3A_26 = arith.constant 0 : index
    %get3A_27 = arith.constant 0 : index
    %get3A_28 = vector.load %arg7[%get3A_26, %get3A_27] : memref<1x256xf32, #tpu.memory_space<vmem>>, vector<1x256xf32>
    %reduce_sum3A = arith.constant dense<0.000000e+00> : vector<256xf32>
    %reduce_sum3A_29 = vector.multi_reduction <add>, %add3A_22, %reduce_sum3A [0] : vector<10000x256xf32> to vector<256xf32>
    %broadcast_in_dim3A = vector.shape_cast %reduce_sum3A_29 : vector<256xf32> to vector<1x256xf32>
    %div3A = arith.constant 1.000000e+04 : f32
    %div3A_30 = vector.broadcast %div3A : f32 to vector<1x256xf32>
    %div3A_31 = arith.divf %broadcast_in_dim3A, %div3A_30 : vector<1x256xf32>
    %sub3A = vector.broadcast %div3A_31 : vector<1x256xf32> to vector<10000x256xf32>
    %sub3A_32 = arith.subf %add3A_22, %sub3A : vector<10000x256xf32>
    %sub3A_33 = vector.broadcast %div3A_31 : vector<1x256xf32> to vector<10000x256xf32>
    %sub3A_34 = arith.subf %add3A_22, %sub3A_33 : vector<10000x256xf32>
    %mul3A_35 = arith.mulf %sub3A_32, %sub3A_34 : vector<10000x256xf32>
    %reduce_sum3A_36 = arith.constant dense<0.000000e+00> : vector<256xf32>
    %reduce_sum3A_37 = vector.multi_reduction <add>, %mul3A_35, %reduce_sum3A_36 [0] : vector<10000x256xf32> to vector<256xf32>
    %broadcast_in_dim3A_38 = vector.shape_cast %reduce_sum3A_37 : vector<256xf32> to vector<1x256xf32>
    %div3A_39 = arith.constant 1.000000e+04 : f32
    %div3A_40 = vector.broadcast %div3A_39 : f32 to vector<1x256xf32>
    %div3A_41 = arith.divf %broadcast_in_dim3A_38, %div3A_40 : vector<1x256xf32>
    %sub3A_42 = vector.broadcast %div3A_31 : vector<1x256xf32> to vector<10000x256xf32>
    %sub3A_43 = arith.subf %add3A_22, %sub3A_42 : vector<10000x256xf32>
    %add3A_44 = arith.constant 9.99999974E-6 : f32
    %add3A_45 = vector.broadcast %add3A_44 : f32 to vector<1x256xf32>
    %add3A_46 = arith.addf %div3A_41, %add3A_45 : vector<1x256xf32>
    %sqrt3A = math.sqrt %add3A_46 : vector<1x256xf32>
    %div3A_47 = vector.broadcast %sqrt3A : vector<1x256xf32> to vector<10000x256xf32>
    %div3A_48 = arith.divf %sub3A_43, %div3A_47 : vector<10000x256xf32>
    %mul3A_49 = vector.broadcast %get3A_25 : vector<1x256xf32> to vector<10000x256xf32>
    %mul3A_50 = arith.mulf %div3A_48, %mul3A_49 : vector<10000x256xf32>
    %add3A_51 = vector.broadcast %get3A_28 : vector<1x256xf32> to vector<10000x256xf32>
    %add3A_52 = arith.addf %mul3A_50, %add3A_51 : vector<10000x256xf32>
    %max3A = arith.constant 0.000000e+00 : f32
    %max3A_53 = vector.broadcast %max3A : f32 to vector<10000x256xf32>
    %max3A_54 = arith.maximumf %add3A_52, %max3A_53 : vector<10000x256xf32>
    %get3A_55 = arith.constant 0 : index
    %get3A_56 = arith.constant 0 : index
    %get3A_57 = vector.load %arg8[%get3A_55, %get3A_56] : memref<256x128xf32, #tpu.memory_space<vmem>>, vector<256x128xf32>
    %dot_general3A_58 = arith.constant dense<0.000000e+00> : vector<10000x128xf32>
    %dot_general3A_59 = tpu.matmul %max3A_54, %get3A_57, %dot_general3A_58 {dimension_numbers = #tpu.dot_dimension_numbers<[1], [0], [0], [1], [0, 0, 1, 1], [], []>, transpose_lhs_hint = false} : vector<10000x256xf32>, vector<256x128xf32>, vector<10000x128xf32> -> vector<10000x128xf32>
    %get3A_60 = arith.constant 0 : index
    %get3A_61 = arith.constant 0 : index
    %get3A_62 = vector.load %arg9[%get3A_60, %get3A_61] : memref<1x128xf32, #tpu.memory_space<vmem>>, vector<1x128xf32>
    %add3A_63 = vector.broadcast %get3A_62 : vector<1x128xf32> to vector<10000x128xf32>
    %add3A_64 = arith.addf %dot_general3A_59, %add3A_63 : vector<10000x128xf32>
    %max3A_65 = arith.constant 0.000000e+00 : f32
    %max3A_66 = vector.broadcast %max3A_65 : f32 to vector<10000x128xf32>
    %max3A_67 = arith.maximumf %add3A_64, %max3A_66 : vector<10000x128xf32>
    %swap3A = arith.constant 0 : index
    %swap3A_68 = arith.constant 0 : index
    %swap3A_69 = vector.load %arg10[%swap3A, %swap3A_68] : memref<10000x128xf32, #tpu.memory_space<vmem>>, vector<10000x128xf32>
    tpu.vector_store %arg10[%swap3A, %swap3A_68], %max3A_67 {strides = array<i32>} : memref<10000x128xf32, #tpu.memory_space<vmem>>, vector<10000x128xf32>,
    return
  }
}

module attributes {stable_mosaic.version = 14 : i64} {
  func.func @_head_body(%arg0: memref<10000x128xf32, #tpu.memory_space<vmem>>, %arg1: memref<10000x128xf32, #tpu.memory_space<vmem>>, %arg2: memref<10000x128xf32, #tpu.memory_space<vmem>>, %arg3: memref<1x1xf32, #tpu.memory_space<vmem>>, %arg4: memref<128x256xf32, #tpu.memory_space<vmem>>, %arg5: memref<1x256xf32, #tpu.memory_space<vmem>>, %arg6: memref<1x256xf32, #tpu.memory_space<vmem>>, %arg7: memref<1x256xf32, #tpu.memory_space<vmem>>, %arg8: memref<256x128xf32, #tpu.memory_space<vmem>>, %arg9: memref<1x128xf32, #tpu.memory_space<vmem>>, %arg10: memref<1x10000xi32, #tpu.memory_space<vmem>>, %arg11: memref<128x256xf32, #tpu.memory_space<vmem>>, %arg12: memref<1x256xf32, #tpu.memory_space<vmem>>, %arg13: memref<1x256xf32, #tpu.memory_space<vmem>>, %arg14: memref<1x256xf32, #tpu.memory_space<vmem>>, %arg15: memref<256x128xf32, #tpu.memory_space<vmem>>, %arg16: memref<1x128xf32, #tpu.memory_space<vmem>>, %arg17: memref<1x128xf32, #tpu.memory_space<vmem>>, %arg18: memref<1x128xf32, #tpu.memory_space<vmem>>, %arg19: memref<128x10xf32, #tpu.memory_space<vmem>>, %arg20: memref<1x10xf32, #tpu.memory_space<vmem>>, %arg21: memref<128x10xf32, #tpu.memory_space<vmem>>) attributes {dimension_semantics = [], scalar_prefetch = 0 : i64, scratch_operands = 0 : i64, tpu.core_type = #tpu.core_type<tc>} {
    %get3A = arith.constant 0 : index
    %get3A_0 = arith.constant 0 : index
    %get3A_1 = vector.load %arg3[%get3A, %get3A_0] : memref<1x1xf32, #tpu.memory_space<vmem>>, vector<1x1xf32>
    %get3A_2 = vector.extract %get3A_1[0, 0] : f32 from vector<1x1xf32>
    %get3A_3 = arith.constant 0 : index
    %get3A_4 = arith.constant 0 : index
    %get3A_5 = vector.load %arg0[%get3A_3, %get3A_4] : memref<10000x128xf32, #tpu.memory_space<vmem>>, vector<10000x128xf32>
    %mul3A = vector.broadcast %get3A_2 : f32 to vector<10000x128xf32>
    %mul3A_6 = arith.mulf %mul3A, %get3A_5 : vector<10000x128xf32>
    %get3A_7 = arith.constant 0 : index
    %get3A_8 = arith.constant 0 : index
    %get3A_9 = vector.load %arg1[%get3A_7, %get3A_8] : memref<10000x128xf32, #tpu.memory_space<vmem>>, vector<10000x128xf32>
    %add3A = arith.addf %mul3A_6, %get3A_9 : vector<10000x128xf32>
    %get3A_10 = arith.constant 0 : index
    %get3A_11 = arith.constant 0 : index
    %get3A_12 = vector.load %arg2[%get3A_10, %get3A_11] : memref<10000x128xf32, #tpu.memory_space<vmem>>, vector<10000x128xf32>
    %add3A_13 = arith.addf %add3A, %get3A_12 : vector<10000x128xf32>
    %get3A_14 = arith.constant 0 : index
    %get3A_15 = arith.constant 0 : index
    %get3A_16 = vector.load %arg4[%get3A_14, %get3A_15] : memref<128x256xf32, #tpu.memory_space<vmem>>, vector<128x256xf32>
    %dot_general3A = arith.constant dense<0.000000e+00> : vector<10000x256xf32>
    %dot_general3A_17 = tpu.matmul %add3A_13, %get3A_16, %dot_general3A {dimension_numbers = #tpu.dot_dimension_numbers<[1], [0], [0], [1], [0, 0, 1, 1], [], []>, transpose_lhs_hint = false} : vector<10000x128xf32>, vector<128x256xf32>, vector<10000x256xf32> -> vector<10000x256xf32>
    %get3A_18 = arith.constant 0 : index
    %get3A_19 = arith.constant 0 : index
    %get3A_20 = vector.load %arg5[%get3A_18, %get3A_19] : memref<1x256xf32, #tpu.memory_space<vmem>>, vector<1x256xf32>
    %add3A_21 = vector.broadcast %get3A_20 : vector<1x256xf32> to vector<10000x256xf32>
    %add3A_22 = arith.addf %dot_general3A_17, %add3A_21 : vector<10000x256xf32>
    %get3A_23 = arith.constant 0 : index
    %get3A_24 = arith.constant 0 : index
    %get3A_25 = vector.load %arg6[%get3A_23, %get3A_24] : memref<1x256xf32, #tpu.memory_space<vmem>>, vector<1x256xf32>
    %get3A_26 = arith.constant 0 : index
    %get3A_27 = arith.constant 0 : index
    %get3A_28 = vector.load %arg7[%get3A_26, %get3A_27] : memref<1x256xf32, #tpu.memory_space<vmem>>, vector<1x256xf32>
    %reduce_sum3A = arith.constant dense<0.000000e+00> : vector<256xf32>
    %reduce_sum3A_29 = vector.multi_reduction <add>, %add3A_22, %reduce_sum3A [0] : vector<10000x256xf32> to vector<256xf32>
    %broadcast_in_dim3A = vector.shape_cast %reduce_sum3A_29 : vector<256xf32> to vector<1x256xf32>
    %div3A = arith.constant 1.000000e+04 : f32
    %div3A_30 = vector.broadcast %div3A : f32 to vector<1x256xf32>
    %div3A_31 = arith.divf %broadcast_in_dim3A, %div3A_30 : vector<1x256xf32>
    %sub3A = vector.broadcast %div3A_31 : vector<1x256xf32> to vector<10000x256xf32>
    %sub3A_32 = arith.subf %add3A_22, %sub3A : vector<10000x256xf32>
    %sub3A_33 = vector.broadcast %div3A_31 : vector<1x256xf32> to vector<10000x256xf32>
    %sub3A_34 = arith.subf %add3A_22, %sub3A_33 : vector<10000x256xf32>
    %mul3A_35 = arith.mulf %sub3A_32, %sub3A_34 : vector<10000x256xf32>
    %reduce_sum3A_36 = arith.constant dense<0.000000e+00> : vector<256xf32>
    %reduce_sum3A_37 = vector.multi_reduction <add>, %mul3A_35, %reduce_sum3A_36 [0] : vector<10000x256xf32> to vector<256xf32>
    %broadcast_in_dim3A_38 = vector.shape_cast %reduce_sum3A_37 : vector<256xf32> to vector<1x256xf32>
    %div3A_39 = arith.constant 1.000000e+04 : f32
    %div3A_40 = vector.broadcast %div3A_39 : f32 to vector<1x256xf32>
    %div3A_41 = arith.divf %broadcast_in_dim3A_38, %div3A_40 : vector<1x256xf32>
    %sub3A_42 = vector.broadcast %div3A_31 : vector<1x256xf32> to vector<10000x256xf32>
    %sub3A_43 = arith.subf %add3A_22, %sub3A_42 : vector<10000x256xf32>
    %add3A_44 = arith.constant 9.99999974E-6 : f32
    %add3A_45 = vector.broadcast %add3A_44 : f32 to vector<1x256xf32>
    %add3A_46 = arith.addf %div3A_41, %add3A_45 : vector<1x256xf32>
    %sqrt3A = math.sqrt %add3A_46 : vector<1x256xf32>
    %div3A_47 = vector.broadcast %sqrt3A : vector<1x256xf32> to vector<10000x256xf32>
    %div3A_48 = arith.divf %sub3A_43, %div3A_47 : vector<10000x256xf32>
    %mul3A_49 = vector.broadcast %get3A_25 : vector<1x256xf32> to vector<10000x256xf32>
    %mul3A_50 = arith.mulf %div3A_48, %mul3A_49 : vector<10000x256xf32>
    %add3A_51 = vector.broadcast %get3A_28 : vector<1x256xf32> to vector<10000x256xf32>
    %add3A_52 = arith.addf %mul3A_50, %add3A_51 : vector<10000x256xf32>
    %max3A = arith.constant 0.000000e+00 : f32
    %max3A_53 = vector.broadcast %max3A : f32 to vector<10000x256xf32>
    %max3A_54 = arith.maximumf %add3A_52, %max3A_53 : vector<10000x256xf32>
    %get3A_55 = arith.constant 0 : index
    %get3A_56 = arith.constant 0 : index
    %get3A_57 = vector.load %arg8[%get3A_55, %get3A_56] : memref<256x128xf32, #tpu.memory_space<vmem>>, vector<256x128xf32>
    %dot_general3A_58 = arith.constant dense<0.000000e+00> : vector<10000x128xf32>
    %dot_general3A_59 = tpu.matmul %max3A_54, %get3A_57, %dot_general3A_58 {dimension_numbers = #tpu.dot_dimension_numbers<[1], [0], [0], [1], [0, 0, 1, 1], [], []>, transpose_lhs_hint = false} : vector<10000x256xf32>, vector<256x128xf32>, vector<10000x128xf32> -> vector<10000x128xf32>
    %get3A_60 = arith.constant 0 : index
    %get3A_61 = arith.constant 0 : index
    %get3A_62 = vector.load %arg9[%get3A_60, %get3A_61] : memref<1x128xf32, #tpu.memory_space<vmem>>, vector<1x128xf32>
    %add3A_63 = vector.broadcast %get3A_62 : vector<1x128xf32> to vector<10000x128xf32>
    %add3A_64 = arith.addf %dot_general3A_59, %add3A_63 : vector<10000x128xf32>
    %max3A_65 = arith.constant 0.000000e+00 : f32
    %max3A_66 = vector.broadcast %max3A_65 : f32 to vector<10000x128xf32>
    %max3A_67 = arith.maximumf %add3A_64, %max3A_66 : vector<10000x128xf32>
    %iota3A = tpu.iota {dimensions = array<i32: 0>} : vector<128x10000xi32>
    %get3A_68 = arith.constant 0 : index
    %get3A_69 = arith.constant 0 : index
    %get3A_70 = vector.load %arg10[%get3A_68, %get3A_69] : memref<1x10000xi32, #tpu.memory_space<vmem>>, vector<1x10000xi32>
    %eq3A = vector.broadcast %get3A_70 : vector<1x10000xi32> to vector<128x10000xi32>
    %eq3A_71 = arith.cmpi eq, %iota3A, %eq3A : vector<128x10000xi32>
    %convert_element_type3A = arith.extui %eq3A_71 : vector<128x10000xi1> to vector<128x10000xi32>
    %convert_element_type3A_72 = arith.sitofp %convert_element_type3A : vector<128x10000xi32> to vector<128x10000xf32>
    %dot_general3A_73 = arith.constant dense<0.000000e+00> : vector<128x128xf32>
    %dot_general3A_74 = tpu.matmul %convert_element_type3A_72, %max3A_67, %dot_general3A_73 {dimension_numbers = #tpu.dot_dimension_numbers<[1], [0], [0], [1], [0, 0, 1, 1], [], []>, precision = #tpu.contract_precision<fp32>, transpose_lhs_hint = false} : vector<128x10000xf32>, vector<10000x128xf32>, vector<128x128xf32> -> vector<128x128xf32>
    %broadcast_in_dim3A_75 = arith.constant 1.000000e+00 : f32
    %broadcast_in_dim3A_76 = vector.broadcast %broadcast_in_dim3A_75 : f32 to vector<10000x1xf32>
    %dot_general3A_77 = arith.constant dense<0.000000e+00> : vector<128x1xf32>
    %dot_general3A_78 = tpu.matmul %convert_element_type3A_72, %broadcast_in_dim3A_76, %dot_general3A_77 {dimension_numbers = #tpu.dot_dimension_numbers<[1], [0], [0], [1], [0, 0, 1, 1], [], []>, precision = #tpu.contract_precision<fp32>, transpose_lhs_hint = false} : vector<128x10000xf32>, vector<10000x1xf32>, vector<128x1xf32> -> vector<128x1xf32>
    %max3A_79 = arith.constant 1.000000e+00 : f32
    %max3A_80 = vector.broadcast %max3A_79 : f32 to vector<128x1xf32>
    %max3A_81 = arith.maximumf %dot_general3A_78, %max3A_80 : vector<128x1xf32>
    %div3A_82 = vector.broadcast %max3A_81 : vector<128x1xf32> to vector<128x128xf32>
    %div3A_83 = arith.divf %dot_general3A_74, %div3A_82 : vector<128x128xf32>
    %get3A_84 = arith.constant 0 : index
    %get3A_85 = arith.constant 0 : index
    %get3A_86 = vector.load %arg11[%get3A_84, %get3A_85] : memref<128x256xf32, #tpu.memory_space<vmem>>, vector<128x256xf32>
    %dot_general3A_87 = arith.constant dense<0.000000e+00> : vector<128x256xf32>
    %dot_general3A_88 = tpu.matmul %div3A_83, %get3A_86, %dot_general3A_87 {dimension_numbers = #tpu.dot_dimension_numbers<[1], [0], [0], [1], [0, 0, 1, 1], [], []>, transpose_lhs_hint = false} : vector<128x128xf32>, vector<128x256xf32>, vector<128x256xf32> -> vector<128x256xf32>
    %get3A_89 = arith.constant 0 : index
    %get3A_90 = arith.constant 0 : index
    %get3A_91 = vector.load %arg12[%get3A_89, %get3A_90] : memref<1x256xf32, #tpu.memory_space<vmem>>, vector<1x256xf32>
    %add3A_92 = vector.broadcast %get3A_91 : vector<1x256xf32> to vector<128x256xf32>
    %add3A_93 = arith.addf %dot_general3A_88, %add3A_92 : vector<128x256xf32>
    %get3A_94 = arith.constant 0 : index
    %get3A_95 = arith.constant 0 : index
    %get3A_96 = vector.load %arg13[%get3A_94, %get3A_95] : memref<1x256xf32, #tpu.memory_space<vmem>>, vector<1x256xf32>
    %get3A_97 = arith.constant 0 : index
    %get3A_98 = arith.constant 0 : index
    %get3A_99 = vector.load %arg14[%get3A_97, %get3A_98] : memref<1x256xf32, #tpu.memory_space<vmem>>, vector<1x256xf32>
    %reduce_sum3A_100 = arith.constant dense<0.000000e+00> : vector<256xf32>
    %reduce_sum3A_101 = vector.multi_reduction <add>, %add3A_93, %reduce_sum3A_100 [0] : vector<128x256xf32> to vector<256xf32>
    %broadcast_in_dim3A_102 = vector.shape_cast %reduce_sum3A_101 : vector<256xf32> to vector<1x256xf32>
    %div3A_103 = arith.constant 1.280000e+02 : f32
    %div3A_104 = vector.broadcast %div3A_103 : f32 to vector<1x256xf32>
    %div3A_105 = arith.divf %broadcast_in_dim3A_102, %div3A_104 : vector<1x256xf32>
    %sub3A_106 = vector.broadcast %div3A_105 : vector<1x256xf32> to vector<128x256xf32>
    %sub3A_107 = arith.subf %add3A_93, %sub3A_106 : vector<128x256xf32>
    %sub3A_108 = vector.broadcast %div3A_105 : vector<1x256xf32> to vector<128x256xf32>
    %sub3A_109 = arith.subf %add3A_93, %sub3A_108 : vector<128x256xf32>
    %mul3A_110 = arith.mulf %sub3A_107, %sub3A_109 : vector<128x256xf32>
    %reduce_sum3A_111 = arith.constant dense<0.000000e+00> : vector<256xf32>
    %reduce_sum3A_112 = vector.multi_reduction <add>, %mul3A_110, %reduce_sum3A_111 [0] : vector<128x256xf32> to vector<256xf32>
    %broadcast_in_dim3A_113 = vector.shape_cast %reduce_sum3A_112 : vector<256xf32> to vector<1x256xf32>
    %div3A_114 = arith.constant 1.280000e+02 : f32
    %div3A_115 = vector.broadcast %div3A_114 : f32 to vector<1x256xf32>
    %div3A_116 = arith.divf %broadcast_in_dim3A_113, %div3A_115 : vector<1x256xf32>
    %sub3A_117 = vector.broadcast %div3A_105 : vector<1x256xf32> to vector<128x256xf32>
    %sub3A_118 = arith.subf %add3A_93, %sub3A_117 : vector<128x256xf32>
    %add3A_119 = arith.constant 9.99999974E-6 : f32
    %add3A_120 = vector.broadcast %add3A_119 : f32 to vector<1x256xf32>
    %add3A_121 = arith.addf %div3A_116, %add3A_120 : vector<1x256xf32>
    %sqrt3A_122 = math.sqrt %add3A_121 : vector<1x256xf32>
    %div3A_123 = vector.broadcast %sqrt3A_122 : vector<1x256xf32> to vector<128x256xf32>
    %div3A_124 = arith.divf %sub3A_118, %div3A_123 : vector<128x256xf32>
    %mul3A_125 = vector.broadcast %get3A_96 : vector<1x256xf32> to vector<128x256xf32>
    %mul3A_126 = arith.mulf %div3A_124, %mul3A_125 : vector<128x256xf32>
    %add3A_127 = vector.broadcast %get3A_99 : vector<1x256xf32> to vector<128x256xf32>
    %add3A_128 = arith.addf %mul3A_126, %add3A_127 : vector<128x256xf32>
    %max3A_129 = arith.constant 0.000000e+00 : f32
    %max3A_130 = vector.broadcast %max3A_129 : f32 to vector<128x256xf32>
    %max3A_131 = arith.maximumf %add3A_128, %max3A_130 : vector<128x256xf32>
    %get3A_132 = arith.constant 0 : index
    %get3A_133 = arith.constant 0 : index
    %get3A_134 = vector.load %arg15[%get3A_132, %get3A_133] : memref<256x128xf32, #tpu.memory_space<vmem>>, vector<256x128xf32>
    %dot_general3A_135 = arith.constant dense<0.000000e+00> : vector<128x128xf32>
    %dot_general3A_136 = tpu.matmul %max3A_131, %get3A_134, %dot_general3A_135 {dimension_numbers = #tpu.dot_dimension_numbers<[1], [0], [0], [1], [0, 0, 1, 1], [], []>, transpose_lhs_hint = false} : vector<128x256xf32>, vector<256x128xf32>, vector<128x128xf32> -> vector<128x128xf32>
    %get3A_137 = arith.constant 0 : index
    %get3A_138 = arith.constant 0 : index
    %get3A_139 = vector.load %arg16[%get3A_137, %get3A_138] : memref<1x128xf32, #tpu.memory_space<vmem>>, vector<1x128xf32>
    %add3A_140 = vector.broadcast %get3A_139 : vector<1x128xf32> to vector<128x128xf32>
    %add3A_141 = arith.addf %dot_general3A_136, %add3A_140 : vector<128x128xf32>
    %get3A_142 = arith.constant 0 : index
    %get3A_143 = arith.constant 0 : index
    %get3A_144 = vector.load %arg17[%get3A_142, %get3A_143] : memref<1x128xf32, #tpu.memory_space<vmem>>, vector<1x128xf32>
    %get3A_145 = arith.constant 0 : index
    %get3A_146 = arith.constant 0 : index
    %get3A_147 = vector.load %arg18[%get3A_145, %get3A_146] : memref<1x128xf32, #tpu.memory_space<vmem>>, vector<1x128xf32>
    %reduce_sum3A_148 = arith.constant dense<0.000000e+00> : vector<128xf32>
    %reduce_sum3A_149 = vector.multi_reduction <add>, %add3A_141, %reduce_sum3A_148 [0] : vector<128x128xf32> to vector<128xf32>
    %broadcast_in_dim3A_150 = vector.shape_cast %reduce_sum3A_149 : vector<128xf32> to vector<1x128xf32>
    %div3A_151 = arith.constant 1.280000e+02 : f32
    %div3A_152 = vector.broadcast %div3A_151 : f32 to vector<1x128xf32>
    %div3A_153 = arith.divf %broadcast_in_dim3A_150, %div3A_152 : vector<1x128xf32>
    %sub3A_154 = vector.broadcast %div3A_153 : vector<1x128xf32> to vector<128x128xf32>
    %sub3A_155 = arith.subf %add3A_141, %sub3A_154 : vector<128x128xf32>
    %sub3A_156 = vector.broadcast %div3A_153 : vector<1x128xf32> to vector<128x128xf32>
    %sub3A_157 = arith.subf %add3A_141, %sub3A_156 : vector<128x128xf32>
    %mul3A_158 = arith.mulf %sub3A_155, %sub3A_157 : vector<128x128xf32>
    %reduce_sum3A_159 = arith.constant dense<0.000000e+00> : vector<128xf32>
    %reduce_sum3A_160 = vector.multi_reduction <add>, %mul3A_158, %reduce_sum3A_159 [0] : vector<128x128xf32> to vector<128xf32>
    %broadcast_in_dim3A_161 = vector.shape_cast %reduce_sum3A_160 : vector<128xf32> to vector<1x128xf32>
    %div3A_162 = arith.constant 1.280000e+02 : f32
    %div3A_163 = vector.broadcast %div3A_162 : f32 to vector<1x128xf32>
    %div3A_164 = arith.divf %broadcast_in_dim3A_161, %div3A_163 : vector<1x128xf32>
    %sub3A_165 = vector.broadcast %div3A_153 : vector<1x128xf32> to vector<128x128xf32>
    %sub3A_166 = arith.subf %add3A_141, %sub3A_165 : vector<128x128xf32>
    %add3A_167 = arith.constant 9.99999974E-6 : f32
    %add3A_168 = vector.broadcast %add3A_167 : f32 to vector<1x128xf32>
    %add3A_169 = arith.addf %div3A_164, %add3A_168 : vector<1x128xf32>
    %sqrt3A_170 = math.sqrt %add3A_169 : vector<1x128xf32>
    %div3A_171 = vector.broadcast %sqrt3A_170 : vector<1x128xf32> to vector<128x128xf32>
    %div3A_172 = arith.divf %sub3A_166, %div3A_171 : vector<128x128xf32>
    %mul3A_173 = vector.broadcast %get3A_144 : vector<1x128xf32> to vector<128x128xf32>
    %mul3A_174 = arith.mulf %div3A_172, %mul3A_173 : vector<128x128xf32>
    %add3A_175 = vector.broadcast %get3A_147 : vector<1x128xf32> to vector<128x128xf32>
    %add3A_176 = arith.addf %mul3A_174, %add3A_175 : vector<128x128xf32>
    %max3A_177 = arith.constant 0.000000e+00 : f32
    %max3A_178 = vector.broadcast %max3A_177 : f32 to vector<128x128xf32>
    %max3A_179 = arith.maximumf %add3A_176, %max3A_178 : vector<128x128xf32>
    %get3A_180 = arith.constant 0 : index
    %get3A_181 = arith.constant 0 : index
    %get3A_182 = vector.load %arg19[%get3A_180, %get3A_181] : memref<128x10xf32, #tpu.memory_space<vmem>>, vector<128x10xf32>
    %dot_general3A_183 = arith.constant dense<0.000000e+00> : vector<128x10xf32>
    %dot_general3A_184 = tpu.matmul %max3A_179, %get3A_182, %dot_general3A_183 {dimension_numbers = #tpu.dot_dimension_numbers<[1], [0], [0], [1], [0, 0, 1, 1], [], []>, transpose_lhs_hint = false} : vector<128x128xf32>, vector<128x10xf32>, vector<128x10xf32> -> vector<128x10xf32>
    %get3A_185 = arith.constant 0 : index
    %get3A_186 = arith.constant 0 : index
    %get3A_187 = vector.load %arg20[%get3A_185, %get3A_186] : memref<1x10xf32, #tpu.memory_space<vmem>>, vector<1x10xf32>
    %add3A_188 = vector.broadcast %get3A_187 : vector<1x10xf32> to vector<128x10xf32>
    %add3A_189 = arith.addf %dot_general3A_184, %add3A_188 : vector<128x10xf32>
    %reduce_max3A = arith.constant dense<0xFF800000> : vector<128xf32>
    %reduce_max3A_190 = vector.multi_reduction <maximumf>, %add3A_189, %reduce_max3A [1] : vector<128x10xf32> to vector<128xf32>
    %broadcast_in_dim3A_191 = vector.shape_cast %reduce_max3A_190 : vector<128xf32> to vector<128x1xf32>
    %sub3A_192 = vector.broadcast %broadcast_in_dim3A_191 : vector<128x1xf32> to vector<128x10xf32>
    %sub3A_193 = arith.subf %add3A_189, %sub3A_192 : vector<128x10xf32>
    %exp3A = math.exp %sub3A_193 : vector<128x10xf32>
    %reduce_sum3A_194 = arith.constant dense<0.000000e+00> : vector<128xf32>
    %reduce_sum3A_195 = vector.multi_reduction <add>, %exp3A, %reduce_sum3A_194 [1] : vector<128x10xf32> to vector<128xf32>
    %broadcast_in_dim3A_196 = vector.shape_cast %reduce_sum3A_195 : vector<128xf32> to vector<128x1xf32>
    %div3A_197 = vector.broadcast %broadcast_in_dim3A_196 : vector<128x1xf32> to vector<128x10xf32>
    %div3A_198 = arith.divf %exp3A, %div3A_197 : vector<128x10xf32>
    %swap3A = arith.constant 0 : index
    %swap3A_199 = arith.constant 0 : index
    %swap3A_200 = vector.load %arg21[%swap3A, %swap3A_199] : memref<128x10xf32, #tpu.memory_space<vmem>>, vector<128x10xf32>
    tpu.vector_store %arg21[%swap3A, %swap3A_199], %div3A_198 {strides = array<i32>} : memref<128x10xf32, #tpu.memory_space<vmem>>, vector<128x10xf32>,
    return
  }
}

</mosaic_0001>

<sc_bundles>
// kernel: kernel.11.cloned.1.call-start
scs
__scs_entry_jumppad:
0x0: {  	(pc) =	sbr.rel $0x88, $3  }
0x1: {  	(tag) =	ssettag $0x0;
	lr =	simm.s32 $0x1  }
0x2: {  	[smem:$0x3F7F] =	sst lr;
	_ =	strace $0xD0000000  }
0x3: {  	_ = 	snop  }
0x4: {  	_ = 	snop  }
0x5: {  	_ = 	snop  }
0x6: {  	_ = 	snop  }
0x7: {  	_ = 	snop  }
__scs_overlays_trampoline_lowered:
0x8: {  	[smem:$0x3F8E] =	sst s0  }
0x9: {  	[smem:$0x3F8F] =	sst s1  }
0xa: {  	[smem:$0x3F90] =	sst s2  }
0xb: {  	[smem:$0x3F91] =	sst s3  }
0xc: {  	[smem:$0x3F92] =	sst s4  }
0xd: {  	[smem:$0x3F93] =	sst s5  }
0xe: {  	[smem:$0x3F94] =	sst s6  }
0xf: {  	[smem:$0x3F95] =	sst s7  }
0x10: {  	[smem:$0x3F96] =	sst s8  }
0x11: {  	[smem:$0x3F97] =	sst s9;
	s0 =	simm.s32 @!p0 $0x0  }
0x12: {  	s1 =	sld [smem:$0x3F7D];
	s0 =	simm.s32 @p0 $0x1  }
0x13: {  	[smem:$0x3F98] =	sst s0;
	s0 =	simm.s32 @!p1 $0x0  }
0x14: {  	s2 =	sld [smem:$0x3F7C];
	s0 =	simm.s32 @p1 $0x1  }
0x15: {  	[smem:$0x3F99] =	sst s0;
	s0 =	simm.s32 @!p2 $0x0  }
0x16: {  	s3 =	sld [smem:$0x3FDB];
	s0 =	simm.s32 @p2 $0x1  }
0x17: {  	s4 =	simm.s32 $0x1BF5;
	[smem:$0x3F9B] =	sst s0  }
0x18: {  	s0 =	sld [smem:$0x3F7E];
	_ =	swait.ge [sflag:s4], $0x0  }
0x19: {  	s7 =	sld [smem:$0x3F7F]  }
0x1a: {  	s8 =	sadd.s32 $0xFFFFE003, lr  }
0x1b: {  	s9 =	sadd.s32 $0xFFFFFEF7, lr;
	s5 =	simm.s32 $0xFFFFFFFF;
	p2 =	slt.u32 s8, $0xFFFFF086  }
0x1c: {  	p1 =	slt.u32 s9, $0xF7A;
	s5 =	simm.s32 @!p2 $0x0  }
0x1d: {  	s5 =	simm.s32 @p1 $0x1;
	p0 =	seq.s32 s7, s2  }
0x1e: {  	s7 =	smul.u32 @!p0 $0xF7A, s2;
	p2 =	seq.s32 @!p0 s5, $0x0  }
0x1f: {  	s9 =	smul.u32 $0xF7A, s1;
	s8 =	simm.s32 @!p0 $0x1BF5;
	p2 =	por !p2, p0  }
0x20: {  	[sflag:s8] =	ssyncset.s32 @!p0 $0xFFFFF086;
	s6 =	sadd.s32 @!p0 s3, s7;
	s7 =	simm.s32 @!p0 $0x108  }
0x21: {  	s3 =	sadd.s32 s3, s9;
	s6 =	sadd.s32 @!p0 $0x88, s6;
	s7 =	simm.s32 @p2 $0x1082  }
0x22: {  	[simem:s7], [sflag:s8] =	dma.local @!p0 [hbm:s6], $0xF7A  }
0x23: {  	s9 =	sor.u32 $0xD0000000, s2;
	s6 =	simm.s32 $0x108;
	_ =	swait.ge @!p0 [sflag:s8], $0x0  }
0x24: {  	s3 =	sadd.s32 $0x88, s3;
	s6 =	simm.s32 @!p1 $0x1082;
	[sflag:s4] =	ssyncset.s32 $0xFFFFF086  }
0x25: {  	[simem:s6], [sflag:s4] =	dma.local [hbm:s3], $0xF7A  }
0x26: {  	[smem:$0x3F7F] =	sst s1;
	(tag) =	ssettag s2;
	_ =	strace s9  }
0x27: {  	s1 =	sld [smem:$0x3F8F]  }
0x28: {  	s2 =	sld [smem:$0x3F90]  }
0x29: {  	s4 =	sld [smem:$0x3F92]  }
0x2a: {  	p0 =	seq.s32 s5, $0x0;
	s5 =	sld [smem:$0x3F93]  }
0x2b: {  	s6 =	sld [smem:$0x3F94]  }
0x2c: {  	s7 =	sld [smem:$0x3F95]  }
0x2d: {  	s3 =	simm.s32 $0x108;
	s8 =	sld [smem:$0x3F96]  }
0x2e: {  	s3 =	simm.s32 @!p0 $0x1082;
	s9 =	sld [smem:$0x3F97]  }
0x2f: {  	lr =	sadd.s32 s0, s3;
	s0 =	sld [smem:$0x3F8E]  }
0x30: {  	s3 =	sld [smem:$0x3F91]  }
0x31: {  	[smem:$0x3F9A] =	sst s10  }
0x32: {  	s10 =	sld [smem:$0x3F98];
	_ =	sdelay $0x3  }
0x33: {  	p0 =	seq.s32 s10, $0x1;
	s10 =	sld [smem:$0x3F9A];
	_ =	sdelay $0x3  }
0x34: {  	[smem:$0x3F9A] =	sst s10  }
0x35: {  	s10 =	sld [smem:$0x3F99];
	_ =	sdelay $0x3  }
0x36: {  	p1 =	seq.s32 s10, $0x1;
	s10 =	sld [smem:$0x3F9A];
	_ =	sdelay $0x3  }
0x37: {  	[smem:$0x3F9A] =	sst s10  }
0x38: {  	s10 =	sld [smem:$0x3F9B]  }
0x39: {  	_ = 	snop;
	(pc) =	sbr.ind lr, $3  }
0x3a: {  	_ = 	snop  }
0x3b: {  	_ = 	snop  }
0x3c: {  	p2 =	seq.s32 s10, $0x1;
	s10 =	sld [smem:$0x3F9A]  }
0x3d: {  	_ =	shalt  }
0x3e: {  	_ =	shalt  }
0x3f: {  	_ =	shalt  }
0x40: {  	_ =	shalt  }
0x41: {  	_ =	shalt  }
0x42: {  	_ =	shalt  }
0x43: {  	_ =	shalt  }
0x44: {  	_ =	shalt  }
0x45: {  	_ =	shalt  }
0x46: {  	_ =	shalt  }
0x47: {  	_ =	shalt  }
0x48: {  	_ =	shalt  }
0x49: {  	_ =	shalt  }
0x4a: {  	_ =	shalt  }
0x4b: {  	_ =	shalt  }
0x4c: {  	_ =	shalt  }
0x4d: {  	_ =	shalt  }
0x4e: {  	_ =	shalt  }
0x4f: {  	_ =	shalt  }
0x50: {  	_ =	shalt  }
0x51: {  	_ =	shalt  }
0x52: {  	_ =	shalt  }
0x53: {  	_ =	shalt  }
0x54: {  	_ =	shalt  }
0x55: {  	_ =	shalt  }
0x56: {  	_ =	shalt  }
0x57: {  	_ =	shalt  }
0x58: {  	_ =	shalt  }
0x59: {  	_ =	shalt  }
0x5a: {  	_ =	shalt  }
0x5b: {  	_ =	shalt  }
0x5c: {  	_ =	shalt  }
0x5d: {  	_ =	shalt  }
0x5e: {  	_ =	shalt  }
0x5f: {  	_ =	shalt  }
0x60: {  	_ =	shalt  }
0x61: {  	_ =	shalt  }
0x62: {  	_ =	shalt  }
0x63: {  	_ =	shalt  }
0x64: {  	_ =	shalt  }
0x65: {  	_ =	shalt  }
0x66: {  	_ =	shalt  }
0x67: {  	_ =	shalt  }
0x68: {  	_ =	shalt  }
0x69: {  	_ =	shalt  }
0x6a: {  	_ =	shalt  }
0x6b: {  	_ =	shalt  }
0x6c: {  	_ =	shalt  }
0x6d: {  	_ =	shalt  }
0x6e: {  	_ =	shalt  }
0x6f: {  	_ =	shalt  }
0x70: {  	_ =	shalt  }
0x71: {  	_ =	shalt  }
0x72: {  	_ =	shalt  }
0x73: {  	_ =	shalt  }
0x74: {  	_ =	shalt  }
0x75: {  	_ =	shalt  }
0x76: {  	_ =	shalt  }
0x77: {  	_ =	shalt  }
0x78: {  	_ =	shalt  }
0x79: {  	_ =	shalt  }
0x7a: {  	_ =	shalt  }
0x7b: {  	_ =	shalt  }
0x7c: {  	_ =	shalt  }
0x7d: {  	_ =	shalt  }
0x7e: {  	_ =	shalt  }
0x7f: {  	_ =	shalt  }
0x80: {  	_ =	shalt  }
0x81: {  	_ =	shalt  }
0x82: {  	_ =	shalt  }
0x83: {  	_ =	shalt  }
0x84: {  	_ =	shalt  }
0x85: {  	_ =	shalt  }
0x86: {  	_ =	shalt  }
0x87: {  	_ =	shalt  }
.Lfunc_end0:
.L_simem_size_0:
called_computation.1_lowered:
.L_overlay_start_0:
0x88: {  	s2 =	sld [smem:$0x3FD9]  }
0x89: {  	s3 =	sld [smem:$0x3FFE];
	_ =	sdelay $0x1  }
0x8a: {  	s1 =	srdreg.scid  }
0x8b: {  	s0 =	sand.u32 $0x1, s1  }
0x8c: {  	s16 =	sshll.u32 s0, $0xA;
	s2 =	sadd.s32 s3, s2  }
0x8d: {  	s2 =	sadd.s32 s2, s16  }
0x8e: {  	[smem:$0x3FA6] =	sst s2  }
0x8f: {  	_ = 	snop  }
0x90: {  	(tm) =	ssettm $0x1  }
0x91: {  	s17 =	sld [smem:$0x3FFB];
	_ =	sdelay $0x3  }
0x92: {  	_ =	strace s17  }
0x93: {  	s2 =	sld [smem:$0x3FFC];
	_ =	sdelay $0x3  }
0x94: {  	_ =	strace s2  }
0x95: {  	s2 =	sld [smem:$0x3FFD];
	_ =	sdelay $0x3  }
0x96: {  	_ =	strace s2  }
0x97: {  	_ =	strace $0x8FFFFFFF  }
0x98: {  	s18 =	sld [smem:$0x3FDB];
	_ =	sdelay $0x1  }
0x99: {  	s19 =	simm.s32 $_scs_section_size  }
0x9a: {  	s4 =	simm.s32 $_size__tile_overlayer_lowered;
	s5 =	simm.s32 $_tile_overlayer_lowered  }
0x9b: {  	s22 =	simm.s32 $0x1BFF;
	s21 =	sshll.u32 s5, $0x1;
	s2 =	sadd.s32 s19, s18  }
0x9c: {  	s6 =	simm.s32 $0x0;
	s20 =	sshll.u32 s4, $0x1;
	s4 =	sadd.s32 s21, s2  }
0x9d: {  	[timem:s6], [sflag:s22] =	dma.local [hbm:s4], s20  }
0x9e: {  	_ =	swait.ge [sflag:s22], s20  }
0x9f: {  	s3 =	ssub.s32 $0x0, s20;
	[sflag:s22] =	ssyncset.done $0x0  }
0xa0: {  	[sflag:s22] =	ssyncadd.s32 s3;
	_ =	sdelay $0x1  }
0xa1: {  	s23 =	simm.s32 $0x1B8B  }
0xa2: {  	_ =	swait.ge [sflag:s23], $0x1  }
0xa3: {  	[sflag:s23] =	ssyncset.done $0x0  }
0xa4: {  	s25 =	simm.s32 $0x1B8E;
	s24 =	sld [smem:$0x3FFE];
	[sflag:s23] =	ssyncadd.s32 $0xFFFFFFFF  }
0xa5: {  	s26 =	simm.s32 $execute0_lowered;
	[smem:$0x3FD2] =	sst s25  }
0xa6: {  	s4 =	sshll.u32 s26, $0x1;
	_ =	strace $0x80000049;
	[dreg:$0x1] =	wrdreg $0xFFFFFFFF  }
0xa7: {  	s28 =	simm.s32 $_size_execute0_lowered;
	s2 =	sadd.s32 s2, s4;
	[dreg:$0x0] =	wrdreg $0x0  }
0xa8: {  	s4 =	sshll.u32 s28, $0x1;
	[dreg:$0x2] =	wrdreg s2  }
0xa9: {  	[dreg:$0x3] =	wrdreg s4  }
0xaa: {  	[dreg:$0x4] =	wrdreg $0xC0  }
0xab: {  	_ =	task [dreg:s6], $0x5FFFF  }
0xac: {  	[dreg:$0x1] =	wrdreg $0xFFFFFFFF  }
0xad: {  	[dreg:$0x0] =	wrdreg $0x60  }
0xae: {  	[dreg:$0x2] =	wrdreg s24  }
0xaf: {  	[dreg:$0x3] =	wrdreg $0x52000  }
0xb0: {  	[dreg:$0x4] =	wrdreg $0x9  }
0xb1: {  	_ =	task.clear_ibuf [dreg:s6], $0x5FFFF;
	_ =	strace $0x90000049  }
0xb2: {  	s29 =	simm.s32 $0x9;
	_ =	strace $0x8000004B  }
0xb3: {  	_ =	swait.ge [sflag:s29], $0x1  }
0xb4: {  	[sflag:s29] =	ssyncadd.s32 $0xFFFFFFFF  }
0xb5: {  	_ =	strace $0x9000004B  }
0xb6: {  	_ =	sfence  }
0xb7: {  	s30 =	sld [smem:$0x0];
	_ =	sdelay $0x2  }
0xb8: {  	s31 =	sshll.u32 s1, $0xD;
	s1 =	sshrl.u32 s1, $0x2  }
0xb9: {  	s3 =	sand.u32 $0x4000, s31;
	s1 =	sadd.s32 s1, s30  }
0xba: {  	s0 =	sor.u32 s3, s0;
	s1 =	sshll.u32 s1, $0x11  }
0xbb: {  	s0 =	sor.u32 s1, s0  }
0xbc: {  	s0 =	sadd.s32 $0x8F2B, s0  }
0xbd: {  	[sflag:s0] =	ssyncadd.remote.s32 $0x1  }
0xbe: {  	_ =	sfence.sel $0xFFFF  }
0xbf: {  	[dreg:$0x0] =	wrdreg $0xFFFFFFFF;
	(pc) =	sbr.abs _section_cstart, $3  }
0xc0: {  	[dreg:$0x1] =	wrdreg $0xFFFFFFFF  }
0xc1: {  	_ =	task.clear_ibuf [dreg:s6], $0x2FFFF;
	_ =	strace $0x9FFFFFFF  }
0xc2: {  	(tm) =	ssettm $0x7FFFFFFF  }
0xc3: {  	_ =	shalt  }
tec
execute0_lowered:
.L_overlay_start_1:
0x0: {  	(tag) =	ssettag $0x1  }
0x1: {  	s0 =	rddreg [dreg:$0x0]  }
0x2: {  	s1 =	rddreg [dreg:$0x1];
	s2 =	simm.s32 $0x0;
	s4 =	stileid.u32  }
0x3: {  	s8 =	srdreg.scid;
	s28 =	simm.s32 $0x1;
	s29 =	simm.s32 $0x2  }
0x4: {  	s30 =	simm.s32 $0x0;
	[smem:$0x7FF] =	sst s2;
	s5 =	smul.u32 $0x13800, s4  }
0x5: {  	s3 =	sadd.s32 $0x41600, s0;
	s7 =	sadd.s32 $0x6400, s0;
	s18 =	sadd.s32 $0x10400, s0  }
0x6: {  	s12 =	sand.u32 $0x1, s8;
	s9 =	sshll.u32 s4, $0x1;
	s10 =	smul.u32 $0x4E000, s4  }
0x7: {  	s14 =	sadd.s32 $0x68800, s0;
	s21 =	sshll.u32 s4, $0x6;
	s22 =	sadd.s32 $0x138000, s1  }
0x8: {  	s16 =	smul.u32 $0x5000, s4;
	p0 =	sne.s32 s4, $0x0;
	_ =	strace $0x8000004A  }
0x9: {  	s8 =	ssub.s32 $0x2, s12;
	s9 =	sor.u32 s12, s9;
	s25 =	smul.u32 $0x138800, s12  }
0xa: {  	[dreg:$0x5] =	wrdreg s22;
	s17 =	smul.u32 $0x2800, s12;
	s22 =	simm.s32 $0x50  }
0xb: {  	s6 =	sshrl.u32 s5, $0x3;
	s11 =	sshrl.u32 s8, $0x1;
	s20 =	sshrl.u32 s10, $0x2  }
0xc: {  	s9 =	smul.u32 $0x2800, s9;
	s6 =	sadd.s32 s6, s0;
	s15 =	ssub.s32 s8, s11  }
0xd: {  	s8 =	sadd.s32 s20, s1;
	s0 =	sadd.s32 $0x41400, s0;
	s5 =	sadd.s32 s5, s25  }
0xe: {  	s26 =	sadd.s32 s17, s16;
	s20 =	simm.s32 $0x3;
	[dreg:$0x3] =	wrdreg s8  }
0xf: {  	s6 =	sadd.s32 $0x1A400, s6;
	s23 =	sshrl.u32 s9, $0x3;
	[dreg:$0x6] =	wrdreg s0  }
0x10: {  	s5 =	sshrl.u32 s5, $0x3;
	s0 =	sshrl.u32 s25, $0x3;
	s31 =	sor.u32 $0xA0, s26  }
0x11: {  	s15 =	smax.u32 s15, $0x1;
	s25 =	simm.s32 $0x180;
	[dreg:$0x4] =	wrdreg s6  }
0x12: {  	s6 =	sor.u32 $0x1C03, s21;
	s24 =	sadd.s32 s7, s23;
	s10 =	sadd.s32 s18, s23  }
0x13: {  	s13 =	sadd.s32 $0x4F6, s23;
	s0 =	sadd.s32 s14, s0;
	s21 =	simm.s32 $0x80  }
0x14: {  	s23 =	simm.s32 $0x200;
	[dreg:$0x7] =	wrdreg s24;
	s11 =	sadd.s32 s7, s13  }
0x15: {  	s12 =	sadd.s32 s18, s13;
	s13 =	sadd.s32 s14, s5;
	s14 =	sadd.s32 $0x27000, s0  }
0x16: {  	s5 =	sor.u32 $0x50, s26;
	s0 =	sshrl.u32 s31, $0x3;
	s24 =	simm.s32 $0x100  }
0x17: {  	s26 =	simm.s32 $0x2A00;
	s5 =	sshrl.u32 s5, $0x3;
	s16 =	sadd.s32 s0, s18  }
0x18: {  	s17 =	sadd.s32 s0, s7;
	s18 =	sadd.s32 s5, s18;
	s19 =	sadd.s32 s5, s7  }
.LBB2_1:
0x19: {  	s0 =	rddreg [dreg:$0x3]  }
0x1a: {  	s8 =	rddreg [dreg:$0x4];
	s31 =	sshrl.u32 s0, $0x3  }
0x1b: {  	[spmem:s31], [sflag:s6] =	dma.local [hbm:s8], $0x2700  }
0x1c: {  	_ =	swait.ge [sflag:s20], $0x2700  }
0x1d: {  	[sflag:s20] =	ssyncset.done $0x0;
	s0 =	rddreg [dreg:$0x5]  }
0x1e: {  	s4 =	rddreg [dreg:$0x6];
	[sflag:s20] =	ssyncadd.s32 $0xFFFFD900;
	s0 =	sshrl.u32 @!p0 s0, $0x3  }
0x1f: {  	[spmem:s0], [sflag:s6] =	dma.local @!p0 [hbm:s4], $0x100  }
0x20: {  	s4 =	simm.s32 @!p0 $0x3  }
0x21: {  	_ =	swait.ge @!p0 [sflag:s4], $0x100  }
0x22: {  	[sflag:s4] =	ssyncset.done @!p0 $0x0  }
0x23: {  	[sflag:s4] =	ssyncadd.s32 @!p0 $0xFFFFFF00  }
0x24: {  	[bflag:$0x0] =	sbarrier.arrive $0xFFFF  }
0x25: {  	s9 =	rddreg [dreg:$0x7]  }
0x26: {  	[tilespmem:s2], [sflag:$0x3] =	stream.linear.gather [hbm4b:s9+s2], $0x50, $0x38;
	[tilespmem:$0x18B00] =	vst v63  }
0x27: {  	_ =	swait.ge [sflag:s20], $0x50  }
0x28: {  	[sflag:s20] =	ssyncset.done $0x0  }
0x29: {  	[sflag:s20] =	ssyncadd.s32 $0xFFFFFFB0  }
0x2a: {  	[tilespmem:s21], [sflag:$0x3] =	stream.linear.gather [hbm4b:s10+s2], $0x50, $0x38;
	[tilespmem:$0x18B00] =	vst v63  }
0x2b: {  	_ =	swait.ge [sflag:s20], $0x50  }
0x2c: {  	[sflag:s20] =	ssyncset.done $0x0  }
0x2d: {  	[sflag:s20] =	ssyncadd.s32 $0xFFFFFFB0  }
0x2e: {  	[tilespmem:s23], [sflag:$0x1] =	stream.indirect.gather [hbm4b:s3+s22], $0x80, s2, s22, $0xb8;
	[tilespmem:$0x18B00] =	vst v63  }
0x2f: {  	s5 =	sadd.s32 $0x0, s19  }
0x30: {  	[tilespmem:s24], [sflag:$0x3] =	stream.linear.gather [hbm4b:s5+s2], $0x50, $0x38;
	[tilespmem:$0x18B00] =	vst v63  }
0x31: {  	_ =	swait.ge [sflag:s20], $0x50  }
0x32: {  	[sflag:s20] =	ssyncset.done $0x0  }
0x33: {  	s7 =	sadd.s32 $0x0, s18;
	[sflag:s20] =	ssyncadd.s32 $0xFFFFFFB0  }
0x34: {  	[tilespmem:s25], [sflag:$0x3] =	stream.linear.gather [hbm4b:s7+s2], $0x50, $0x38;
	[tilespmem:$0x18B00] =	vst v63  }
0x35: {  	_ =	swait.ge [sflag:s20], $0x50  }
0x36: {  	[sflag:s20] =	ssyncset.done $0x0  }
0x37: {  	[sflag:s20] =	ssyncadd.s32 $0xFFFFFFB0  }
0x38: {  	[tilespmem:s26], [sflag:$0x2] =	stream.indirect.gather [hbm4b:s3+s22], $0x80, s24, s22, $0xb8;
	[tilespmem:$0x18B00] =	vst v63  }
0x39: {  	_ =	swait.ge [sflag:s28], $0x2800  }
0x3a: {  	[sflag:s28] =	ssyncset.done $0x0  }
0x3b: {  	[sflag:s28] =	ssyncadd.s32 $0xFFFFD800  }
0x3c: {  	[spmem:s1] =	stream.indirect.scatter.add.f32 [tilespmem:s23], [sflag:$0x3], $0x80, s21, s22, $0xb8;
	[tilespmem:$0x18B00] =	vst v63  }
0x3d: {  	_ =	swait.ge [sflag:s20], $0x2800  }
0x3e: {  	[sflag:s20] =	ssyncset.done $0x0  }
0x3f: {  	s8 =	sadd.s32 $0x0, s17;
	[sflag:s20] =	ssyncadd.s32 $0xFFFFD800  }
0x40: {  	[tilespmem:s2], [sflag:$0x3] =	stream.linear.gather [hbm4b:s8+s2], $0x50, $0x38;
	[tilespmem:$0x18B00] =	vst v63  }
0x41: {  	_ =	swait.ge [sflag:s20], $0x50  }
0x42: {  	[sflag:s20] =	ssyncset.done $0x0  }
0x43: {  	s9 =	sadd.s32 $0x0, s16;
	[sflag:s20] =	ssyncadd.s32 $0xFFFFFFB0  }
0x44: {  	[tilespmem:s21], [sflag:$0x3] =	stream.linear.gather [hbm4b:s9+s2], $0x50, $0x38;
	[tilespmem:$0x18B00] =	vst v63  }
0x45: {  	_ =	swait.ge [sflag:s20], $0x50  }
0x46: {  	[sflag:s20] =	ssyncset.done $0x0  }
0x47: {  	[sflag:s20] =	ssyncadd.s32 $0xFFFFFFB0  }
0x48: {  	[tilespmem:s23], [sflag:$0x1] =	stream.indirect.gather [hbm4b:s3+s22], $0x80, s2, s22, $0xb8;
	[tilespmem:$0x18B00] =	vst v63  }
0x49: {  	_ =	swait.ge [sflag:s29], $0x2800  }
0x4a: {  	[sflag:s29] =	ssyncset.done $0x0  }
0x4b: {  	[sflag:s29] =	ssyncadd.s32 $0xFFFFD800  }
0x4c: {  	[spmem:s1] =	stream.indirect.scatter.add.f32 [tilespmem:s26], [sflag:$0x3], $0x80, s25, s22, $0xb8;
	[tilespmem:$0x18B00] =	vst v63  }
0x4d: {  	_ =	swait.ge [sflag:s20], $0x2800  }
0x4e: {  	s4 =	simm.s32 $0x14;
	s5 =	simm.s32 $0x28;
	[sflag:s20] =	ssyncset.done $0x0  }
.LBB2_2:
0x4f: {  	s8 =	sadd.s32 s4, s19  }
0x50: {  	[sflag:s20] =	ssyncadd.s32 $0xFFFFD800;
	s9 =	smov.u32 s5;
	s7 =	sadd.s32 $0x14, s5  }
0x51: {  	[tilespmem:s24], [sflag:$0x3] =	stream.linear.gather [hbm4b:s8+s2], $0x50, $0x38;
	[tilespmem:$0x18B00] =	vst v63  }
0x52: {  	p1 =	sne.s32 s5, $0x4D8;
	_ =	swait.ge [sflag:s20], $0x50  }
0x53: {  	[sflag:s20] =	ssyncset.done $0x0  }
0x54: {  	s5 =	sadd.s32 s4, s18;
	[sflag:s20] =	ssyncadd.s32 $0xFFFFFFB0  }
0x55: {  	[tilespmem:s25], [sflag:$0x3] =	stream.linear.gather [hbm4b:s5+s2], $0x50, $0x38;
	[tilespmem:$0x18B00] =	vst v63  }
0x56: {  	_ =	swait.ge [sflag:s20], $0x50  }
0x57: {  	[sflag:s20] =	ssyncset.done $0x0  }
0x58: {  	[sflag:s20] =	ssyncadd.s32 $0xFFFFFFB0  }
0x59: {  	[tilespmem:s26], [sflag:$0x2] =	stream.indirect.gather [hbm4b:s3+s22], $0x80, s24, s22, $0xb8;
	[tilespmem:$0x18B00] =	vst v63  }
0x5a: {  	_ =	swait.ge [sflag:s28], $0x2800  }
0x5b: {  	[sflag:s28] =	ssyncset.done $0x0  }
0x5c: {  	[sflag:s28] =	ssyncadd.s32 $0xFFFFD800  }
0x5d: {  	[spmem:s1] =	stream.indirect.scatter.add.f32 [tilespmem:s23], [sflag:$0x3], $0x80, s21, s22, $0xb8;
	[tilespmem:$0x18B00] =	vst v63  }
0x5e: {  	_ =	swait.ge [sflag:s20], $0x2800  }
0x5f: {  	[sflag:s20] =	ssyncset.done $0x0  }
0x60: {  	s5 =	sadd.s32 s4, s17;
	[sflag:s20] =	ssyncadd.s32 $0xFFFFD800  }
0x61: {  	[tilespmem:s2], [sflag:$0x3] =	stream.linear.gather [hbm4b:s5+s2], $0x50, $0x38;
	[tilespmem:$0x18B00] =	vst v63  }
0x62: {  	_ =	swait.ge [sflag:s20], $0x50  }
0x63: {  	[sflag:s20] =	ssyncset.done $0x0  }
0x64: {  	s5 =	sadd.s32 s4, s16;
	s4 =	smov.u32 s9;
	[sflag:s20] =	ssyncadd.s32 $0xFFFFFFB0  }
0x65: {  	[tilespmem:s21], [sflag:$0x3] =	stream.linear.gather [hbm4b:s5+s2], $0x50, $0x38;
	[tilespmem:$0x18B00] =	vst v63  }
0x66: {  	_ =	swait.ge [sflag:s20], $0x50  }
0x67: {  	[sflag:s20] =	ssyncset.done $0x0  }
0x68: {  	[sflag:s20] =	ssyncadd.s32 $0xFFFFFFB0  }
0x69: {  	[tilespmem:s23], [sflag:$0x1] =	stream.indirect.gather [hbm4b:s3+s22], $0x80, s2, s22, $0xb8;
	[tilespmem:$0x18B00] =	vst v63  }
0x6a: {  	_ =	swait.ge [sflag:s29], $0x2800  }
.Ltmp0:
0x6b: {  	[sflag:s29] =	ssyncset.done $0x0;
	(pc) =	sbr.rel @p1 .LBB2_2-.Ltmp0, $4  }
0x6c: {  	[sflag:s29] =	ssyncadd.s32 $0xFFFFD800  }
0x6d: {  	[spmem:s1] =	stream.indirect.scatter.add.f32 [tilespmem:s26], [sflag:$0x3], $0x80, s25, s22, $0xb8;
	[tilespmem:$0x18B00] =	vst v63  }
0x6e: {  	_ =	swait.ge [sflag:s20], $0x2800  }
0x6f: {  	s5 =	smov.u32 s7;
	[sflag:s20] =	ssyncset.done $0x0  }
0x70: {  	s5 =	sadd.s32 s4, s19;
	[sflag:s20] =	ssyncadd.s32 $0xFFFFD800  }
0x71: {  	[tilespmem:s24], [sflag:$0x3] =	stream.linear.gather [hbm4b:s5+s2], $0x50, $0x38;
	[tilespmem:$0x18B00] =	vst v63  }
0x72: {  	_ =	swait.ge [sflag:s20], $0x50  }
0x73: {  	[sflag:s20] =	ssyncset.done $0x0  }
0x74: {  	s7 =	sadd.s32 s4, s18;
	[sflag:s20] =	ssyncadd.s32 $0xFFFFFFB0  }
0x75: {  	[tilespmem:s25], [sflag:$0x3] =	stream.linear.gather [hbm4b:s7+s2], $0x50, $0x38;
	[tilespmem:$0x18B00] =	vst v63  }
0x76: {  	_ =	swait.ge [sflag:s20], $0x50  }
0x77: {  	[sflag:s20] =	ssyncset.done $0x0  }
0x78: {  	[sflag:s20] =	ssyncadd.s32 $0xFFFFFFB0  }
0x79: {  	[tilespmem:s26], [sflag:$0x2] =	stream.indirect.gather [hbm4b:s3+s22], $0x80, s24, s22, $0xb8;
	[tilespmem:$0x18B00] =	vst v63  }
0x7a: {  	_ =	swait.ge [sflag:s28], $0x2800  }
0x7b: {  	[sflag:s28] =	ssyncset.done $0x0  }
0x7c: {  	[sflag:s28] =	ssyncadd.s32 $0xFFFFD800  }
0x7d: {  	[spmem:s1] =	stream.indirect.scatter.add.f32 [tilespmem:s23], [sflag:$0x3], $0x80, s21, s22, $0xb8;
	[tilespmem:$0x18B00] =	vst v63  }
0x7e: {  	_ =	swait.ge [sflag:s20], $0x2800  }
0x7f: {  	[sflag:s20] =	ssyncset.done $0x0  }
0x80: {  	s8 =	sadd.s32 s4, s17;
	[sflag:s20] =	ssyncadd.s32 $0xFFFFD800  }
0x81: {  	[tilespmem:s2], [sflag:$0x3] =	stream.linear.gather [hbm4b:s8+s2], $0x50, $0x38;
	[tilespmem:$0x18B00] =	vst v63  }
0x82: {  	_ =	swait.ge [sflag:s20], $0x50  }
0x83: {  	[sflag:s20] =	ssyncset.done $0x0  }
0x84: {  	s9 =	sadd.s32 s4, s16;
	[sflag:s20] =	ssyncadd.s32 $0xFFFFFFB0  }
0x85: {  	[tilespmem:s21], [sflag:$0x3] =	stream.linear.gather [hbm4b:s9+s2], $0x50, $0x38;
	[tilespmem:$0x18B00] =	vst v63  }
0x86: {  	_ =	swait.ge [sflag:s20], $0x50  }
0x87: {  	[sflag:s20] =	ssyncset.done $0x0  }
0x88: {  	[sflag:s20] =	ssyncadd.s32 $0xFFFFFFB0  }
0x89: {  	[tilespmem:s23], [sflag:$0x1] =	stream.indirect.gather [hbm4b:s3+s22], $0x80, s2, s22, $0xb8;
	[tilespmem:$0x18B00] =	vst v63  }
0x8a: {  	_ =	swait.ge [sflag:s29], $0x2800  }
0x8b: {  	[sflag:s29] =	ssyncset.done $0x0  }
0x8c: {  	[sflag:s29] =	ssyncadd.s32 $0xFFFFD800  }
0x8d: {  	[spmem:s1] =	stream.indirect.scatter.add.f32 [tilespmem:s26], [sflag:$0x3], $0x80, s25, s22, $0xb8;
	[tilespmem:$0x18B00] =	vst v63  }
0x8e: {  	_ =	swait.ge [sflag:s20], $0x2800  }
0x8f: {  	[sflag:s20] =	ssyncset.done $0x0  }
0x90: {  	[sflag:s20] =	ssyncadd.s32 $0xFFFFD800  }
0x91: {  	[tilespmem:s24], [sflag:$0x3] =	stream.linear.gather [hbm4b:s11+s2], $0x50, $0x38;
	[tilespmem:$0x18B00] =	vst v63  }
0x92: {  	_ =	swait.ge [sflag:s20], $0x50  }
0x93: {  	[sflag:s20] =	ssyncset.done $0x0  }
0x94: {  	[sflag:s20] =	ssyncadd.s32 $0xFFFFFFB0  }
0x95: {  	[tilespmem:s25], [sflag:$0x3] =	stream.linear.gather [hbm4b:s12+s2], $0x50, $0x38;
	[tilespmem:$0x18B00] =	vst v63  }
0x96: {  	_ =	swait.ge [sflag:s20], $0x50  }
0x97: {  	[sflag:s20] =	ssyncset.done $0x0  }
0x98: {  	[sflag:s20] =	ssyncadd.s32 $0xFFFFFFB0  }
0x99: {  	[tilespmem:s26], [sflag:$0x2] =	stream.indirect.gather [hbm4b:s3+s22], $0x80, s24, s22, $0xb8;
	[tilespmem:$0x18B00] =	vst v63  }
0x9a: {  	_ =	swait.ge [sflag:s28], $0x2800  }
0x9b: {  	[sflag:s28] =	ssyncset.done $0x0  }
0x9c: {  	[sflag:s28] =	ssyncadd.s32 $0xFFFFD800  }
0x9d: {  	[spmem:s1] =	stream.indirect.scatter.add.f32 [tilespmem:s23], [sflag:$0x3], $0x80, s21, s22, $0xb8;
	[tilespmem:$0x18B00] =	vst v63  }
0x9e: {  	_ =	swait.ge [sflag:s20], $0x2800  }
0x9f: {  	[sflag:s20] =	ssyncset.done $0x0  }
0xa0: {  	[sflag:s20] =	ssyncadd.s32 $0xFFFFD800  }
0xa1: {  	_ =	swait.ge [sflag:s29], $0x2800  }
0xa2: {  	[sflag:s29] =	ssyncset.done $0x0  }
0xa3: {  	[sflag:s29] =	ssyncadd.s32 $0xFFFFD800  }
0xa4: {  	[spmem:s1] =	stream.indirect.scatter.add.f32 [tilespmem:s26], [sflag:$0x3], $0x80, s25, s22, $0xb8;
	[tilespmem:$0x18B00] =	vst v63  }
0xa5: {  	_ =	swait.ge [sflag:s20], $0x2800  }
0xa6: {  	[sflag:s20] =	ssyncset.done $0x0  }
0xa7: {  	[sflag:s20] =	ssyncadd.s32 $0xFFFFD800  }
0xa8: {  	[bflag:$0x0] =	sbarrier.arrive $0xFFFF  }
0xa9: {  	[hbm:s13], [sflag:s6] =	dma.local [spmem:s31], $0x2700  }
0xaa: {  	_ =	swait.ge [sflag:s20], $0x2700  }
0xab: {  	s30 =	sadd.s32 $0x1, s30;
	[sflag:s20] =	ssyncset.done $0x0  }
0xac: {  	p1 =	sne.s32 s30, s15;
	[sflag:s20] =	ssyncadd.s32 $0xFFFFD900  }
0xad: {  	[hbm:s14], [sflag:s6] =	dma.local @!p0 [spmem:s0], $0x100  }
.Ltmp1:
0xae: {  	_ = 	snop;
	(pc) =	sbr.rel @p1 .LBB2_1-.Ltmp1, $4  }
0xaf: {  	s0 =	simm.s32 @!p0 $0x3  }
0xb0: {  	_ =	swait.ge @!p0 [sflag:s0], $0x100  }
0xb1: {  	[sflag:s0] =	ssyncset.done @!p0 $0x0  }
0xb2: {  	[sflag:s0] =	ssyncadd.s32 @!p0 $0xFFFFFF00  }
0xb3: {  	_ =	sfence.sel $0x180000  }
0xb4: {  	[bflag:$0x0] =	sbarrier.arrive $0xFFFF  }
0xb5: {  	_ =	strace $0x9000004A  }
0xb6: {  	[bflag:$0x2] =	sbarrier.arrive $0xFFFF  }
0xb7: {  	s0 =	rddreg [dreg:$0x2]  }
0xb8: {  	s0 =	sadd.s32 @!p0 $0x100000, s0  }
0xb9: {  	[sflag:s0] =	ssyncadd.tile.s32 @!p0 $0x1;
	_ =	shalt  }
.Lfunc_end2:
_tile_overlayer_lowered:
.L_overlay_start_2:
0xba: {  	(tag) =	ssettag $0x2  }
0xbb: {  	s0 =	rddreg [dreg:$0x0];
	s2 =	stileid.u32  }
0xbc: {  	s1 =	rddreg [dreg:$0x1];
	p0 =	sne.s32 s2, $0x0  }
0xbd: {  	s3 =	rddreg [dreg:$0x2];
	[bflag:$0x3] =	sbarrier.arrive $0xFFFF;
	s2 =	simm.s32 @!p0 $0x1C03  }
0xbe: {  	[timem:s3], [sflag:s2] =	dma.local @!p0 [hbm:s0], s1  }
0xbf: {  	s0 =	simm.s32 @!p0 $0x3  }
0xc0: {  	_ =	swait.ge @!p0 [sflag:s0], s1  }
0xc1: {  	s1 =	ssub.s32 @!p0 $0x0, s1;
	[sflag:s0] =	ssyncset.done @!p0 $0x0  }
0xc2: {  	[sflag:s0] =	ssyncadd.s32 @!p0 s1  }
0xc3: {  	[bflag:$0x3] =	sbarrier.arrive $0xFFFF  }
0xc4: {  	_ =	shalt  }

// kernel: kernel.14.cloned.1.call-start
scs
__scs_entry_jumppad:
0x0: {  	(pc) =	sbr.rel $0x88, $3  }
0x1: {  	(tag) =	ssettag $0x0;
	lr =	simm.s32 $0x1  }
0x2: {  	[smem:$0x3F7F] =	sst lr;
	_ =	strace $0xD0000000  }
0x3: {  	_ = 	snop  }
0x4: {  	_ = 	snop  }
0x5: {  	_ = 	snop  }
0x6: {  	_ = 	snop  }
0x7: {  	_ = 	snop  }
__scs_overlays_trampoline_lowered:
0x8: {  	[smem:$0x3F8E] =	sst s0  }
0x9: {  	[smem:$0x3F8F] =	sst s1  }
0xa: {  	[smem:$0x3F90] =	sst s2  }
0xb: {  	[smem:$0x3F91] =	sst s3  }
0xc: {  	[smem:$0x3F92] =	sst s4  }
0xd: {  	[smem:$0x3F93] =	sst s5  }
0xe: {  	[smem:$0x3F94] =	sst s6  }
0xf: {  	[smem:$0x3F95] =	sst s7  }
0x10: {  	[smem:$0x3F96] =	sst s8  }
0x11: {  	[smem:$0x3F97] =	sst s9;
	s0 =	simm.s32 @!p0 $0x0  }
0x12: {  	s1 =	sld [smem:$0x3F7D];
	s0 =	simm.s32 @p0 $0x1  }
0x13: {  	[smem:$0x3F98] =	sst s0;
	s0 =	simm.s32 @!p1 $0x0  }
0x14: {  	s2 =	sld [smem:$0x3F7C];
	s0 =	simm.s32 @p1 $0x1  }
0x15: {  	[smem:$0x3F99] =	sst s0;
	s0 =	simm.s32 @!p2 $0x0  }
0x16: {  	s3 =	sld [smem:$0x3FDB];
	s0 =	simm.s32 @p2 $0x1  }
0x17: {  	s4 =	simm.s32 $0x1BF5;
	[smem:$0x3F9B] =	sst s0  }
0x18: {  	s0 =	sld [smem:$0x3F7E];
	_ =	swait.ge [sflag:s4], $0x0  }
0x19: {  	s7 =	sld [smem:$0x3F7F]  }
0x1a: {  	s8 =	sadd.s32 $0xFFFFE003, lr  }
0x1b: {  	s9 =	sadd.s32 $0xFFFFFEF7, lr;
	s5 =	simm.s32 $0xFFFFFFFF;
	p2 =	slt.u32 s8, $0xFFFFF086  }
0x1c: {  	p1 =	slt.u32 s9, $0xF7A;
	s5 =	simm.s32 @!p2 $0x0  }
0x1d: {  	s5 =	simm.s32 @p1 $0x1;
	p0 =	seq.s32 s7, s2  }
0x1e: {  	s7 =	smul.u32 @!p0 $0xF7A, s2;
	p2 =	seq.s32 @!p0 s5, $0x0  }
0x1f: {  	s9 =	smul.u32 $0xF7A, s1;
	s8 =	simm.s32 @!p0 $0x1BF5;
	p2 =	por !p2, p0  }
0x20: {  	[sflag:s8] =	ssyncset.s32 @!p0 $0xFFFFF086;
	s6 =	sadd.s32 @!p0 s3, s7;
	s7 =	simm.s32 @!p0 $0x108  }
0x21: {  	s3 =	sadd.s32 s3, s9;
	s6 =	sadd.s32 @!p0 $0x88, s6;
	s7 =	simm.s32 @p2 $0x1082  }
0x22: {  	[simem:s7], [sflag:s8] =	dma.local @!p0 [hbm:s6], $0xF7A  }
0x23: {  	s9 =	sor.u32 $0xD0000000, s2;
	s6 =	simm.s32 $0x108;
	_ =	swait.ge @!p0 [sflag:s8], $0x0  }
0x24: {  	s3 =	sadd.s32 $0x88, s3;
	s6 =	simm.s32 @!p1 $0x1082;
	[sflag:s4] =	ssyncset.s32 $0xFFFFF086  }
0x25: {  	[simem:s6], [sflag:s4] =	dma.local [hbm:s3], $0xF7A  }
0x26: {  	[smem:$0x3F7F] =	sst s1;
	(tag) =	ssettag s2;
	_ =	strace s9  }
0x27: {  	s1 =	sld [smem:$0x3F8F]  }
0x28: {  	s2 =	sld [smem:$0x3F90]  }
0x29: {  	s4 =	sld [smem:$0x3F92]  }
0x2a: {  	p0 =	seq.s32 s5, $0x0;
	s5 =	sld [smem:$0x3F93]  }
0x2b: {  	s6 =	sld [smem:$0x3F94]  }
0x2c: {  	s7 =	sld [smem:$0x3F95]  }
0x2d: {  	s3 =	simm.s32 $0x108;
	s8 =	sld [smem:$0x3F96]  }
0x2e: {  	s3 =	simm.s32 @!p0 $0x1082;
	s9 =	sld [smem:$0x3F97]  }
0x2f: {  	lr =	sadd.s32 s0, s3;
	s0 =	sld [smem:$0x3F8E]  }
0x30: {  	s3 =	sld [smem:$0x3F91]  }
0x31: {  	[smem:$0x3F9A] =	sst s10  }
0x32: {  	s10 =	sld [smem:$0x3F98];
	_ =	sdelay $0x3  }
0x33: {  	p0 =	seq.s32 s10, $0x1;
	s10 =	sld [smem:$0x3F9A];
	_ =	sdelay $0x3  }
0x34: {  	[smem:$0x3F9A] =	sst s10  }
0x35: {  	s10 =	sld [smem:$0x3F99];
	_ =	sdelay $0x3  }
0x36: {  	p1 =	seq.s32 s10, $0x1;
	s10 =	sld [smem:$0x3F9A];
	_ =	sdelay $0x3  }
0x37: {  	[smem:$0x3F9A] =	sst s10  }
0x38: {  	s10 =	sld [smem:$0x3F9B]  }
0x39: {  	_ = 	snop;
	(pc) =	sbr.ind lr, $3  }
0x3a: {  	_ = 	snop  }
0x3b: {  	_ = 	snop  }
0x3c: {  	p2 =	seq.s32 s10, $0x1;
	s10 =	sld [smem:$0x3F9A]  }
0x3d: {  	_ =	shalt  }
0x3e: {  	_ =	shalt  }
0x3f: {  	_ =	shalt  }
0x40: {  	_ =	shalt  }
0x41: {  	_ =	shalt  }
0x42: {  	_ =	shalt  }
0x43: {  	_ =	shalt  }
0x44: {  	_ =	shalt  }
0x45: {  	_ =	shalt  }
0x46: {  	_ =	shalt  }
0x47: {  	_ =	shalt  }
0x48: {  	_ =	shalt  }
0x49: {  	_ =	shalt  }
0x4a: {  	_ =	shalt  }
0x4b: {  	_ =	shalt  }
0x4c: {  	_ =	shalt  }
0x4d: {  	_ =	shalt  }
0x4e: {  	_ =	shalt  }
0x4f: {  	_ =	shalt  }
0x50: {  	_ =	shalt  }
0x51: {  	_ =	shalt  }
0x52: {  	_ =	shalt  }
0x53: {  	_ =	shalt  }
0x54: {  	_ =	shalt  }
0x55: {  	_ =	shalt  }
0x56: {  	_ =	shalt  }
0x57: {  	_ =	shalt  }
0x58: {  	_ =	shalt  }
0x59: {  	_ =	shalt  }
0x5a: {  	_ =	shalt  }
0x5b: {  	_ =	shalt  }
0x5c: {  	_ =	shalt  }
0x5d: {  	_ =	shalt  }
0x5e: {  	_ =	shalt  }
0x5f: {  	_ =	shalt  }
0x60: {  	_ =	shalt  }
0x61: {  	_ =	shalt  }
0x62: {  	_ =	shalt  }
0x63: {  	_ =	shalt  }
0x64: {  	_ =	shalt  }
0x65: {  	_ =	shalt  }
0x66: {  	_ =	shalt  }
0x67: {  	_ =	shalt  }
0x68: {  	_ =	shalt  }
0x69: {  	_ =	shalt  }
0x6a: {  	_ =	shalt  }
0x6b: {  	_ =	shalt  }
0x6c: {  	_ =	shalt  }
0x6d: {  	_ =	shalt  }
0x6e: {  	_ =	shalt  }
0x6f: {  	_ =	shalt  }
0x70: {  	_ =	shalt  }
0x71: {  	_ =	shalt  }
0x72: {  	_ =	shalt  }
0x73: {  	_ =	shalt  }
0x74: {  	_ =	shalt  }
0x75: {  	_ =	shalt  }
0x76: {  	_ =	shalt  }
0x77: {  	_ =	shalt  }
0x78: {  	_ =	shalt  }
0x79: {  	_ =	shalt  }
0x7a: {  	_ =	shalt  }
0x7b: {  	_ =	shalt  }
0x7c: {  	_ =	shalt  }
0x7d: {  	_ =	shalt  }
0x7e: {  	_ =	shalt  }
0x7f: {  	_ =	shalt  }
0x80: {  	_ =	shalt  }
0x81: {  	_ =	shalt  }
0x82: {  	_ =	shalt  }
0x83: {  	_ =	shalt  }
0x84: {  	_ =	shalt  }
0x85: {  	_ =	shalt  }
0x86: {  	_ =	shalt  }
0x87: {  	_ =	shalt  }
.Lfunc_end0:
.L_simem_size_0:
called_computation.2_lowered:
.L_overlay_start_0:
0x88: {  	s2 =	sld [smem:$0x3FD9]  }
0x89: {  	s3 =	sld [smem:$0x3FFE];
	_ =	sdelay $0x1  }
0x8a: {  	s1 =	srdreg.scid  }
0x8b: {  	s0 =	sand.u32 $0x1, s1  }
0x8c: {  	s16 =	sshll.u32 s0, $0xA;
	s2 =	sadd.s32 s3, s2  }
0x8d: {  	s2 =	sadd.s32 s2, s16  }
0x8e: {  	[smem:$0x3FA6] =	sst s2  }
0x8f: {  	_ = 	snop  }
0x90: {  	(tm) =	ssettm $0x1  }
0x91: {  	s17 =	sld [smem:$0x3FFB];
	_ =	sdelay $0x3  }
0x92: {  	_ =	strace s17  }
0x93: {  	s2 =	sld [smem:$0x3FFC];
	_ =	sdelay $0x3  }
0x94: {  	_ =	strace s2  }
0x95: {  	s2 =	sld [smem:$0x3FFD];
	_ =	sdelay $0x3  }
0x96: {  	_ =	strace s2  }
0x97: {  	_ =	strace $0x8FFFFFFF  }
0x98: {  	s18 =	sld [smem:$0x3FDB];
	_ =	sdelay $0x1  }
0x99: {  	s19 =	simm.s32 $_scs_section_size  }
0x9a: {  	s4 =	simm.s32 $_size__tile_overlayer_lowered;
	s5 =	simm.s32 $_tile_overlayer_lowered  }
0x9b: {  	s22 =	simm.s32 $0x1BFF;
	s21 =	sshll.u32 s5, $0x1;
	s2 =	sadd.s32 s19, s18  }
0x9c: {  	s6 =	simm.s32 $0x0;
	s20 =	sshll.u32 s4, $0x1;
	s4 =	sadd.s32 s21, s2  }
0x9d: {  	[timem:s6], [sflag:s22] =	dma.local [hbm:s4], s20  }
0x9e: {  	_ =	swait.ge [sflag:s22], s20  }
0x9f: {  	s3 =	ssub.s32 $0x0, s20;
	[sflag:s22] =	ssyncset.done $0x0  }
0xa0: {  	[sflag:s22] =	ssyncadd.s32 s3;
	_ =	sdelay $0x1  }
0xa1: {  	s23 =	simm.s32 $0x1B8B  }
0xa2: {  	_ =	swait.ge [sflag:s23], $0x1  }
0xa3: {  	[sflag:s23] =	ssyncset.done $0x0  }
0xa4: {  	s25 =	simm.s32 $0x1B8E;
	s24 =	sld [smem:$0x3FFE];
	[sflag:s23] =	ssyncadd.s32 $0xFFFFFFFF  }
0xa5: {  	s26 =	simm.s32 $execute0_lowered;
	[smem:$0x3FD2] =	sst s25  }
0xa6: {  	s4 =	sshll.u32 s26, $0x1;
	_ =	strace $0x8000004C;
	[dreg:$0x1] =	wrdreg $0xFFFFFFFF  }
0xa7: {  	s28 =	simm.s32 $_size_execute0_lowered;
	s2 =	sadd.s32 s2, s4;
	[dreg:$0x0] =	wrdreg $0x0  }
0xa8: {  	s4 =	sshll.u32 s28, $0x1;
	[dreg:$0x2] =	wrdreg s2  }
0xa9: {  	[dreg:$0x3] =	wrdreg s4  }
0xaa: {  	[dreg:$0x4] =	wrdreg $0xC0  }
0xab: {  	_ =	task [dreg:s6], $0x5FFFF  }
0xac: {  	[dreg:$0x1] =	wrdreg $0xFFFFFFFF  }
0xad: {  	[dreg:$0x0] =	wrdreg $0x60  }
0xae: {  	[dreg:$0x2] =	wrdreg s24  }
0xaf: {  	[dreg:$0x3] =	wrdreg $0x52000  }
0xb0: {  	[dreg:$0x4] =	wrdreg $0x9  }
0xb1: {  	_ =	task.clear_ibuf [dreg:s6], $0x5FFFF;
	_ =	strace $0x9000004C  }
0xb2: {  	s29 =	simm.s32 $0x9;
	_ =	strace $0x8000004E  }
0xb3: {  	_ =	swait.ge [sflag:s29], $0x1  }
0xb4: {  	[sflag:s29] =	ssyncadd.s32 $0xFFFFFFFF  }
0xb5: {  	_ =	strace $0x9000004E  }
0xb6: {  	_ =	sfence  }
0xb7: {  	s30 =	sld [smem:$0x0];
	_ =	sdelay $0x2  }
0xb8: {  	s31 =	sshll.u32 s1, $0xD;
	s1 =	sshrl.u32 s1, $0x2  }
0xb9: {  	s3 =	sand.u32 $0x4000, s31;
	s1 =	sadd.s32 s1, s30  }
0xba: {  	s0 =	sor.u32 s3, s0;
	s1 =	sshll.u32 s1, $0x11  }
0xbb: {  	s0 =	sor.u32 s1, s0  }
0xbc: {  	s0 =	sadd.s32 $0x8F2B, s0  }
0xbd: {  	[sflag:s0] =	ssyncadd.remote.s32 $0x1  }
0xbe: {  	_ =	sfence.sel $0xFFFF  }
0xbf: {  	[dreg:$0x0] =	wrdreg $0xFFFFFFFF;
	(pc) =	sbr.abs _section_cstart, $3  }
0xc0: {  	[dreg:$0x1] =	wrdreg $0xFFFFFFFF  }
0xc1: {  	_ =	task.clear_ibuf [dreg:s6], $0x2FFFF;
	_ =	strace $0x9FFFFFFF  }
0xc2: {  	(tm) =	ssettm $0x7FFFFFFF  }
0xc3: {  	_ =	shalt  }
tec
execute0_lowered:
.L_overlay_start_1:
0x0: {  	(tag) =	ssettag $0x1  }
0x1: {  	s0 =	rddreg [dreg:$0x0]  }
0x2: {  	s1 =	rddreg [dreg:$0x1];
	s2 =	simm.s32 $0x0;
	s4 =	stileid.u32  }
0x3: {  	s8 =	srdreg.scid;
	s28 =	simm.s32 $0x1;
	s29 =	simm.s32 $0x2  }
0x4: {  	s30 =	simm.s32 $0x0;
	[smem:$0x7FF] =	sst s2;
	s5 =	smul.u32 $0x13800, s4  }
0x5: {  	s3 =	sadd.s32 $0x41600, s0;
	s7 =	sadd.s32 $0x6400, s0;
	s18 =	sadd.s32 $0x10400, s0  }
0x6: {  	s12 =	sand.u32 $0x1, s8;
	s9 =	sshll.u32 s4, $0x1;
	s10 =	smul.u32 $0x4E000, s4  }
0x7: {  	s14 =	sadd.s32 $0x68800, s0;
	s21 =	sshll.u32 s4, $0x6;
	s22 =	sadd.s32 $0x138000, s1  }
0x8: {  	s16 =	smul.u32 $0x5000, s4;
	p0 =	sne.s32 s4, $0x0;
	_ =	strace $0x8000004D  }
0x9: {  	s8 =	ssub.s32 $0x2, s12;
	s9 =	sor.u32 s12, s9;
	s25 =	smul.u32 $0x138800, s12  }
0xa: {  	[dreg:$0x5] =	wrdreg s22;
	s17 =	smul.u32 $0x2800, s12;
	s22 =	simm.s32 $0x50  }
0xb: {  	s6 =	sshrl.u32 s5, $0x3;
	s11 =	sshrl.u32 s8, $0x1;
	s20 =	sshrl.u32 s10, $0x2  }
0xc: {  	s9 =	smul.u32 $0x2800, s9;
	s6 =	sadd.s32 s6, s0;
	s15 =	ssub.s32 s8, s11  }
0xd: {  	s8 =	sadd.s32 s20, s1;
	s0 =	sadd.s32 $0x41400, s0;
	s5 =	sadd.s32 s5, s25  }
0xe: {  	s26 =	sadd.s32 s17, s16;
	s20 =	simm.s32 $0x3;
	[dreg:$0x3] =	wrdreg s8  }
0xf: {  	s6 =	sadd.s32 $0x1A400, s6;
	s23 =	sshrl.u32 s9, $0x3;
	[dreg:$0x6] =	wrdreg s0  }
0x10: {  	s5 =	sshrl.u32 s5, $0x3;
	s0 =	sshrl.u32 s25, $0x3;
	s31 =	sor.u32 $0xA0, s26  }
0x11: {  	s15 =	smax.u32 s15, $0x1;
	s25 =	simm.s32 $0x180;
	[dreg:$0x4] =	wrdreg s6  }
0x12: {  	s6 =	sor.u32 $0x1C03, s21;
	s24 =	sadd.s32 s7, s23;
	s10 =	sadd.s32 s18, s23  }
0x13: {  	s13 =	sadd.s32 $0x4F6, s23;
	s0 =	sadd.s32 s14, s0;
	s21 =	simm.s32 $0x80  }
0x14: {  	s23 =	simm.s32 $0x200;
	[dreg:$0x7] =	wrdreg s24;
	s11 =	sadd.s32 s7, s13  }
0x15: {  	s12 =	sadd.s32 s18, s13;
	s13 =	sadd.s32 s14, s5;
	s14 =	sadd.s32 $0x27000, s0  }
0x16: {  	s5 =	sor.u32 $0x50, s26;
	s0 =	sshrl.u32 s31, $0x3;
	s24 =	simm.s32 $0x100  }
0x17: {  	s26 =	simm.s32 $0x2A00;
	s5 =	sshrl.u32 s5, $0x3;
	s16 =	sadd.s32 s0, s18  }
0x18: {  	s17 =	sadd.s32 s0, s7;
	s18 =	sadd.s32 s5, s18;
	s19 =	sadd.s32 s5, s7  }
.LBB2_1:
0x19: {  	s0 =	rddreg [dreg:$0x3]  }
0x1a: {  	s8 =	rddreg [dreg:$0x4];
	s31 =	sshrl.u32 s0, $0x3  }
0x1b: {  	[spmem:s31], [sflag:s6] =	dma.local [hbm:s8], $0x2700  }
0x1c: {  	_ =	swait.ge [sflag:s20], $0x2700  }
0x1d: {  	[sflag:s20] =	ssyncset.done $0x0;
	s0 =	rddreg [dreg:$0x5]  }
0x1e: {  	s4 =	rddreg [dreg:$0x6];
	[sflag:s20] =	ssyncadd.s32 $0xFFFFD900;
	s0 =	sshrl.u32 @!p0 s0, $0x3  }
0x1f: {  	[spmem:s0], [sflag:s6] =	dma.local @!p0 [hbm:s4], $0x100  }
0x20: {  	s4 =	simm.s32 @!p0 $0x3  }
0x21: {  	_ =	swait.ge @!p0 [sflag:s4], $0x100  }
0x22: {  	[sflag:s4] =	ssyncset.done @!p0 $0x0  }
0x23: {  	[sflag:s4] =	ssyncadd.s32 @!p0 $0xFFFFFF00  }
0x24: {  	[bflag:$0x0] =	sbarrier.arrive $0xFFFF  }
0x25: {  	s9 =	rddreg [dreg:$0x7]  }
0x26: {  	[tilespmem:s2], [sflag:$0x3] =	stream.linear.gather [hbm4b:s9+s2], $0x50, $0x38;
	[tilespmem:$0x18B00] =	vst v63  }
0x27: {  	_ =	swait.ge [sflag:s20], $0x50  }
0x28: {  	[sflag:s20] =	ssyncset.done $0x0  }
0x29: {  	[sflag:s20] =	ssyncadd.s32 $0xFFFFFFB0  }
0x2a: {  	[tilespmem:s21], [sflag:$0x3] =	stream.linear.gather [hbm4b:s10+s2], $0x50, $0x38;
	[tilespmem:$0x18B00] =	vst v63  }
0x2b: {  	_ =	swait.ge [sflag:s20], $0x50  }
0x2c: {  	[sflag:s20] =	ssyncset.done $0x0  }
0x2d: {  	[sflag:s20] =	ssyncadd.s32 $0xFFFFFFB0  }
0x2e: {  	[tilespmem:s23], [sflag:$0x1] =	stream.indirect.gather [hbm4b:s3+s22], $0x80, s2, s22, $0xb8;
	[tilespmem:$0x18B00] =	vst v63  }
0x2f: {  	s5 =	sadd.s32 $0x0, s19  }
0x30: {  	[tilespmem:s24], [sflag:$0x3] =	stream.linear.gather [hbm4b:s5+s2], $0x50, $0x38;
	[tilespmem:$0x18B00] =	vst v63  }
0x31: {  	_ =	swait.ge [sflag:s20], $0x50  }
0x32: {  	[sflag:s20] =	ssyncset.done $0x0  }
0x33: {  	s7 =	sadd.s32 $0x0, s18;
	[sflag:s20] =	ssyncadd.s32 $0xFFFFFFB0  }
0x34: {  	[tilespmem:s25], [sflag:$0x3] =	stream.linear.gather [hbm4b:s7+s2], $0x50, $0x38;
	[tilespmem:$0x18B00] =	vst v63  }
0x35: {  	_ =	swait.ge [sflag:s20], $0x50  }
0x36: {  	[sflag:s20] =	ssyncset.done $0x0  }
0x37: {  	[sflag:s20] =	ssyncadd.s32 $0xFFFFFFB0  }
0x38: {  	[tilespmem:s26], [sflag:$0x2] =	stream.indirect.gather [hbm4b:s3+s22], $0x80, s24, s22, $0xb8;
	[tilespmem:$0x18B00] =	vst v63  }
0x39: {  	_ =	swait.ge [sflag:s28], $0x2800  }
0x3a: {  	[sflag:s28] =	ssyncset.done $0x0  }
0x3b: {  	[sflag:s28] =	ssyncadd.s32 $0xFFFFD800  }
0x3c: {  	[spmem:s1] =	stream.indirect.scatter.add.f32 [tilespmem:s23], [sflag:$0x3], $0x80, s21, s22, $0xb8;
	[tilespmem:$0x18B00] =	vst v63  }
0x3d: {  	_ =	swait.ge [sflag:s20], $0x2800  }
0x3e: {  	[sflag:s20] =	ssyncset.done $0x0  }
0x3f: {  	s8 =	sadd.s32 $0x0, s17;
	[sflag:s20] =	ssyncadd.s32 $0xFFFFD800  }
0x40: {  	[tilespmem:s2], [sflag:$0x3] =	stream.linear.gather [hbm4b:s8+s2], $0x50, $0x38;
	[tilespmem:$0x18B00] =	vst v63  }
0x41: {  	_ =	swait.ge [sflag:s20], $0x50  }
0x42: {  	[sflag:s20] =	ssyncset.done $0x0  }
0x43: {  	s9 =	sadd.s32 $0x0, s16;
	[sflag:s20] =	ssyncadd.s32 $0xFFFFFFB0  }
0x44: {  	[tilespmem:s21], [sflag:$0x3] =	stream.linear.gather [hbm4b:s9+s2], $0x50, $0x38;
	[tilespmem:$0x18B00] =	vst v63  }
0x45: {  	_ =	swait.ge [sflag:s20], $0x50  }
0x46: {  	[sflag:s20] =	ssyncset.done $0x0  }
0x47: {  	[sflag:s20] =	ssyncadd.s32 $0xFFFFFFB0  }
0x48: {  	[tilespmem:s23], [sflag:$0x1] =	stream.indirect.gather [hbm4b:s3+s22], $0x80, s2, s22, $0xb8;
	[tilespmem:$0x18B00] =	vst v63  }
0x49: {  	_ =	swait.ge [sflag:s29], $0x2800  }
0x4a: {  	[sflag:s29] =	ssyncset.done $0x0  }
0x4b: {  	[sflag:s29] =	ssyncadd.s32 $0xFFFFD800  }
0x4c: {  	[spmem:s1] =	stream.indirect.scatter.add.f32 [tilespmem:s26], [sflag:$0x3], $0x80, s25, s22, $0xb8;
	[tilespmem:$0x18B00] =	vst v63  }
0x4d: {  	_ =	swait.ge [sflag:s20], $0x2800  }
0x4e: {  	s4 =	simm.s32 $0x14;
	s5 =	simm.s32 $0x28;
	[sflag:s20] =	ssyncset.done $0x0  }
.LBB2_2:
0x4f: {  	s8 =	sadd.s32 s4, s19  }
0x50: {  	[sflag:s20] =	ssyncadd.s32 $0xFFFFD800;
	s9 =	smov.u32 s5;
	s7 =	sadd.s32 $0x14, s5  }
0x51: {  	[tilespmem:s24], [sflag:$0x3] =	stream.linear.gather [hbm4b:s8+s2], $0x50, $0x38;
	[tilespmem:$0x18B00] =	vst v63  }
0x52: {  	p1 =	sne.s32 s5, $0x4D8;
	_ =	swait.ge [sflag:s20], $0x50  }
0x53: {  	[sflag:s20] =	ssyncset.done $0x0  }
0x54: {  	s5 =	sadd.s32 s4, s18;
	[sflag:s20] =	ssyncadd.s32 $0xFFFFFFB0  }
0x55: {  	[tilespmem:s25], [sflag:$0x3] =	stream.linear.gather [hbm4b:s5+s2], $0x50, $0x38;
	[tilespmem:$0x18B00] =	vst v63  }
0x56: {  	_ =	swait.ge [sflag:s20], $0x50  }
0x57: {  	[sflag:s20] =	ssyncset.done $0x0  }
0x58: {  	[sflag:s20] =	ssyncadd.s32 $0xFFFFFFB0  }
0x59: {  	[tilespmem:s26], [sflag:$0x2] =	stream.indirect.gather [hbm4b:s3+s22], $0x80, s24, s22, $0xb8;
	[tilespmem:$0x18B00] =	vst v63  }
0x5a: {  	_ =	swait.ge [sflag:s28], $0x2800  }
0x5b: {  	[sflag:s28] =	ssyncset.done $0x0  }
0x5c: {  	[sflag:s28] =	ssyncadd.s32 $0xFFFFD800  }
0x5d: {  	[spmem:s1] =	stream.indirect.scatter.add.f32 [tilespmem:s23], [sflag:$0x3], $0x80, s21, s22, $0xb8;
	[tilespmem:$0x18B00] =	vst v63  }
0x5e: {  	_ =	swait.ge [sflag:s20], $0x2800  }
0x5f: {  	[sflag:s20] =	ssyncset.done $0x0  }
0x60: {  	s5 =	sadd.s32 s4, s17;
	[sflag:s20] =	ssyncadd.s32 $0xFFFFD800  }
0x61: {  	[tilespmem:s2], [sflag:$0x3] =	stream.linear.gather [hbm4b:s5+s2], $0x50, $0x38;
	[tilespmem:$0x18B00] =	vst v63  }
0x62: {  	_ =	swait.ge [sflag:s20], $0x50  }
0x63: {  	[sflag:s20] =	ssyncset.done $0x0  }
0x64: {  	s5 =	sadd.s32 s4, s16;
	s4 =	smov.u32 s9;
	[sflag:s20] =	ssyncadd.s32 $0xFFFFFFB0  }
0x65: {  	[tilespmem:s21], [sflag:$0x3] =	stream.linear.gather [hbm4b:s5+s2], $0x50, $0x38;
	[tilespmem:$0x18B00] =	vst v63  }
0x66: {  	_ =	swait.ge [sflag:s20], $0x50  }
0x67: {  	[sflag:s20] =	ssyncset.done $0x0  }
0x68: {  	[sflag:s20] =	ssyncadd.s32 $0xFFFFFFB0  }
0x69: {  	[tilespmem:s23], [sflag:$0x1] =	stream.indirect.gather [hbm4b:s3+s22], $0x80, s2, s22, $0xb8;
	[tilespmem:$0x18B00] =	vst v63  }
0x6a: {  	_ =	swait.ge [sflag:s29], $0x2800  }
.Ltmp0:
0x6b: {  	[sflag:s29] =	ssyncset.done $0x0;
	(pc) =	sbr.rel @p1 .LBB2_2-.Ltmp0, $4  }
0x6c: {  	[sflag:s29] =	ssyncadd.s32 $0xFFFFD800  }
0x6d: {  	[spmem:s1] =	stream.indirect.scatter.add.f32 [tilespmem:s26], [sflag:$0x3], $0x80, s25, s22, $0xb8;
	[tilespmem:$0x18B00] =	vst v63  }
0x6e: {  	_ =	swait.ge [sflag:s20], $0x2800  }
0x6f: {  	s5 =	smov.u32 s7;
	[sflag:s20] =	ssyncset.done $0x0  }
0x70: {  	s5 =	sadd.s32 s4, s19;
	[sflag:s20] =	ssyncadd.s32 $0xFFFFD800  }
0x71: {  	[tilespmem:s24], [sflag:$0x3] =	stream.linear.gather [hbm4b:s5+s2], $0x50, $0x38;
	[tilespmem:$0x18B00] =	vst v63  }
0x72: {  	_ =	swait.ge [sflag:s20], $0x50  }
0x73: {  	[sflag:s20] =	ssyncset.done $0x0  }
0x74: {  	s7 =	sadd.s32 s4, s18;
	[sflag:s20] =	ssyncadd.s32 $0xFFFFFFB0  }
0x75: {  	[tilespmem:s25], [sflag:$0x3] =	stream.linear.gather [hbm4b:s7+s2], $0x50, $0x38;
	[tilespmem:$0x18B00] =	vst v63  }
0x76: {  	_ =	swait.ge [sflag:s20], $0x50  }
0x77: {  	[sflag:s20] =	ssyncset.done $0x0  }
0x78: {  	[sflag:s20] =	ssyncadd.s32 $0xFFFFFFB0  }
0x79: {  	[tilespmem:s26], [sflag:$0x2] =	stream.indirect.gather [hbm4b:s3+s22], $0x80, s24, s22, $0xb8;
	[tilespmem:$0x18B00] =	vst v63  }
0x7a: {  	_ =	swait.ge [sflag:s28], $0x2800  }
0x7b: {  	[sflag:s28] =	ssyncset.done $0x0  }
0x7c: {  	[sflag:s28] =	ssyncadd.s32 $0xFFFFD800  }
0x7d: {  	[spmem:s1] =	stream.indirect.scatter.add.f32 [tilespmem:s23], [sflag:$0x3], $0x80, s21, s22, $0xb8;
	[tilespmem:$0x18B00] =	vst v63  }
0x7e: {  	_ =	swait.ge [sflag:s20], $0x2800  }
0x7f: {  	[sflag:s20] =	ssyncset.done $0x0  }
0x80: {  	s8 =	sadd.s32 s4, s17;
	[sflag:s20] =	ssyncadd.s32 $0xFFFFD800  }
0x81: {  	[tilespmem:s2], [sflag:$0x3] =	stream.linear.gather [hbm4b:s8+s2], $0x50, $0x38;
	[tilespmem:$0x18B00] =	vst v63  }
0x82: {  	_ =	swait.ge [sflag:s20], $0x50  }
0x83: {  	[sflag:s20] =	ssyncset.done $0x0  }
0x84: {  	s9 =	sadd.s32 s4, s16;
	[sflag:s20] =	ssyncadd.s32 $0xFFFFFFB0  }
0x85: {  	[tilespmem:s21], [sflag:$0x3] =	stream.linear.gather [hbm4b:s9+s2], $0x50, $0x38;
	[tilespmem:$0x18B00] =	vst v63  }
0x86: {  	_ =	swait.ge [sflag:s20], $0x50  }
0x87: {  	[sflag:s20] =	ssyncset.done $0x0  }
0x88: {  	[sflag:s20] =	ssyncadd.s32 $0xFFFFFFB0  }
0x89: {  	[tilespmem:s23], [sflag:$0x1] =	stream.indirect.gather [hbm4b:s3+s22], $0x80, s2, s22, $0xb8;
	[tilespmem:$0x18B00] =	vst v63  }
0x8a: {  	_ =	swait.ge [sflag:s29], $0x2800  }
0x8b: {  	[sflag:s29] =	ssyncset.done $0x0  }
0x8c: {  	[sflag:s29] =	ssyncadd.s32 $0xFFFFD800  }
0x8d: {  	[spmem:s1] =	stream.indirect.scatter.add.f32 [tilespmem:s26], [sflag:$0x3], $0x80, s25, s22, $0xb8;
	[tilespmem:$0x18B00] =	vst v63  }
0x8e: {  	_ =	swait.ge [sflag:s20], $0x2800  }
0x8f: {  	[sflag:s20] =	ssyncset.done $0x0  }
0x90: {  	[sflag:s20] =	ssyncadd.s32 $0xFFFFD800  }
0x91: {  	[tilespmem:s24], [sflag:$0x3] =	stream.linear.gather [hbm4b:s11+s2], $0x50, $0x38;
	[tilespmem:$0x18B00] =	vst v63  }
0x92: {  	_ =	swait.ge [sflag:s20], $0x50  }
0x93: {  	[sflag:s20] =	ssyncset.done $0x0  }
0x94: {  	[sflag:s20] =	ssyncadd.s32 $0xFFFFFFB0  }
0x95: {  	[tilespmem:s25], [sflag:$0x3] =	stream.linear.gather [hbm4b:s12+s2], $0x50, $0x38;
	[tilespmem:$0x18B00] =	vst v63  }
0x96: {  	_ =	swait.ge [sflag:s20], $0x50  }
0x97: {  	[sflag:s20] =	ssyncset.done $0x0  }
0x98: {  	[sflag:s20] =	ssyncadd.s32 $0xFFFFFFB0  }
0x99: {  	[tilespmem:s26], [sflag:$0x2] =	stream.indirect.gather [hbm4b:s3+s22], $0x80, s24, s22, $0xb8;
	[tilespmem:$0x18B00] =	vst v63  }
0x9a: {  	_ =	swait.ge [sflag:s28], $0x2800  }
0x9b: {  	[sflag:s28] =	ssyncset.done $0x0  }
0x9c: {  	[sflag:s28] =	ssyncadd.s32 $0xFFFFD800  }
0x9d: {  	[spmem:s1] =	stream.indirect.scatter.add.f32 [tilespmem:s23], [sflag:$0x3], $0x80, s21, s22, $0xb8;
	[tilespmem:$0x18B00] =	vst v63  }
0x9e: {  	_ =	swait.ge [sflag:s20], $0x2800  }
0x9f: {  	[sflag:s20] =	ssyncset.done $0x0  }
0xa0: {  	[sflag:s20] =	ssyncadd.s32 $0xFFFFD800  }
0xa1: {  	_ =	swait.ge [sflag:s29], $0x2800  }
0xa2: {  	[sflag:s29] =	ssyncset.done $0x0  }
0xa3: {  	[sflag:s29] =	ssyncadd.s32 $0xFFFFD800  }
0xa4: {  	[spmem:s1] =	stream.indirect.scatter.add.f32 [tilespmem:s26], [sflag:$0x3], $0x80, s25, s22, $0xb8;
	[tilespmem:$0x18B00] =	vst v63  }
0xa5: {  	_ =	swait.ge [sflag:s20], $0x2800  }
0xa6: {  	[sflag:s20] =	ssyncset.done $0x0  }
0xa7: {  	[sflag:s20] =	ssyncadd.s32 $0xFFFFD800  }
0xa8: {  	[bflag:$0x0] =	sbarrier.arrive $0xFFFF  }
0xa9: {  	[hbm:s13], [sflag:s6] =	dma.local [spmem:s31], $0x2700  }
0xaa: {  	_ =	swait.ge [sflag:s20], $0x2700  }
0xab: {  	s30 =	sadd.s32 $0x1, s30;
	[sflag:s20] =	ssyncset.done $0x0  }
0xac: {  	p1 =	sne.s32 s30, s15;
	[sflag:s20] =	ssyncadd.s32 $0xFFFFD900  }
0xad: {  	[hbm:s14], [sflag:s6] =	dma.local @!p0 [spmem:s0], $0x100  }
.Ltmp1:
0xae: {  	_ = 	snop;
	(pc) =	sbr.rel @p1 .LBB2_1-.Ltmp1, $4  }
0xaf: {  	s0 =	simm.s32 @!p0 $0x3  }
0xb0: {  	_ =	swait.ge @!p0 [sflag:s0], $0x100  }
0xb1: {  	[sflag:s0] =	ssyncset.done @!p0 $0x0  }
0xb2: {  	[sflag:s0] =	ssyncadd.s32 @!p0 $0xFFFFFF00  }
0xb3: {  	_ =	sfence.sel $0x180000  }
0xb4: {  	[bflag:$0x0] =	sbarrier.arrive $0xFFFF  }
0xb5: {  	_ =	strace $0x9000004D  }
0xb6: {  	[bflag:$0x2] =	sbarrier.arrive $0xFFFF  }
0xb7: {  	s0 =	rddreg [dreg:$0x2]  }
0xb8: {  	s0 =	sadd.s32 @!p0 $0x100000, s0  }
0xb9: {  	[sflag:s0] =	ssyncadd.tile.s32 @!p0 $0x1;
	_ =	shalt  }
.Lfunc_end2:
_tile_overlayer_lowered:
.L_overlay_start_2:
0xba: {  	(tag) =	ssettag $0x2  }
0xbb: {  	s0 =	rddreg [dreg:$0x0];
	s2 =	stileid.u32  }
0xbc: {  	s1 =	rddreg [dreg:$0x1];
	p0 =	sne.s32 s2, $0x0  }
0xbd: {  	s3 =	rddreg [dreg:$0x2];
	[bflag:$0x3] =	sbarrier.arrive $0xFFFF;
	s2 =	simm.s32 @!p0 $0x1C03  }
0xbe: {  	[timem:s3], [sflag:s2] =	dma.local @!p0 [hbm:s0], s1  }
0xbf: {  	s0 =	simm.s32 @!p0 $0x3  }
0xc0: {  	_ =	swait.ge @!p0 [sflag:s0], s1  }
0xc1: {  	s1 =	ssub.s32 @!p0 $0x0, s1;
	[sflag:s0] =	ssyncset.done @!p0 $0x0  }
0xc2: {  	[sflag:s0] =	ssyncadd.s32 @!p0 s1  }
0xc3: {  	[bflag:$0x3] =	sbarrier.arrive $0xFFFF  }
0xc4: {  	_ =	shalt  }

// kernel: kernel.8.cloned.1.call-start
scs
__scs_entry_jumppad:
0x0: {  	(pc) =	sbr.rel $0x88, $3  }
0x1: {  	(tag) =	ssettag $0x0;
	lr =	simm.s32 $0x1  }
0x2: {  	[smem:$0x3F7F] =	sst lr;
	_ =	strace $0xD0000000  }
0x3: {  	_ = 	snop  }
0x4: {  	_ = 	snop  }
0x5: {  	_ = 	snop  }
0x6: {  	_ = 	snop  }
0x7: {  	_ = 	snop  }
__scs_overlays_trampoline_lowered:
0x8: {  	[smem:$0x3F8E] =	sst s0  }
0x9: {  	[smem:$0x3F8F] =	sst s1  }
0xa: {  	[smem:$0x3F90] =	sst s2  }
0xb: {  	[smem:$0x3F91] =	sst s3  }
0xc: {  	[smem:$0x3F92] =	sst s4  }
0xd: {  	[smem:$0x3F93] =	sst s5  }
0xe: {  	[smem:$0x3F94] =	sst s6  }
0xf: {  	[smem:$0x3F95] =	sst s7  }
0x10: {  	[smem:$0x3F96] =	sst s8  }
0x11: {  	[smem:$0x3F97] =	sst s9;
	s0 =	simm.s32 @!p0 $0x0  }
0x12: {  	s1 =	sld [smem:$0x3F7D];
	s0 =	simm.s32 @p0 $0x1  }
0x13: {  	[smem:$0x3F98] =	sst s0;
	s0 =	simm.s32 @!p1 $0x0  }
0x14: {  	s2 =	sld [smem:$0x3F7C];
	s0 =	simm.s32 @p1 $0x1  }
0x15: {  	[smem:$0x3F99] =	sst s0;
	s0 =	simm.s32 @!p2 $0x0  }
0x16: {  	s3 =	sld [smem:$0x3FDB];
	s0 =	simm.s32 @p2 $0x1  }
0x17: {  	s4 =	simm.s32 $0x1BF5;
	[smem:$0x3F9B] =	sst s0  }
0x18: {  	s0 =	sld [smem:$0x3F7E];
	_ =	swait.ge [sflag:s4], $0x0  }
0x19: {  	s7 =	sld [smem:$0x3F7F]  }
0x1a: {  	s8 =	sadd.s32 $0xFFFFE003, lr  }
0x1b: {  	s9 =	sadd.s32 $0xFFFFFEF7, lr;
	s5 =	simm.s32 $0xFFFFFFFF;
	p2 =	slt.u32 s8, $0xFFFFF086  }
0x1c: {  	p1 =	slt.u32 s9, $0xF7A;
	s5 =	simm.s32 @!p2 $0x0  }
0x1d: {  	s5 =	simm.s32 @p1 $0x1;
	p0 =	seq.s32 s7, s2  }
0x1e: {  	s7 =	smul.u32 @!p0 $0xF7A, s2;
	p2 =	seq.s32 @!p0 s5, $0x0  }
0x1f: {  	s9 =	smul.u32 $0xF7A, s1;
	s8 =	simm.s32 @!p0 $0x1BF5;
	p2 =	por !p2, p0  }
0x20: {  	[sflag:s8] =	ssyncset.s32 @!p0 $0xFFFFF086;
	s6 =	sadd.s32 @!p0 s3, s7;
	s7 =	simm.s32 @!p0 $0x108  }
0x21: {  	s3 =	sadd.s32 s3, s9;
	s6 =	sadd.s32 @!p0 $0x88, s6;
	s7 =	simm.s32 @p2 $0x1082  }
0x22: {  	[simem:s7], [sflag:s8] =	dma.local @!p0 [hbm:s6], $0xF7A  }
0x23: {  	s9 =	sor.u32 $0xD0000000, s2;
	s6 =	simm.s32 $0x108;
	_ =	swait.ge @!p0 [sflag:s8], $0x0  }
0x24: {  	s3 =	sadd.s32 $0x88, s3;
	s6 =	simm.s32 @!p1 $0x1082;
	[sflag:s4] =	ssyncset.s32 $0xFFFFF086  }
0x25: {  	[simem:s6], [sflag:s4] =	dma.local [hbm:s3], $0xF7A  }
0x26: {  	[smem:$0x3F7F] =	sst s1;
	(tag) =	ssettag s2;
	_ =	strace s9  }
0x27: {  	s1 =	sld [smem:$0x3F8F]  }
0x28: {  	s2 =	sld [smem:$0x3F90]  }
0x29: {  	s4 =	sld [smem:$0x3F92]  }
0x2a: {  	p0 =	seq.s32 s5, $0x0;
	s5 =	sld [smem:$0x3F93]  }
0x2b: {  	s6 =	sld [smem:$0x3F94]  }
0x2c: {  	s7 =	sld [smem:$0x3F95]  }
0x2d: {  	s3 =	simm.s32 $0x108;
	s8 =	sld [smem:$0x3F96]  }
0x2e: {  	s3 =	simm.s32 @!p0 $0x1082;
	s9 =	sld [smem:$0x3F97]  }
0x2f: {  	lr =	sadd.s32 s0, s3;
	s0 =	sld [smem:$0x3F8E]  }
0x30: {  	s3 =	sld [smem:$0x3F91]  }
0x31: {  	[smem:$0x3F9A] =	sst s10  }
0x32: {  	s10 =	sld [smem:$0x3F98];
	_ =	sdelay $0x3  }
0x33: {  	p0 =	seq.s32 s10, $0x1;
	s10 =	sld [smem:$0x3F9A];
	_ =	sdelay $0x3  }
0x34: {  	[smem:$0x3F9A] =	sst s10  }
0x35: {  	s10 =	sld [smem:$0x3F99];
	_ =	sdelay $0x3  }
0x36: {  	p1 =	seq.s32 s10, $0x1;
	s10 =	sld [smem:$0x3F9A];
	_ =	sdelay $0x3  }
0x37: {  	[smem:$0x3F9A] =	sst s10  }
0x38: {  	s10 =	sld [smem:$0x3F9B]  }
0x39: {  	_ = 	snop;
	(pc) =	sbr.ind lr, $3  }
0x3a: {  	_ = 	snop  }
0x3b: {  	_ = 	snop  }
0x3c: {  	p2 =	seq.s32 s10, $0x1;
	s10 =	sld [smem:$0x3F9A]  }
0x3d: {  	_ =	shalt  }
0x3e: {  	_ =	shalt  }
0x3f: {  	_ =	shalt  }
0x40: {  	_ =	shalt  }
0x41: {  	_ =	shalt  }
0x42: {  	_ =	shalt  }
0x43: {  	_ =	shalt  }
0x44: {  	_ =	shalt  }
0x45: {  	_ =	shalt  }
0x46: {  	_ =	shalt  }
0x47: {  	_ =	shalt  }
0x48: {  	_ =	shalt  }
0x49: {  	_ =	shalt  }
0x4a: {  	_ =	shalt  }
0x4b: {  	_ =	shalt  }
0x4c: {  	_ =	shalt  }
0x4d: {  	_ =	shalt  }
0x4e: {  	_ =	shalt  }
0x4f: {  	_ =	shalt  }
0x50: {  	_ =	shalt  }
0x51: {  	_ =	shalt  }
0x52: {  	_ =	shalt  }
0x53: {  	_ =	shalt  }
0x54: {  	_ =	shalt  }
0x55: {  	_ =	shalt  }
0x56: {  	_ =	shalt  }
0x57: {  	_ =	shalt  }
0x58: {  	_ =	shalt  }
0x59: {  	_ =	shalt  }
0x5a: {  	_ =	shalt  }
0x5b: {  	_ =	shalt  }
0x5c: {  	_ =	shalt  }
0x5d: {  	_ =	shalt  }
0x5e: {  	_ =	shalt  }
0x5f: {  	_ =	shalt  }
0x60: {  	_ =	shalt  }
0x61: {  	_ =	shalt  }
0x62: {  	_ =	shalt  }
0x63: {  	_ =	shalt  }
0x64: {  	_ =	shalt  }
0x65: {  	_ =	shalt  }
0x66: {  	_ =	shalt  }
0x67: {  	_ =	shalt  }
0x68: {  	_ =	shalt  }
0x69: {  	_ =	shalt  }
0x6a: {  	_ =	shalt  }
0x6b: {  	_ =	shalt  }
0x6c: {  	_ =	shalt  }
0x6d: {  	_ =	shalt  }
0x6e: {  	_ =	shalt  }
0x6f: {  	_ =	shalt  }
0x70: {  	_ =	shalt  }
0x71: {  	_ =	shalt  }
0x72: {  	_ =	shalt  }
0x73: {  	_ =	shalt  }
0x74: {  	_ =	shalt  }
0x75: {  	_ =	shalt  }
0x76: {  	_ =	shalt  }
0x77: {  	_ =	shalt  }
0x78: {  	_ =	shalt  }
0x79: {  	_ =	shalt  }
0x7a: {  	_ =	shalt  }
0x7b: {  	_ =	shalt  }
0x7c: {  	_ =	shalt  }
0x7d: {  	_ =	shalt  }
0x7e: {  	_ =	shalt  }
0x7f: {  	_ =	shalt  }
0x80: {  	_ =	shalt  }
0x81: {  	_ =	shalt  }
0x82: {  	_ =	shalt  }
0x83: {  	_ =	shalt  }
0x84: {  	_ =	shalt  }
0x85: {  	_ =	shalt  }
0x86: {  	_ =	shalt  }
0x87: {  	_ =	shalt  }
.Lfunc_end0:
.L_simem_size_0:
called_computation_lowered:
.L_overlay_start_0:
0x88: {  	s2 =	sld [smem:$0x3FD9]  }
0x89: {  	s3 =	sld [smem:$0x3FFE];
	_ =	sdelay $0x1  }
0x8a: {  	s1 =	srdreg.scid  }
0x8b: {  	s0 =	sand.u32 $0x1, s1  }
0x8c: {  	s17 =	sshll.u32 s0, $0xA;
	s2 =	sadd.s32 s3, s2  }
0x8d: {  	s2 =	sadd.s32 s2, s17  }
0x8e: {  	[smem:$0x3FA6] =	sst s2  }
0x8f: {  	_ = 	snop  }
0x90: {  	s2 =	sld [smem:$0x3FC9];
	(tm) =	ssettm $0x1  }
0x91: {  	s18 =	sld [smem:$0x3FFB];
	_ =	sdelay $0x3  }
0x92: {  	_ =	strace s18  }
0x93: {  	s3 =	sld [smem:$0x3FFC];
	_ =	sdelay $0x3  }
0x94: {  	_ =	strace s3  }
0x95: {  	s3 =	sld [smem:$0x3FFD];
	_ =	sdelay $0x3  }
0x96: {  	_ =	strace s3  }
0x97: {  	_ =	strace $0x8FFFFFFF  }
0x98: {  	s19 =	sld [smem:$0x3FDB];
	_ =	sdelay $0x1  }
0x99: {  	s4 =	simm.s32 $_scs_section_size  }
0x9a: {  	s5 =	simm.s32 $_size__tile_overlayer_lowered;
	s6 =	simm.s32 $_tile_overlayer_lowered  }
0x9b: {  	s22 =	simm.s32 $0x1BFF;
	s21 =	sshll.u32 s6, $0x1;
	s3 =	sadd.s32 s4, s19  }
0x9c: {  	s7 =	simm.s32 $0x0;
	s20 =	sshll.u32 s5, $0x1;
	s5 =	sadd.s32 s21, s3  }
0x9d: {  	[timem:s7], [sflag:s22] =	dma.local [hbm:s5], s20  }
0x9e: {  	_ =	swait.ge [sflag:s22], s20  }
0x9f: {  	s4 =	ssub.s32 $0x0, s20;
	[sflag:s22] =	ssyncset.done $0x0  }
0xa0: {  	[sflag:s22] =	ssyncadd.s32 s4;
	_ =	sdelay $0x1  }
0xa1: {  	s23 =	simm.s32 $0x1B8B  }
0xa2: {  	_ =	swait.ge [sflag:s23], $0x1  }
0xa3: {  	[sflag:s23] =	ssyncset.done $0x0  }
0xa4: {  	s25 =	simm.s32 $0x1B8E;
	s24 =	sld [smem:$0x3FFE];
	[sflag:s23] =	ssyncadd.s32 $0xFFFFFFFF  }
0xa5: {  	s26 =	simm.s32 $execute0_lowered;
	[smem:$0x3FD2] =	sst s25  }
0xa6: {  	s5 =	sshll.u32 s26, $0x1;
	_ =	strace $0x80000046;
	[dreg:$0x1] =	wrdreg $0xFFFFFFFF  }
0xa7: {  	s28 =	simm.s32 $_size_execute0_lowered;
	s3 =	sadd.s32 s3, s5;
	[dreg:$0x0] =	wrdreg $0x0  }
0xa8: {  	s5 =	sshll.u32 s28, $0x1;
	[dreg:$0x2] =	wrdreg s3  }
0xa9: {  	[dreg:$0x3] =	wrdreg s5  }
0xaa: {  	[dreg:$0x4] =	wrdreg $0xC0  }
0xab: {  	_ =	task [dreg:s7], $0x5FFFF  }
0xac: {  	[dreg:$0x1] =	wrdreg $0xFFFFFFFF  }
0xad: {  	[dreg:$0x0] =	wrdreg $0x60  }
0xae: {  	[dreg:$0x2] =	wrdreg s2  }
0xaf: {  	[dreg:$0x3] =	wrdreg s24  }
0xb0: {  	[dreg:$0x4] =	wrdreg $0x52000  }
0xb1: {  	[dreg:$0x5] =	wrdreg $0x9  }
0xb2: {  	_ =	task.clear_ibuf [dreg:s7], $0x6FFFF;
	_ =	strace $0x90000046  }
0xb3: {  	s29 =	simm.s32 $0x9;
	_ =	strace $0x80000048  }
0xb4: {  	_ =	swait.ge [sflag:s29], $0x1  }
0xb5: {  	[sflag:s29] =	ssyncadd.s32 $0xFFFFFFFF  }
0xb6: {  	_ =	strace $0x90000048  }
0xb7: {  	_ =	sfence  }
0xb8: {  	s30 =	sld [smem:$0x0];
	_ =	sdelay $0x2  }
0xb9: {  	s31 =	sshll.u32 s1, $0xD;
	s1 =	sshrl.u32 s1, $0x2  }
0xba: {  	s3 =	sand.u32 $0x4000, s31;
	s1 =	sadd.s32 s1, s30  }
0xbb: {  	s0 =	sor.u32 s3, s0;
	s1 =	sshll.u32 s1, $0x11  }
0xbc: {  	s0 =	sor.u32 s1, s0  }
0xbd: {  	s0 =	sadd.s32 $0x8F2B, s0  }
0xbe: {  	[sflag:s0] =	ssyncadd.remote.s32 $0x1  }
0xbf: {  	_ =	sfence.sel $0xFFFF  }
0xc0: {  	[dreg:$0x0] =	wrdreg $0xFFFFFFFF;
	(pc) =	sbr.abs _section_cstart, $3  }
0xc1: {  	[dreg:$0x1] =	wrdreg $0xFFFFFFFF  }
0xc2: {  	_ =	task.clear_ibuf [dreg:s7], $0x2FFFF;
	_ =	strace $0x9FFFFFFF  }
0xc3: {  	(tm) =	ssettm $0x7FFFFFFF  }
tec
execute0_lowered:
.L_overlay_start_1:
0x0: {  	(tag) =	ssettag $0x1  }
0x1: {  	s1 =	rddreg [dreg:$0x0]  }
0x2: {  	s0 =	rddreg [dreg:$0x1]  }
0x3: {  	s2 =	rddreg [dreg:$0x2];
	s3 =	simm.s32 $0x0  }
0x4: {  	s4 =	stileid.u32;
	s8 =	srdreg.scid;
	s28 =	simm.s32 $0x1  }
0x5: {  	s29 =	simm.s32 $0x2;
	s30 =	simm.s32 $0x0;
	[smem:$0x7FF] =	sst s3  }
0x6: {  	s5 =	smul.u32 $0x13800, s4;
	s7 =	sadd.s32 $0x6400, s0;
	s18 =	sadd.s32 $0x10400, s0  }
0x7: {  	s12 =	sand.u32 $0x1, s8;
	s9 =	sshll.u32 s4, $0x1;
	s10 =	smul.u32 $0x4E000, s4  }
0x8: {  	s14 =	sadd.s32 $0x41600, s0;
	s21 =	sshll.u32 s4, $0x6;
	s22 =	sadd.s32 $0x138000, s2  }
0x9: {  	s16 =	smul.u32 $0x5000, s4;
	p0 =	sne.s32 s4, $0x0;
	_ =	strace $0x80000047  }
0xa: {  	s8 =	ssub.s32 $0x2, s12;
	s9 =	sor.u32 s12, s9;
	s25 =	smul.u32 $0x138800, s12  }
0xb: {  	[dreg:$0x6] =	wrdreg s22;
	s17 =	smul.u32 $0x2800, s12;
	s22 =	simm.s32 $0x50  }
0xc: {  	s6 =	sshrl.u32 s5, $0x3;
	s11 =	sshrl.u32 s8, $0x1;
	s20 =	sshrl.u32 s10, $0x2  }
0xd: {  	s9 =	smul.u32 $0x2800, s9;
	s6 =	sadd.s32 s6, s0;
	s15 =	ssub.s32 s8, s11  }
0xe: {  	s8 =	sadd.s32 s20, s2;
	s0 =	sadd.s32 $0x41400, s0;
	s5 =	sadd.s32 s5, s25  }
0xf: {  	s26 =	sadd.s32 s17, s16;
	s20 =	simm.s32 $0x3;
	[dreg:$0x4] =	wrdreg s8  }
0x10: {  	s6 =	sadd.s32 $0x1A400, s6;
	s23 =	sshrl.u32 s9, $0x3;
	[dreg:$0x7] =	wrdreg s0  }
0x11: {  	s5 =	sshrl.u32 s5, $0x3;
	s0 =	sshrl.u32 s25, $0x3;
	s31 =	sor.u32 $0xA0, s26  }
0x12: {  	s15 =	smax.u32 s15, $0x1;
	s25 =	simm.s32 $0x180;
	[dreg:$0x5] =	wrdreg s6  }
0x13: {  	s6 =	sor.u32 $0x1C03, s21;
	s24 =	sadd.s32 s7, s23;
	s10 =	sadd.s32 s18, s23  }
0x14: {  	s13 =	sadd.s32 $0x4F6, s23;
	s0 =	sadd.s32 s14, s0;
	s21 =	simm.s32 $0x80  }
0x15: {  	s23 =	simm.s32 $0x200;
	[dreg:$0x8] =	wrdreg s24;
	s11 =	sadd.s32 s7, s13  }
0x16: {  	s12 =	sadd.s32 s18, s13;
	s13 =	sadd.s32 s14, s5;
	s14 =	sadd.s32 $0x27000, s0  }
0x17: {  	s5 =	sor.u32 $0x50, s26;
	s0 =	sshrl.u32 s31, $0x3;
	s24 =	simm.s32 $0x100  }
0x18: {  	s26 =	simm.s32 $0x2A00;
	s5 =	sshrl.u32 s5, $0x3;
	s16 =	sadd.s32 s0, s18  }
0x19: {  	s17 =	sadd.s32 s0, s7;
	s18 =	sadd.s32 s5, s18;
	s19 =	sadd.s32 s5, s7  }
.LBB2_1:
0x1a: {  	s0 =	rddreg [dreg:$0x4]  }
0x1b: {  	s8 =	rddreg [dreg:$0x5];
	s31 =	sshrl.u32 s0, $0x3  }
0x1c: {  	[spmem:s31], [sflag:s6] =	dma.local [hbm:s8], $0x2700  }
0x1d: {  	_ =	swait.ge [sflag:s20], $0x2700  }
0x1e: {  	[sflag:s20] =	ssyncset.done $0x0;
	s0 =	rddreg [dreg:$0x6]  }
0x1f: {  	s4 =	rddreg [dreg:$0x7];
	[sflag:s20] =	ssyncadd.s32 $0xFFFFD900;
	s0 =	sshrl.u32 @!p0 s0, $0x3  }
0x20: {  	[spmem:s0], [sflag:s6] =	dma.local @!p0 [hbm:s4], $0x100  }
0x21: {  	s4 =	simm.s32 @!p0 $0x3  }
0x22: {  	_ =	swait.ge @!p0 [sflag:s4], $0x100  }
0x23: {  	[sflag:s4] =	ssyncset.done @!p0 $0x0  }
0x24: {  	[sflag:s4] =	ssyncadd.s32 @!p0 $0xFFFFFF00  }
0x25: {  	[bflag:$0x0] =	sbarrier.arrive $0xFFFF  }
0x26: {  	s9 =	rddreg [dreg:$0x8]  }
0x27: {  	[tilespmem:s3], [sflag:$0x3] =	stream.linear.gather [hbm4b:s9+s3], $0x50, $0x38;
	[tilespmem:$0x18B00] =	vst v63  }
0x28: {  	_ =	swait.ge [sflag:s20], $0x50  }
0x29: {  	[sflag:s20] =	ssyncset.done $0x0  }
0x2a: {  	[sflag:s20] =	ssyncadd.s32 $0xFFFFFFB0  }
0x2b: {  	[tilespmem:s21], [sflag:$0x3] =	stream.linear.gather [hbm4b:s10+s3], $0x50, $0x38;
	[tilespmem:$0x18B00] =	vst v63  }
0x2c: {  	_ =	swait.ge [sflag:s20], $0x50  }
0x2d: {  	[sflag:s20] =	ssyncset.done $0x0  }
0x2e: {  	[sflag:s20] =	ssyncadd.s32 $0xFFFFFFB0  }
0x2f: {  	[tilespmem:s23], [sflag:$0x1] =	stream.indirect.gather [hbm4b:s1+s22], $0x80, s3, s22, $0xb8;
	[tilespmem:$0x18B00] =	vst v63  }
0x30: {  	s5 =	sadd.s32 $0x0, s19  }
0x31: {  	[tilespmem:s24], [sflag:$0x3] =	stream.linear.gather [hbm4b:s5+s3], $0x50, $0x38;
	[tilespmem:$0x18B00] =	vst v63  }
0x32: {  	_ =	swait.ge [sflag:s20], $0x50  }
0x33: {  	[sflag:s20] =	ssyncset.done $0x0  }
0x34: {  	s7 =	sadd.s32 $0x0, s18;
	[sflag:s20] =	ssyncadd.s32 $0xFFFFFFB0  }
0x35: {  	[tilespmem:s25], [sflag:$0x3] =	stream.linear.gather [hbm4b:s7+s3], $0x50, $0x38;
	[tilespmem:$0x18B00] =	vst v63  }
0x36: {  	_ =	swait.ge [sflag:s20], $0x50  }
0x37: {  	[sflag:s20] =	ssyncset.done $0x0  }
0x38: {  	[sflag:s20] =	ssyncadd.s32 $0xFFFFFFB0  }
0x39: {  	[tilespmem:s26], [sflag:$0x2] =	stream.indirect.gather [hbm4b:s1+s22], $0x80, s24, s22, $0xb8;
	[tilespmem:$0x18B00] =	vst v63  }
0x3a: {  	_ =	swait.ge [sflag:s28], $0x2800  }
0x3b: {  	[sflag:s28] =	ssyncset.done $0x0  }
0x3c: {  	[sflag:s28] =	ssyncadd.s32 $0xFFFFD800  }
0x3d: {  	[spmem:s2] =	stream.indirect.scatter.add.f32 [tilespmem:s23], [sflag:$0x3], $0x80, s21, s22, $0xb8;
	[tilespmem:$0x18B00] =	vst v63  }
0x3e: {  	_ =	swait.ge [sflag:s20], $0x2800  }
0x3f: {  	[sflag:s20] =	ssyncset.done $0x0  }
0x40: {  	s8 =	sadd.s32 $0x0, s17;
	[sflag:s20] =	ssyncadd.s32 $0xFFFFD800  }
0x41: {  	[tilespmem:s3], [sflag:$0x3] =	stream.linear.gather [hbm4b:s8+s3], $0x50, $0x38;
	[tilespmem:$0x18B00] =	vst v63  }
0x42: {  	_ =	swait.ge [sflag:s20], $0x50  }
0x43: {  	[sflag:s20] =	ssyncset.done $0x0  }
0x44: {  	s9 =	sadd.s32 $0x0, s16;
	[sflag:s20] =	ssyncadd.s32 $0xFFFFFFB0  }
0x45: {  	[tilespmem:s21], [sflag:$0x3] =	stream.linear.gather [hbm4b:s9+s3], $0x50, $0x38;
	[tilespmem:$0x18B00] =	vst v63  }
0x46: {  	_ =	swait.ge [sflag:s20], $0x50  }
0x47: {  	[sflag:s20] =	ssyncset.done $0x0  }
0x48: {  	[sflag:s20] =	ssyncadd.s32 $0xFFFFFFB0  }
0x49: {  	[tilespmem:s23], [sflag:$0x1] =	stream.indirect.gather [hbm4b:s1+s22], $0x80, s3, s22, $0xb8;
	[tilespmem:$0x18B00] =	vst v63  }
0x4a: {  	_ =	swait.ge [sflag:s29], $0x2800  }
0x4b: {  	[sflag:s29] =	ssyncset.done $0x0  }
0x4c: {  	[sflag:s29] =	ssyncadd.s32 $0xFFFFD800  }
0x4d: {  	[spmem:s2] =	stream.indirect.scatter.add.f32 [tilespmem:s26], [sflag:$0x3], $0x80, s25, s22, $0xb8;
	[tilespmem:$0x18B00] =	vst v63  }
0x4e: {  	_ =	swait.ge [sflag:s20], $0x2800  }
0x4f: {  	s4 =	simm.s32 $0x14;
	s5 =	simm.s32 $0x28;
	[sflag:s20] =	ssyncset.done $0x0  }
.LBB2_2:
0x50: {  	s8 =	sadd.s32 s4, s19  }
0x51: {  	[sflag:s20] =	ssyncadd.s32 $0xFFFFD800;
	s9 =	smov.u32 s5;
	s7 =	sadd.s32 $0x14, s5  }
0x52: {  	[tilespmem:s24], [sflag:$0x3] =	stream.linear.gather [hbm4b:s8+s3], $0x50, $0x38;
	[tilespmem:$0x18B00] =	vst v63  }
0x53: {  	p1 =	sne.s32 s5, $0x4D8;
	_ =	swait.ge [sflag:s20], $0x50  }
0x54: {  	[sflag:s20] =	ssyncset.done $0x0  }
0x55: {  	s5 =	sadd.s32 s4, s18;
	[sflag:s20] =	ssyncadd.s32 $0xFFFFFFB0  }
0x56: {  	[tilespmem:s25], [sflag:$0x3] =	stream.linear.gather [hbm4b:s5+s3], $0x50, $0x38;
	[tilespmem:$0x18B00] =	vst v63  }
0x57: {  	_ =	swait.ge [sflag:s20], $0x50  }
0x58: {  	[sflag:s20] =	ssyncset.done $0x0  }
0x59: {  	[sflag:s20] =	ssyncadd.s32 $0xFFFFFFB0  }
0x5a: {  	[tilespmem:s26], [sflag:$0x2] =	stream.indirect.gather [hbm4b:s1+s22], $0x80, s24, s22, $0xb8;
	[tilespmem:$0x18B00] =	vst v63  }
0x5b: {  	_ =	swait.ge [sflag:s28], $0x2800  }
0x5c: {  	[sflag:s28] =	ssyncset.done $0x0  }
0x5d: {  	[sflag:s28] =	ssyncadd.s32 $0xFFFFD800  }
0x5e: {  	[spmem:s2] =	stream.indirect.scatter.add.f32 [tilespmem:s23], [sflag:$0x3], $0x80, s21, s22, $0xb8;
	[tilespmem:$0x18B00] =	vst v63  }
0x5f: {  	_ =	swait.ge [sflag:s20], $0x2800  }
0x60: {  	[sflag:s20] =	ssyncset.done $0x0  }
0x61: {  	s5 =	sadd.s32 s4, s17;
	[sflag:s20] =	ssyncadd.s32 $0xFFFFD800  }
0x62: {  	[tilespmem:s3], [sflag:$0x3] =	stream.linear.gather [hbm4b:s5+s3], $0x50, $0x38;
	[tilespmem:$0x18B00] =	vst v63  }
0x63: {  	_ =	swait.ge [sflag:s20], $0x50  }
0x64: {  	[sflag:s20] =	ssyncset.done $0x0  }
0x65: {  	s5 =	sadd.s32 s4, s16;
	s4 =	smov.u32 s9;
	[sflag:s20] =	ssyncadd.s32 $0xFFFFFFB0  }
0x66: {  	[tilespmem:s21], [sflag:$0x3] =	stream.linear.gather [hbm4b:s5+s3], $0x50, $0x38;
	[tilespmem:$0x18B00] =	vst v63  }
0x67: {  	_ =	swait.ge [sflag:s20], $0x50  }
0x68: {  	[sflag:s20] =	ssyncset.done $0x0  }
0x69: {  	[sflag:s20] =	ssyncadd.s32 $0xFFFFFFB0  }
0x6a: {  	[tilespmem:s23], [sflag:$0x1] =	stream.indirect.gather [hbm4b:s1+s22], $0x80, s3, s22, $0xb8;
	[tilespmem:$0x18B00] =	vst v63  }
0x6b: {  	_ =	swait.ge [sflag:s29], $0x2800  }
.Ltmp0:
0x6c: {  	[sflag:s29] =	ssyncset.done $0x0;
	(pc) =	sbr.rel @p1 .LBB2_2-.Ltmp0, $4  }
0x6d: {  	[sflag:s29] =	ssyncadd.s32 $0xFFFFD800  }
0x6e: {  	[spmem:s2] =	stream.indirect.scatter.add.f32 [tilespmem:s26], [sflag:$0x3], $0x80, s25, s22, $0xb8;
	[tilespmem:$0x18B00] =	vst v63  }
0x6f: {  	_ =	swait.ge [sflag:s20], $0x2800  }
0x70: {  	s5 =	smov.u32 s7;
	[sflag:s20] =	ssyncset.done $0x0  }
0x71: {  	s5 =	sadd.s32 s4, s19;
	[sflag:s20] =	ssyncadd.s32 $0xFFFFD800  }
0x72: {  	[tilespmem:s24], [sflag:$0x3] =	stream.linear.gather [hbm4b:s5+s3], $0x50, $0x38;
	[tilespmem:$0x18B00] =	vst v63  }
0x73: {  	_ =	swait.ge [sflag:s20], $0x50  }
0x74: {  	[sflag:s20] =	ssyncset.done $0x0  }
0x75: {  	s7 =	sadd.s32 s4, s18;
	[sflag:s20] =	ssyncadd.s32 $0xFFFFFFB0  }
0x76: {  	[tilespmem:s25], [sflag:$0x3] =	stream.linear.gather [hbm4b:s7+s3], $0x50, $0x38;
	[tilespmem:$0x18B00] =	vst v63  }
0x77: {  	_ =	swait.ge [sflag:s20], $0x50  }
0x78: {  	[sflag:s20] =	ssyncset.done $0x0  }
0x79: {  	[sflag:s20] =	ssyncadd.s32 $0xFFFFFFB0  }
0x7a: {  	[tilespmem:s26], [sflag:$0x2] =	stream.indirect.gather [hbm4b:s1+s22], $0x80, s24, s22, $0xb8;
	[tilespmem:$0x18B00] =	vst v63  }
0x7b: {  	_ =	swait.ge [sflag:s28], $0x2800  }
0x7c: {  	[sflag:s28] =	ssyncset.done $0x0  }
0x7d: {  	[sflag:s28] =	ssyncadd.s32 $0xFFFFD800  }
0x7e: {  	[spmem:s2] =	stream.indirect.scatter.add.f32 [tilespmem:s23], [sflag:$0x3], $0x80, s21, s22, $0xb8;
	[tilespmem:$0x18B00] =	vst v63  }
0x7f: {  	_ =	swait.ge [sflag:s20], $0x2800  }
0x80: {  	[sflag:s20] =	ssyncset.done $0x0  }
0x81: {  	s8 =	sadd.s32 s4, s17;
	[sflag:s20] =	ssyncadd.s32 $0xFFFFD800  }
0x82: {  	[tilespmem:s3], [sflag:$0x3] =	stream.linear.gather [hbm4b:s8+s3], $0x50, $0x38;
	[tilespmem:$0x18B00] =	vst v63  }
0x83: {  	_ =	swait.ge [sflag:s20], $0x50  }
0x84: {  	[sflag:s20] =	ssyncset.done $0x0  }
0x85: {  	s9 =	sadd.s32 s4, s16;
	[sflag:s20] =	ssyncadd.s32 $0xFFFFFFB0  }
0x86: {  	[tilespmem:s21], [sflag:$0x3] =	stream.linear.gather [hbm4b:s9+s3], $0x50, $0x38;
	[tilespmem:$0x18B00] =	vst v63  }
0x87: {  	_ =	swait.ge [sflag:s20], $0x50  }
0x88: {  	[sflag:s20] =	ssyncset.done $0x0  }
0x89: {  	[sflag:s20] =	ssyncadd.s32 $0xFFFFFFB0  }
0x8a: {  	[tilespmem:s23], [sflag:$0x1] =	stream.indirect.gather [hbm4b:s1+s22], $0x80, s3, s22, $0xb8;
	[tilespmem:$0x18B00] =	vst v63  }
0x8b: {  	_ =	swait.ge [sflag:s29], $0x2800  }
0x8c: {  	[sflag:s29] =	ssyncset.done $0x0  }
0x8d: {  	[sflag:s29] =	ssyncadd.s32 $0xFFFFD800  }
0x8e: {  	[spmem:s2] =	stream.indirect.scatter.add.f32 [tilespmem:s26], [sflag:$0x3], $0x80, s25, s22, $0xb8;
	[tilespmem:$0x18B00] =	vst v63  }
0x8f: {  	_ =	swait.ge [sflag:s20], $0x2800  }
0x90: {  	[sflag:s20] =	ssyncset.done $0x0  }
0x91: {  	[sflag:s20] =	ssyncadd.s32 $0xFFFFD800  }
0x92: {  	[tilespmem:s24], [sflag:$0x3] =	stream.linear.gather [hbm4b:s11+s3], $0x50, $0x38;
	[tilespmem:$0x18B00] =	vst v63  }
0x93: {  	_ =	swait.ge [sflag:s20], $0x50  }
0x94: {  	[sflag:s20] =	ssyncset.done $0x0  }
0x95: {  	[sflag:s20] =	ssyncadd.s32 $0xFFFFFFB0  }
0x96: {  	[tilespmem:s25], [sflag:$0x3] =	stream.linear.gather [hbm4b:s12+s3], $0x50, $0x38;
	[tilespmem:$0x18B00] =	vst v63  }
0x97: {  	_ =	swait.ge [sflag:s20], $0x50  }
0x98: {  	[sflag:s20] =	ssyncset.done $0x0  }
0x99: {  	[sflag:s20] =	ssyncadd.s32 $0xFFFFFFB0  }
0x9a: {  	[tilespmem:s26], [sflag:$0x2] =	stream.indirect.gather [hbm4b:s1+s22], $0x80, s24, s22, $0xb8;
	[tilespmem:$0x18B00] =	vst v63  }
0x9b: {  	_ =	swait.ge [sflag:s28], $0x2800  }
0x9c: {  	[sflag:s28] =	ssyncset.done $0x0  }
0x9d: {  	[sflag:s28] =	ssyncadd.s32 $0xFFFFD800  }
0x9e: {  	[spmem:s2] =	stream.indirect.scatter.add.f32 [tilespmem:s23], [sflag:$0x3], $0x80, s21, s22, $0xb8;
	[tilespmem:$0x18B00] =	vst v63  }
0x9f: {  	_ =	swait.ge [sflag:s20], $0x2800  }
0xa0: {  	[sflag:s20] =	ssyncset.done $0x0  }
0xa1: {  	[sflag:s20] =	ssyncadd.s32 $0xFFFFD800  }
0xa2: {  	_ =	swait.ge [sflag:s29], $0x2800  }
0xa3: {  	[sflag:s29] =	ssyncset.done $0x0  }
0xa4: {  	[sflag:s29] =	ssyncadd.s32 $0xFFFFD800  }
0xa5: {  	[spmem:s2] =	stream.indirect.scatter.add.f32 [tilespmem:s26], [sflag:$0x3], $0x80, s25, s22, $0xb8;
	[tilespmem:$0x18B00] =	vst v63  }
0xa6: {  	_ =	swait.ge [sflag:s20], $0x2800  }
0xa7: {  	[sflag:s20] =	ssyncset.done $0x0  }
0xa8: {  	[sflag:s20] =	ssyncadd.s32 $0xFFFFD800  }
0xa9: {  	[bflag:$0x0] =	sbarrier.arrive $0xFFFF  }
0xaa: {  	[hbm:s13], [sflag:s6] =	dma.local [spmem:s31], $0x2700  }
0xab: {  	_ =	swait.ge [sflag:s20], $0x2700  }
0xac: {  	s30 =	sadd.s32 $0x1, s30;
	[sflag:s20] =	ssyncset.done $0x0  }
0xad: {  	p1 =	sne.s32 s30, s15;
	[sflag:s20] =	ssyncadd.s32 $0xFFFFD900  }
0xae: {  	[hbm:s14], [sflag:s6] =	dma.local @!p0 [spmem:s0], $0x100  }
.Ltmp1:
0xaf: {  	_ = 	snop;
	(pc) =	sbr.rel @p1 .LBB2_1-.Ltmp1, $4  }
0xb0: {  	s0 =	simm.s32 @!p0 $0x3  }
0xb1: {  	_ =	swait.ge @!p0 [sflag:s0], $0x100  }
0xb2: {  	[sflag:s0] =	ssyncset.done @!p0 $0x0  }
0xb3: {  	[sflag:s0] =	ssyncadd.s32 @!p0 $0xFFFFFF00  }
0xb4: {  	_ =	sfence.sel $0x180000  }
0xb5: {  	[bflag:$0x0] =	sbarrier.arrive $0xFFFF  }
0xb6: {  	_ =	strace $0x90000047  }
0xb7: {  	[bflag:$0x2] =	sbarrier.arrive $0xFFFF  }
0xb8: {  	s0 =	rddreg [dreg:$0x3]  }
0xb9: {  	s0 =	sadd.s32 @!p0 $0x100000, s0  }
0xba: {  	[sflag:s0] =	ssyncadd.tile.s32 @!p0 $0x1;
	_ =	shalt  }
.Lfunc_end2:
_tile_overlayer_lowered:
.L_overlay_start_2:
0xbb: {  	(tag) =	ssettag $0x2  }
0xbc: {  	s0 =	rddreg [dreg:$0x0];
	s2 =	stileid.u32  }
0xbd: {  	s1 =	rddreg [dreg:$0x1];
	p0 =	sne.s32 s2, $0x0  }
0xbe: {  	s3 =	rddreg [dreg:$0x2];
	[bflag:$0x3] =	sbarrier.arrive $0xFFFF;
	s2 =	simm.s32 @!p0 $0x1C03  }
0xbf: {  	[timem:s3], [sflag:s2] =	dma.local @!p0 [hbm:s0], s1  }
0xc0: {  	s0 =	simm.s32 @!p0 $0x3  }
0xc1: {  	_ =	swait.ge @!p0 [sflag:s0], s1  }
0xc2: {  	s1 =	ssub.s32 @!p0 $0x0, s1;
	[sflag:s0] =	ssyncset.done @!p0 $0x0  }
0xc3: {  	[sflag:s0] =	ssyncadd.s32 @!p0 s1  }
0xc4: {  	[bflag:$0x3] =	sbarrier.arrive $0xFFFF  }
0xc5: {  	_ =	shalt  }

</sc_bundles>
